<compile_context>
chip_gen: v7x
topology: tpu7x:2x2x1
jax: 0.10.2.dev20260603
libtpu: 0.0.44.dev20260713+nightly
codegen_flags: <defaults>
</compile_context>

<pallas_src>
import functools

import jax
import jax.numpy as jnp
from jax import lax
from jax.experimental import pallas as pl
from jax.experimental.pallas import tpu as pltpu
from jax.experimental.pallas import tpu_sc as plsc

N = 10000
E = 320000
FIN = 128
NH = 8
FOUT = 16
NHF = NH * FOUT
HF = NHF // 2
NHC = NH // 2

NC = 2
NS = 16
L = 16
EPT = E // NS
CH = 200
NCHUNK = EPT // CH
NP = 10240
RPT = NP // NS


def _tc1_body(x_ref, wpt_ref, wst_ref, ma_ref, mb_ref,
              proj_ref, ta_ref, tb_ref, skip_ref, s_ref):
    x = x_ref[...]
    proj = jnp.dot(x, wpt_ref[...], preferred_element_type=jnp.float32)
    proj_ref[0] = proj[:, 0:HF]
    proj_ref[1] = proj[:, HF:NHF]
    ta = jnp.dot(proj, ma_ref[...], preferred_element_type=jnp.float32)
    tb = jnp.dot(proj, mb_ref[...], preferred_element_type=jnp.float32)
    ta_ref[...] = ta
    tb_ref[...] = tb
    skip_ref[...] = jnp.dot(x, wst_ref[...], preferred_element_type=jnp.float32)
    mv = jnp.max(ta) + jnp.max(tb)
    s = jnp.where(mv >= 0, mv, 0.2 * mv)
    s_ref[...] = jnp.full((8, 128), s, jnp.float32)


_tc1 = pl.pallas_call(
    _tc1_body,
    out_shape=[
        jax.ShapeDtypeStruct((NC, N, HF), jnp.float32),
        jax.ShapeDtypeStruct((N, L), jnp.float32),
        jax.ShapeDtypeStruct((N, L), jnp.float32),
        jax.ShapeDtypeStruct((N, NHF), jnp.float32),
        jax.ShapeDtypeStruct((8, 128), jnp.float32),
    ],
)


def _sc_body(src_hbm, trg_hbm, srcp_hbm, ta_hbm, tb_hbm, proj_hbm, svec_hbm,
             z64_hbm, z16_hbm, acc_out, den_out,
             src_v, trg_v, srcp_v, ra_v, rb_v, pr_v, w_v, wf_v, s_v,
             acc_sh, den_sh, sem_g0, sem_g1, sem_p0, sem_p1,
             sem_a0, sem_a1, sem_d0, sem_d1):
    cid = lax.axis_index("c")
    sid = lax.axis_index("s")

    r0 = sid * RPT
    pltpu.sync_copy(z64_hbm.at[pl.ds(r0, RPT)], acc_sh.at[pl.ds(r0, RPT)])
    pltpu.sync_copy(z16_hbm.at[pl.ds(r0, RPT)], den_sh.at[pl.ds(r0, RPT)])
    pltpu.sync_copy(svec_hbm, s_v)
    plsc.subcore_barrier()

    s = s_v[...]
    hl0 = cid * NHC
    head_idx = [jnp.full((L,), h, jnp.int32) for h in range(NH)]

    def sems(b):
        if b == 0:
            return (sem_g0, sem_p0, sem_a0, sem_d0)
        return (sem_g1, sem_p1, sem_a1, sem_d1)

    def prefetch(k, b):
        sg, sp, sa, sd = sems(b)

        @pl.when(k >= 2)
        def _():
            pltpu.make_async_copy(pr_v.at[b], acc_sh.at[trg_v.at[b]],
                                  sa).wait()

            @pl.when(cid == 0)
            def _():
                pltpu.make_async_copy(w_v.at[b], den_sh.at[trg_v.at[b]],
                                      sd).wait()

        base = sid * EPT + k * CH
        pltpu.sync_copy(src_hbm.at[pl.ds(base, CH)], src_v.at[b])
        pltpu.sync_copy(trg_hbm.at[pl.ds(base, CH)], trg_v.at[b])
        pltpu.sync_copy(srcp_hbm.at[pl.ds(cid * E + base, CH)], srcp_v.at[b])
        pltpu.async_copy(ta_hbm.at[src_v.at[b]], ra_v.at[b], sg)
        pltpu.async_copy(tb_hbm.at[trg_v.at[b]], rb_v.at[b], sg)
        pltpu.async_copy(proj_hbm.at[srcp_v.at[b]], pr_v.at[b], sp)

    def process(k, b):
        sg, sp, sa, sd = sems(b)
        pltpu.make_async_copy(ta_hbm.at[src_v.at[b]], ra_v.at[b], sg).wait()
        pltpu.make_async_copy(tb_hbm.at[trg_v.at[b]], rb_v.at[b], sg).wait()
        pltpu.make_async_copy(proj_hbm.at[srcp_v.at[b]], pr_v.at[b], sp).wait()

        @pl.when(k + 1 < NCHUNK)
        def _():
            prefetch(k + 1, 1 - b)

        @plsc.parallel_loop(0, CH, unroll=8)
        def _(i):
            v = ra_v[b, i] + rb_v[b, i]
            v = jnp.where(v >= 0, v, 0.2 * v)
            w = jnp.exp(v - s)
            w_v[b, i] = w
            wf_v[b, pl.ds(i * L, L)] = w

        @plsc.parallel_loop(0, CH, unroll=8)
        def _(i):
            base_i = jnp.full((L,), i * L, jnp.int32)
            for h in range(NHC):
                wb = plsc.load_gather(wf_v.at[b],
                                      [base_i + head_idx[h] + hl0])
                sl = pl.ds(h * L, L)
                pr_v[b, i, sl] = pr_v[b, i, sl] * wb

        @pl.when(cid == 0)
        def _():
            pltpu.async_copy(w_v.at[b], den_sh.at[trg_v.at[b]], sd, add=True)

        pltpu.async_copy(pr_v.at[b], acc_sh.at[trg_v.at[b]], sa, add=True)

    prefetch(0, 0)

    def pair_body(p, carry):
        process(2 * p, 0)
        process(2 * p + 1, 1)
        return carry

    lax.fori_loop(0, NCHUNK // 2, pair_body, 0)

    for b in (0, 1):
        sg, sp, sa, sd = sems(b)
        pltpu.make_async_copy(pr_v.at[b], acc_sh.at[trg_v.at[b]], sa).wait()

        @pl.when(cid == 0)
        def _():
            pltpu.make_async_copy(w_v.at[b], den_sh.at[trg_v.at[b]],
                                  sd).wait()

    plsc.subcore_barrier()
    pltpu.sync_copy(acc_sh.at[pl.ds(r0, RPT)],
                    acc_out.at[cid, pl.ds(r0, RPT)])

    @pl.when(cid == 0)
    def _():
        pltpu.sync_copy(den_sh.at[pl.ds(r0, RPT)], den_out.at[pl.ds(r0, RPT)])


_sc = functools.partial(
    pl.kernel,
    out_type=[
        jax.ShapeDtypeStruct((NC, NP, HF), jnp.float32),
        jax.ShapeDtypeStruct((NP, L), jnp.float32),
    ],
    mesh=plsc.VectorSubcoreMesh(
        core_axis_name="c", subcore_axis_name="s",
        num_cores=NC, num_subcores=NS),
    compiler_params=pltpu.CompilerParams(
        needs_layout_passes=False, use_tc_tiling_on_sc=False),
    scratch_types=[
        pltpu.VMEM((2, CH), jnp.int32),
        pltpu.VMEM((2, CH), jnp.int32),
        pltpu.VMEM((2, CH), jnp.int32),
        pltpu.VMEM((2, CH, L), jnp.float32),
        pltpu.VMEM((2, CH, L), jnp.float32),
        pltpu.VMEM((2, CH, HF), jnp.float32),
        pltpu.VMEM((2, CH, L), jnp.float32),
        pltpu.VMEM((2, CH * L), jnp.float32),
        pltpu.VMEM((L,), jnp.float32),
        pltpu.VMEM_SHARED((NP, HF), jnp.float32),
        pltpu.VMEM_SHARED((NP, L), jnp.float32),
        pltpu.SemaphoreType.DMA,
        pltpu.SemaphoreType.DMA,
        pltpu.SemaphoreType.DMA,
        pltpu.SemaphoreType.DMA,
        pltpu.SemaphoreType.DMA,
        pltpu.SemaphoreType.DMA,
        pltpu.SemaphoreType.DMA,
        pltpu.SemaphoreType.DMA,
    ],
)(_sc_body)


def _tc2_body(acc_ref, den_ref, skip_ref, ex_ref, out_ref):
    acc = jnp.concatenate([acc_ref[0, 0:N], acc_ref[1, 0:N]], axis=1)
    den = den_ref[0:N, 0:NH]
    den128 = jnp.dot(den, ex_ref[...], preferred_element_type=jnp.float32)
    out = acc / (den128 + 1e-16) + skip_ref[...]
    out_ref[...] = jnp.where(out > 0, out, jnp.exp(jnp.minimum(out, 0.0)) - 1.0)


_tc2 = pl.pallas_call(
    _tc2_body,
    out_shape=jax.ShapeDtypeStruct((N, NHF), jnp.float32),
)


def kernel(x, edge_index, W_proj, W_skip, a_src, a_trg):
    hh = jnp.arange(NHF, dtype=jnp.int32) // FOUT
    dup = (jnp.arange(L, dtype=jnp.int32)[None, :] % NH) == hh[:, None]
    ma = a_src.reshape(NHF)[:, None] * dup.astype(jnp.float32)
    mb = a_trg.reshape(NHF)[:, None] * dup.astype(jnp.float32)
    ex = (jnp.arange(NHF, dtype=jnp.int32)[None, :] // FOUT
          == jnp.arange(NH, dtype=jnp.int32)[:, None]).astype(jnp.float32)

    proj2, ta, tb, skip, s_splat = _tc1(x, W_proj.T, W_skip.T, ma, mb)
    svec = s_splat[0, 0:L]

    src = edge_index[0]
    trg = edge_index[1]
    srcp = jnp.concatenate([src, src + N])
    proj_flat = proj2.reshape(NC * N, HF)
    z64 = jnp.zeros((NP, HF), jnp.float32)
    z16 = jnp.zeros((NP, L), jnp.float32)
    acc, den = _sc(src, trg, srcp, ta, tb, proj_flat, svec, z64, z16)

    out = _tc2(acc, den, skip, ex)
    return (out, edge_index)

# --- scband reference (transcript-rebuilt; emitter-appended) ---
"""Pipeline reference for scband-gatlayer-3341484556623 (READ-ONLY COPY).

The authoritative reference and input builder live on the scoring server;
editing this copy changes nothing except your own understanding.
"""

import jax, jax.numpy as jnp
import numpy as np

N = 10000
E = 320000
FIN = 128
NH = 8
FOUT = 16

def _xavier_uniform(key, shape):
    if len(shape) == 2:
        fan_out, fan_in = shape
    else:
        # scoring params (1, NH, FOUT): torch treats fan_in=FOUT, fan_out=NH*FOUT? use receptive-field conv conv.
        fan_in = shape[-1]
        fan_out = shape[-2] * shape[-1]
    bound = float(np.sqrt(6.0 / (fan_in + fan_out)))
    return jax.random.uniform(key, shape, dtype=jnp.float32, minval=-bound, maxval=bound)

def setup_inputs(seed: int = 0) -> dict:
    key = jax.random.key(seed)
    k1, k2, k3, k4, k5, k6 = jax.random.split(key, 6)
    x = jax.random.normal(k1, (N, FIN), dtype=jnp.float32)
    edge_index = jax.random.randint(k2, (2, E), 0, N, dtype=jnp.int32)
    W_proj = _xavier_uniform(k3, (NH * FOUT, FIN))
    W_skip = _xavier_uniform(k4, (NH * FOUT, FIN))
    a_src = _xavier_uniform(k5, (1, NH, FOUT))
    a_trg = _xavier_uniform(k6, (1, NH, FOUT))
    return {"x": x, "edge_index": edge_index, "W_proj": W_proj, "W_skip": W_skip, "a_src": a_src, "a_trg": a_trg}

def _leaky_relu(v):
    return jnp.where(v >= 0, v, 0.2 * v)

def reference(x, edge_index, W_proj, W_skip, a_src, a_trg):
    # dropout is identity in eval/reference mode
    num_nodes = x.shape[0]
    proj = (x @ W_proj.T).reshape(-1, NH, FOUT)                      # [N, NH, FOUT]
    scores_source = jnp.sum(proj * a_src, axis=-1)                   # [N, NH]
    scores_target = jnp.sum(proj * a_trg, axis=-1)                   # [N, NH]
    src = edge_index[0]
    trg = edge_index[1]
    # lift
    s_src = jnp.take(scores_source, src, axis=0)                     # [E, NH]
    s_trg = jnp.take(scores_target, trg, axis=0)                     # [E, NH]
    proj_lifted = jnp.take(proj, src, axis=0)                        # [E, NH, FOUT]
    scores_per_edge = _leaky_relu(s_src + s_trg)
    # neighborhood-aware softmax
    scores_per_edge = scores_per_edge - jnp.max(scores_per_edge)
    exp_scores = jnp.exp(scores_per_edge)                            # [E, NH]
    neigh_sums = jnp.zeros((num_nodes, NH), dtype=exp_scores.dtype).at[trg].add(exp_scores)
    attn = exp_scores / (jnp.take(neigh_sums, trg, axis=0) + 1e-16)  # [E, NH]
    attn = attn[..., None]                                           # [E, NH, 1]
    weighted = proj_lifted * attn                                    # [E, NH, FOUT]
    out = jnp.zeros((num_nodes, NH, FOUT), dtype=x.dtype).at[trg].add(weighted)
    # skip connection (FIN != FOUT -> skip_proj) and concat heads
    out = out + (x @ W_skip.T).reshape(-1, NH, FOUT)
    out = out.reshape(-1, NH * FOUT)
    out = jax.nn.elu(out)
    return (out, edge_index)

if __name__ == "__main__":
    import jax
    _d = setup_inputs()
    print(jax.jit(kernel)(*tuple(_d.values())))

</pallas_src>

<mosaic_0001>
#map = affine_map<(d0, d1) -> (0)>
#map1 = affine_map<(d0, d1) -> (0, 0)>
#map2 = affine_map<(d0, d1) -> (0, 0, 0)>
module attributes {stable_mosaic.version = 14 : i64} {
  func.func @_sc_body(%arg0: i32, %arg1: i32, %arg2: memref<320000xi32, #tpu.memory_space<hbm>>, %arg3: memref<320000xi32, #tpu.memory_space<hbm>>, %arg4: memref<640000xi32, #tpu.memory_space<hbm>>, %arg5: memref<10000x16xf32, #tpu.memory_space<hbm>>, %arg6: memref<10000x16xf32, #tpu.memory_space<hbm>>, %arg7: memref<20000x64xf32, #tpu.memory_space<hbm>>, %arg8: memref<16xf32, #tpu.memory_space<hbm>>, %arg9: memref<10240x64xf32, #tpu.memory_space<hbm>>, %arg10: memref<10240x16xf32, #tpu.memory_space<hbm>>, %arg11: memref<2x10240x64xf32, #tpu.memory_space<hbm>>, %arg12: memref<10240x16xf32, #tpu.memory_space<hbm>>, %arg13: memref<2x200xi32, #tpu.memory_space<vmem>>, %arg14: memref<2x200xi32, #tpu.memory_space<vmem>>, %arg15: memref<2x200xi32, #tpu.memory_space<vmem>>, %arg16: memref<2x200x16xf32, #tpu.memory_space<vmem>>, %arg17: memref<2x200x16xf32, #tpu.memory_space<vmem>>, %arg18: memref<2x200x64xf32, #tpu.memory_space<vmem>>, %arg19: memref<2x200x16xf32, #tpu.memory_space<vmem>>, %arg20: memref<2x3200xf32, #tpu.memory_space<vmem>>, %arg21: memref<16xf32, #tpu.memory_space<vmem>>, %arg22: memref<10240x64xf32, #tpu.memory_space<vmem_shared>>, %arg23: memref<10240x16xf32, #tpu.memory_space<vmem_shared>>, %arg24: memref<!tpu.dma_semaphore, #tpu.memory_space<semaphore_mem>>, %arg25: memref<!tpu.dma_semaphore, #tpu.memory_space<semaphore_mem>>, %arg26: memref<!tpu.dma_semaphore, #tpu.memory_space<semaphore_mem>>, %arg27: memref<!tpu.dma_semaphore, #tpu.memory_space<semaphore_mem>>, %arg28: memref<!tpu.dma_semaphore, #tpu.memory_space<semaphore_mem>>, %arg29: memref<!tpu.dma_semaphore, #tpu.memory_space<semaphore_mem>>, %arg30: memref<!tpu.dma_semaphore, #tpu.memory_space<semaphore_mem>>, %arg31: memref<!tpu.dma_semaphore, #tpu.memory_space<semaphore_mem>>) attributes {dimension_semantics = [#tpu.dimension_semantics<core_parallel>, #tpu.dimension_semantics<subcore_parallel>], iteration_bounds = array<i64: 2, 16>, scalar_prefetch = 0 : i64, scratch_operands = 19 : i64, tpu.core_type = #tpu.core_type<sc_vector_subcore>, window_params = [{transform_indices = #map}, {transform_indices = #map}, {transform_indices = #map}, {transform_indices = #map1}, {transform_indices = #map1}, {transform_indices = #map1}, {transform_indices = #map}, {transform_indices = #map1}, {transform_indices = #map1}, {transform_indices = #map2}, {transform_indices = #map1}]} {
    %mul3A = arith.constant 640 : i32
    %mul3A_0 = arith.muli %arg1, %mul3A : i32
    "tpu.region"() ({
      %run_scoped3A_103 = tpu.sem_alloc : memref<!tpu.dma_semaphore, #tpu.memory_space<semaphore_mem>>
      %dma_start3A_104 = arith.constant 0 : i32
      %dma_start3A_105 = tpu.memref_slice %arg22[%mul3A_0, %dma_start3A_104] : memref<10240x64xf32, #tpu.memory_space<vmem_shared>> -> memref<640x64xf32, #tpu.memory_space<vmem_shared>>
      %dma_start3A_106 = arith.constant 0 : i32
      %dma_start3A_107 = tpu.memref_slice %arg9[%mul3A_0, %dma_start3A_106] : memref<10240x64xf32, #tpu.memory_space<hbm>> -> memref<640x64xf32, #tpu.memory_space<hbm>>
      tpu.enqueue_dma source(%dma_start3A_107 : memref<640x64xf32, #tpu.memory_space<hbm>>) target(%dma_start3A_105 : memref<640x64xf32, #tpu.memory_space<vmem_shared>>) target_semaphore(%run_scoped3A_103 : memref<!tpu.dma_semaphore, #tpu.memory_space<semaphore_mem>>)
      %dma_wait3A_108 = arith.constant 0 : i32
      %dma_wait3A_109 = tpu.memref_slice %arg22[%mul3A_0, %dma_wait3A_108] : memref<10240x64xf32, #tpu.memory_space<vmem_shared>> -> memref<640x64xf32, #tpu.memory_space<vmem_shared>>
      %dma_wait3A_110 = arith.constant 0 : i32
      %dma_wait3A_111 = tpu.memref_slice %arg9[%mul3A_0, %dma_wait3A_110] : memref<10240x64xf32, #tpu.memory_space<hbm>> -> memref<640x64xf32, #tpu.memory_space<hbm>>
      tpu.wait_dma2 semaphore(%run_scoped3A_103 : memref<!tpu.dma_semaphore, #tpu.memory_space<semaphore_mem>>) src(%dma_wait3A_111 : memref<640x64xf32, #tpu.memory_space<hbm>>) dst(%dma_wait3A_109 : memref<640x64xf32, #tpu.memory_space<vmem_shared>>)
      tpu.yield
    }) : () -> ()
    "tpu.region"() ({
      %run_scoped3A_103 = tpu.sem_alloc : memref<!tpu.dma_semaphore, #tpu.memory_space<semaphore_mem>>
      %dma_start3A_104 = arith.constant 0 : i32
      %dma_start3A_105 = tpu.memref_slice %arg23[%mul3A_0, %dma_start3A_104] : memref<10240x16xf32, #tpu.memory_space<vmem_shared>> -> memref<640x16xf32, #tpu.memory_space<vmem_shared>>
      %dma_start3A_106 = arith.constant 0 : i32
      %dma_start3A_107 = tpu.memref_slice %arg10[%mul3A_0, %dma_start3A_106] : memref<10240x16xf32, #tpu.memory_space<hbm>> -> memref<640x16xf32, #tpu.memory_space<hbm>>
      tpu.enqueue_dma source(%dma_start3A_107 : memref<640x16xf32, #tpu.memory_space<hbm>>) target(%dma_start3A_105 : memref<640x16xf32, #tpu.memory_space<vmem_shared>>) target_semaphore(%run_scoped3A_103 : memref<!tpu.dma_semaphore, #tpu.memory_space<semaphore_mem>>)
      %dma_wait3A_108 = arith.constant 0 : i32
      %dma_wait3A_109 = tpu.memref_slice %arg23[%mul3A_0, %dma_wait3A_108] : memref<10240x16xf32, #tpu.memory_space<vmem_shared>> -> memref<640x16xf32, #tpu.memory_space<vmem_shared>>
      %dma_wait3A_110 = arith.constant 0 : i32
      %dma_wait3A_111 = tpu.memref_slice %arg10[%mul3A_0, %dma_wait3A_110] : memref<10240x16xf32, #tpu.memory_space<hbm>> -> memref<640x16xf32, #tpu.memory_space<hbm>>
      tpu.wait_dma2 semaphore(%run_scoped3A_103 : memref<!tpu.dma_semaphore, #tpu.memory_space<semaphore_mem>>) src(%dma_wait3A_111 : memref<640x16xf32, #tpu.memory_space<hbm>>) dst(%dma_wait3A_109 : memref<640x16xf32, #tpu.memory_space<vmem_shared>>)
      tpu.yield
    }) : () -> ()
    "tpu.region"() ({
      %run_scoped3A_103 = tpu.sem_alloc : memref<!tpu.dma_semaphore, #tpu.memory_space<semaphore_mem>>
      tpu.enqueue_dma source(%arg8 : memref<16xf32, #tpu.memory_space<hbm>>) target(%arg21 : memref<16xf32, #tpu.memory_space<vmem>>) target_semaphore(%run_scoped3A_103 : memref<!tpu.dma_semaphore, #tpu.memory_space<semaphore_mem>>)
      tpu.wait_dma2 semaphore(%run_scoped3A_103 : memref<!tpu.dma_semaphore, #tpu.memory_space<semaphore_mem>>) src(%arg8 : memref<16xf32, #tpu.memory_space<hbm>>) dst(%arg21 : memref<16xf32, #tpu.memory_space<vmem>>)
      tpu.yield
    }) : () -> ()
    %barrier3A = arith.constant 0 : index
    tpu.barrier barrier_id(%barrier3A)
    %get3A = arith.constant 0 : index
    %get3A_1 = tpu.vector_load %arg21[%get3A] {strides = array<i32>} : memref<16xf32, #tpu.memory_space<vmem>>, vector<16xf32>,
    %mul3A_2 = arith.constant 4 : i32
    %mul3A_3 = arith.muli %arg0, %mul3A_2 : i32
    %broadcast_in_dim3A = arith.constant 0 : i32
    %broadcast_in_dim3A_4 = vector.broadcast %broadcast_in_dim3A : i32 to vector<16xi32>
    %broadcast_in_dim3A_5 = arith.constant 1 : i32
    %broadcast_in_dim3A_6 = vector.broadcast %broadcast_in_dim3A_5 : i32 to vector<16xi32>
    %broadcast_in_dim3A_7 = arith.constant 2 : i32
    %broadcast_in_dim3A_8 = vector.broadcast %broadcast_in_dim3A_7 : i32 to vector<16xi32>
    %broadcast_in_dim3A_9 = arith.constant 3 : i32
    %broadcast_in_dim3A_10 = vector.broadcast %broadcast_in_dim3A_9 : i32 to vector<16xi32>
    %broadcast_in_dim3A_11 = arith.constant 4 : i32
    %broadcast_in_dim3A_12 = vector.broadcast %broadcast_in_dim3A_11 : i32 to vector<16xi32>
    %broadcast_in_dim3A_13 = arith.constant 5 : i32
    %broadcast_in_dim3A_14 = vector.broadcast %broadcast_in_dim3A_13 : i32 to vector<16xi32>
    %broadcast_in_dim3A_15 = arith.constant 6 : i32
    %broadcast_in_dim3A_16 = vector.broadcast %broadcast_in_dim3A_15 : i32 to vector<16xi32>
    %broadcast_in_dim3A_17 = arith.constant 7 : i32
    %broadcast_in_dim3A_18 = vector.broadcast %broadcast_in_dim3A_17 : i32 to vector<16xi32>
    %mul3A_19 = arith.constant 20000 : i32
    %mul3A_20 = arith.muli %arg1, %mul3A_19 : i32
    %add3A = arith.constant 0 : i32
    %add3A_21 = arith.addi %mul3A_20, %add3A : i32
    %run_scoped3A = arith.constant 0 : i32
    "tpu.region"() ({
      %run_scoped3A_103 = tpu.sem_alloc : memref<!tpu.dma_semaphore, #tpu.memory_space<semaphore_mem>>
      %dma_start3A_104 = arith.constant 0 : i32
      %dma_start3A_105 = tpu.memref_slice %arg13[%run_scoped3A, %dma_start3A_104] : memref<2x200xi32, #tpu.memory_space<vmem>> -> memref<1x200xi32, #tpu.memory_space<vmem>>
      %dma_start3A_106 = tpu.memref_squeeze %dma_start3A_105 : memref<1x200xi32, #tpu.memory_space<vmem>> -> memref<200xi32, #tpu.memory_space<vmem>>
      %dma_start3A_107 = tpu.memref_slice %arg2[%add3A_21] : memref<320000xi32, #tpu.memory_space<hbm>> -> memref<200xi32, #tpu.memory_space<hbm>>
      %dma_start3A_108 = arith.constant 0 : i32
      %dma_start3A_109 = tpu.memref_slice %arg13[%run_scoped3A, %dma_start3A_108] : memref<2x200xi32, #tpu.memory_space<vmem>> -> memref<1x200xi32, #tpu.memory_space<vmem>>
      %dma_start3A_110 = tpu.memref_squeeze %dma_start3A_109 : memref<1x200xi32, #tpu.memory_space<vmem>> -> memref<200xi32, #tpu.memory_space<vmem>>
      %dma_start3A_111 = tpu.memref_slice %arg2[%add3A_21] : memref<320000xi32, #tpu.memory_space<hbm>> -> memref<200xi32, #tpu.memory_space<hbm>>
      tpu.enqueue_dma source(%dma_start3A_111 : memref<200xi32, #tpu.memory_space<hbm>>) target(%dma_start3A_110 : memref<200xi32, #tpu.memory_space<vmem>>) target_semaphore(%run_scoped3A_103 : memref<!tpu.dma_semaphore, #tpu.memory_space<semaphore_mem>>)
      %dma_wait3A_112 = arith.constant 0 : i32
      %dma_wait3A_113 = tpu.memref_slice %arg13[%run_scoped3A, %dma_wait3A_112] : memref<2x200xi32, #tpu.memory_space<vmem>> -> memref<1x200xi32, #tpu.memory_space<vmem>>
      %dma_wait3A_114 = tpu.memref_squeeze %dma_wait3A_113 : memref<1x200xi32, #tpu.memory_space<vmem>> -> memref<200xi32, #tpu.memory_space<vmem>>
      %dma_wait3A_115 = tpu.memref_slice %arg2[%add3A_21] : memref<320000xi32, #tpu.memory_space<hbm>> -> memref<200xi32, #tpu.memory_space<hbm>>
      %dma_wait3A_116 = arith.constant 0 : i32
      %dma_wait3A_117 = tpu.memref_slice %arg13[%run_scoped3A, %dma_wait3A_116] : memref<2x200xi32, #tpu.memory_space<vmem>> -> memref<1x200xi32, #tpu.memory_space<vmem>>
      %dma_wait3A_118 = tpu.memref_squeeze %dma_wait3A_117 : memref<1x200xi32, #tpu.memory_space<vmem>> -> memref<200xi32, #tpu.memory_space<vmem>>
      %dma_wait3A_119 = tpu.memref_slice %arg2[%add3A_21] : memref<320000xi32, #tpu.memory_space<hbm>> -> memref<200xi32, #tpu.memory_space<hbm>>
      tpu.wait_dma2 semaphore(%run_scoped3A_103 : memref<!tpu.dma_semaphore, #tpu.memory_space<semaphore_mem>>) src(%dma_wait3A_119 : memref<200xi32, #tpu.memory_space<hbm>>) dst(%dma_wait3A_118 : memref<200xi32, #tpu.memory_space<vmem>>)
      tpu.yield
    }) : () -> ()
    %run_scoped3A_22 = arith.constant 0 : i32
    "tpu.region"() ({
      %run_scoped3A_103 = tpu.sem_alloc : memref<!tpu.dma_semaphore, #tpu.memory_space<semaphore_mem>>
      %dma_start3A_104 = arith.constant 0 : i32
      %dma_start3A_105 = tpu.memref_slice %arg14[%run_scoped3A_22, %dma_start3A_104] : memref<2x200xi32, #tpu.memory_space<vmem>> -> memref<1x200xi32, #tpu.memory_space<vmem>>
      %dma_start3A_106 = tpu.memref_squeeze %dma_start3A_105 : memref<1x200xi32, #tpu.memory_space<vmem>> -> memref<200xi32, #tpu.memory_space<vmem>>
      %dma_start3A_107 = tpu.memref_slice %arg3[%add3A_21] : memref<320000xi32, #tpu.memory_space<hbm>> -> memref<200xi32, #tpu.memory_space<hbm>>
      %dma_start3A_108 = arith.constant 0 : i32
      %dma_start3A_109 = tpu.memref_slice %arg14[%run_scoped3A_22, %dma_start3A_108] : memref<2x200xi32, #tpu.memory_space<vmem>> -> memref<1x200xi32, #tpu.memory_space<vmem>>
      %dma_start3A_110 = tpu.memref_squeeze %dma_start3A_109 : memref<1x200xi32, #tpu.memory_space<vmem>> -> memref<200xi32, #tpu.memory_space<vmem>>
      %dma_start3A_111 = tpu.memref_slice %arg3[%add3A_21] : memref<320000xi32, #tpu.memory_space<hbm>> -> memref<200xi32, #tpu.memory_space<hbm>>
      tpu.enqueue_dma source(%dma_start3A_111 : memref<200xi32, #tpu.memory_space<hbm>>) target(%dma_start3A_110 : memref<200xi32, #tpu.memory_space<vmem>>) target_semaphore(%run_scoped3A_103 : memref<!tpu.dma_semaphore, #tpu.memory_space<semaphore_mem>>)
      %dma_wait3A_112 = arith.constant 0 : i32
      %dma_wait3A_113 = tpu.memref_slice %arg14[%run_scoped3A_22, %dma_wait3A_112] : memref<2x200xi32, #tpu.memory_space<vmem>> -> memref<1x200xi32, #tpu.memory_space<vmem>>
      %dma_wait3A_114 = tpu.memref_squeeze %dma_wait3A_113 : memref<1x200xi32, #tpu.memory_space<vmem>> -> memref<200xi32, #tpu.memory_space<vmem>>
      %dma_wait3A_115 = tpu.memref_slice %arg3[%add3A_21] : memref<320000xi32, #tpu.memory_space<hbm>> -> memref<200xi32, #tpu.memory_space<hbm>>
      %dma_wait3A_116 = arith.constant 0 : i32
      %dma_wait3A_117 = tpu.memref_slice %arg14[%run_scoped3A_22, %dma_wait3A_116] : memref<2x200xi32, #tpu.memory_space<vmem>> -> memref<1x200xi32, #tpu.memory_space<vmem>>
      %dma_wait3A_118 = tpu.memref_squeeze %dma_wait3A_117 : memref<1x200xi32, #tpu.memory_space<vmem>> -> memref<200xi32, #tpu.memory_space<vmem>>
      %dma_wait3A_119 = tpu.memref_slice %arg3[%add3A_21] : memref<320000xi32, #tpu.memory_space<hbm>> -> memref<200xi32, #tpu.memory_space<hbm>>
      tpu.wait_dma2 semaphore(%run_scoped3A_103 : memref<!tpu.dma_semaphore, #tpu.memory_space<semaphore_mem>>) src(%dma_wait3A_119 : memref<200xi32, #tpu.memory_space<hbm>>) dst(%dma_wait3A_118 : memref<200xi32, #tpu.memory_space<vmem>>)
      tpu.yield
    }) : () -> ()
    %mul3A_23 = arith.constant 320000 : i32
    %mul3A_24 = arith.muli %arg0, %mul3A_23 : i32
    %add3A_25 = arith.addi %mul3A_24, %add3A_21 : i32
    %run_scoped3A_26 = arith.constant 0 : i32
    "tpu.region"() ({
      %run_scoped3A_103 = tpu.sem_alloc : memref<!tpu.dma_semaphore, #tpu.memory_space<semaphore_mem>>
      %dma_start3A_104 = arith.constant 0 : i32
      %dma_start3A_105 = tpu.memref_slice %arg15[%run_scoped3A_26, %dma_start3A_104] : memref<2x200xi32, #tpu.memory_space<vmem>> -> memref<1x200xi32, #tpu.memory_space<vmem>>
      %dma_start3A_106 = tpu.memref_squeeze %dma_start3A_105 : memref<1x200xi32, #tpu.memory_space<vmem>> -> memref<200xi32, #tpu.memory_space<vmem>>
      %dma_start3A_107 = tpu.memref_slice %arg4[%add3A_25] : memref<640000xi32, #tpu.memory_space<hbm>> -> memref<200xi32, #tpu.memory_space<hbm>>
      %dma_start3A_108 = arith.constant 0 : i32
      %dma_start3A_109 = tpu.memref_slice %arg15[%run_scoped3A_26, %dma_start3A_108] : memref<2x200xi32, #tpu.memory_space<vmem>> -> memref<1x200xi32, #tpu.memory_space<vmem>>
      %dma_start3A_110 = tpu.memref_squeeze %dma_start3A_109 : memref<1x200xi32, #tpu.memory_space<vmem>> -> memref<200xi32, #tpu.memory_space<vmem>>
      %dma_start3A_111 = tpu.memref_slice %arg4[%add3A_25] : memref<640000xi32, #tpu.memory_space<hbm>> -> memref<200xi32, #tpu.memory_space<hbm>>
      tpu.enqueue_dma source(%dma_start3A_111 : memref<200xi32, #tpu.memory_space<hbm>>) target(%dma_start3A_110 : memref<200xi32, #tpu.memory_space<vmem>>) target_semaphore(%run_scoped3A_103 : memref<!tpu.dma_semaphore, #tpu.memory_space<semaphore_mem>>)
      %dma_wait3A_112 = arith.constant 0 : i32
      %dma_wait3A_113 = tpu.memref_slice %arg15[%run_scoped3A_26, %dma_wait3A_112] : memref<2x200xi32, #tpu.memory_space<vmem>> -> memref<1x200xi32, #tpu.memory_space<vmem>>
      %dma_wait3A_114 = tpu.memref_squeeze %dma_wait3A_113 : memref<1x200xi32, #tpu.memory_space<vmem>> -> memref<200xi32, #tpu.memory_space<vmem>>
      %dma_wait3A_115 = tpu.memref_slice %arg4[%add3A_25] : memref<640000xi32, #tpu.memory_space<hbm>> -> memref<200xi32, #tpu.memory_space<hbm>>
      %dma_wait3A_116 = arith.constant 0 : i32
      %dma_wait3A_117 = tpu.memref_slice %arg15[%run_scoped3A_26, %dma_wait3A_116] : memref<2x200xi32, #tpu.memory_space<vmem>> -> memref<1x200xi32, #tpu.memory_space<vmem>>
      %dma_wait3A_118 = tpu.memref_squeeze %dma_wait3A_117 : memref<1x200xi32, #tpu.memory_space<vmem>> -> memref<200xi32, #tpu.memory_space<vmem>>
      %dma_wait3A_119 = tpu.memref_slice %arg4[%add3A_25] : memref<640000xi32, #tpu.memory_space<hbm>> -> memref<200xi32, #tpu.memory_space<hbm>>
      tpu.wait_dma2 semaphore(%run_scoped3A_103 : memref<!tpu.dma_semaphore, #tpu.memory_space<semaphore_mem>>) src(%dma_wait3A_119 : memref<200xi32, #tpu.memory_space<hbm>>) dst(%dma_wait3A_118 : memref<200xi32, #tpu.memory_space<vmem>>)
      tpu.yield
    }) : () -> ()
    %dma_start3A = arith.constant 0 : i32
    %dma_start3A_27 = arith.constant 0 : i32
    %dma_start3A_28 = arith.constant 0 : i32
    %dma_start3A_29 = arith.constant 0 : i32
    %dma_start3A_30 = tpu.memref_slice %arg16[%dma_start3A_27, %dma_start3A_28, %dma_start3A_29] : memref<2x200x16xf32, #tpu.memory_space<vmem>> -> memref<1x200x16xf32, #tpu.memory_space<vmem>>
    %dma_start3A_31 = tpu.memref_squeeze %dma_start3A_30 : memref<1x200x16xf32, #tpu.memory_space<vmem>> -> memref<200x16xf32, #tpu.memory_space<vmem>>
    %dma_start3A_32 = arith.constant 0 : i32
    %dma_start3A_33 = tpu.memref_slice %arg13[%dma_start3A, %dma_start3A_32] : memref<2x200xi32, #tpu.memory_space<vmem>> -> memref<1x200xi32, #tpu.memory_space<vmem>>
    %dma_start3A_34 = tpu.memref_squeeze %dma_start3A_33 : memref<1x200xi32, #tpu.memory_space<vmem>> -> memref<200xi32, #tpu.memory_space<vmem>>
    %dma_start3A_35 = arith.constant 0 : i32
    %dma_start3A_36 = arith.constant 0 : i32
    %dma_start3A_37 = tpu.memref_slice %arg5[%dma_start3A_35, %dma_start3A_36] : memref<10000x16xf32, #tpu.memory_space<hbm>> -> memref<10000x16xf32, #tpu.memory_space<hbm>>
    tpu.enqueue_indirect_dma source(%dma_start3A_37 : memref<10000x16xf32, #tpu.memory_space<hbm>>) target(%dma_start3A_31 : memref<200x16xf32, #tpu.memory_space<vmem>>) offsets(%dma_start3A_34 : memref<200xi32, #tpu.memory_space<vmem>>) semaphore(%arg24 : memref<!tpu.dma_semaphore, #tpu.memory_space<semaphore_mem>>)
    %dma_start3A_38 = arith.constant 0 : i32
    %dma_start3A_39 = arith.constant 0 : i32
    %dma_start3A_40 = arith.constant 0 : i32
    %dma_start3A_41 = arith.constant 0 : i32
    %dma_start3A_42 = tpu.memref_slice %arg17[%dma_start3A_39, %dma_start3A_40, %dma_start3A_41] : memref<2x200x16xf32, #tpu.memory_space<vmem>> -> memref<1x200x16xf32, #tpu.memory_space<vmem>>
    %dma_start3A_43 = tpu.memref_squeeze %dma_start3A_42 : memref<1x200x16xf32, #tpu.memory_space<vmem>> -> memref<200x16xf32, #tpu.memory_space<vmem>>
    %dma_start3A_44 = arith.constant 0 : i32
    %dma_start3A_45 = tpu.memref_slice %arg14[%dma_start3A_38, %dma_start3A_44] : memref<2x200xi32, #tpu.memory_space<vmem>> -> memref<1x200xi32, #tpu.memory_space<vmem>>
    %dma_start3A_46 = tpu.memref_squeeze %dma_start3A_45 : memref<1x200xi32, #tpu.memory_space<vmem>> -> memref<200xi32, #tpu.memory_space<vmem>>
    %dma_start3A_47 = arith.constant 0 : i32
    %dma_start3A_48 = arith.constant 0 : i32
    %dma_start3A_49 = tpu.memref_slice %arg6[%dma_start3A_47, %dma_start3A_48] : memref<10000x16xf32, #tpu.memory_space<hbm>> -> memref<10000x16xf32, #tpu.memory_space<hbm>>
    tpu.enqueue_indirect_dma source(%dma_start3A_49 : memref<10000x16xf32, #tpu.memory_space<hbm>>) target(%dma_start3A_43 : memref<200x16xf32, #tpu.memory_space<vmem>>) offsets(%dma_start3A_46 : memref<200xi32, #tpu.memory_space<vmem>>) semaphore(%arg24 : memref<!tpu.dma_semaphore, #tpu.memory_space<semaphore_mem>>)
    %dma_start3A_50 = arith.constant 0 : i32
    %dma_start3A_51 = arith.constant 0 : i32
    %dma_start3A_52 = arith.constant 0 : i32
    %dma_start3A_53 = arith.constant 0 : i32
    %dma_start3A_54 = tpu.memref_slice %arg18[%dma_start3A_51, %dma_start3A_52, %dma_start3A_53] : memref<2x200x64xf32, #tpu.memory_space<vmem>> -> memref<1x200x64xf32, #tpu.memory_space<vmem>>
    %dma_start3A_55 = tpu.memref_squeeze %dma_start3A_54 : memref<1x200x64xf32, #tpu.memory_space<vmem>> -> memref<200x64xf32, #tpu.memory_space<vmem>>
    %dma_start3A_56 = arith.constant 0 : i32
    %dma_start3A_57 = tpu.memref_slice %arg15[%dma_start3A_50, %dma_start3A_56] : memref<2x200xi32, #tpu.memory_space<vmem>> -> memref<1x200xi32, #tpu.memory_space<vmem>>
    %dma_start3A_58 = tpu.memref_squeeze %dma_start3A_57 : memref<1x200xi32, #tpu.memory_space<vmem>> -> memref<200xi32, #tpu.memory_space<vmem>>
    %dma_start3A_59 = arith.constant 0 : i32
    %dma_start3A_60 = arith.constant 0 : i32
    %dma_start3A_61 = tpu.memref_slice %arg7[%dma_start3A_59, %dma_start3A_60] : memref<20000x64xf32, #tpu.memory_space<hbm>> -> memref<20000x64xf32, #tpu.memory_space<hbm>>
    tpu.enqueue_indirect_dma source(%dma_start3A_61 : memref<20000x64xf32, #tpu.memory_space<hbm>>) target(%dma_start3A_55 : memref<200x64xf32, #tpu.memory_space<vmem>>) offsets(%dma_start3A_58 : memref<200xi32, #tpu.memory_space<vmem>>) semaphore(%arg26 : memref<!tpu.dma_semaphore, #tpu.memory_space<semaphore_mem>>)
    %scan3A = arith.constant 0 : i32
    %scan3A_62 = arith.constant 0 : i32
    %scan3A_63 = arith.constant 50 : i32
    %scan3A_64 = arith.addi %scan3A_62, %scan3A_63 : i32
    %scan3A_65 = arith.constant 1 : i32
    scf.for %scan3A_103 = %scan3A_62 to %scan3A_64 step %scan3A_65  : i32 {
      %mul3A_104 = arith.constant 2 : i32
      %mul3A_105 = arith.muli %mul3A_104, %scan3A_103 : i32
      %dma_wait3A_106 = arith.constant 0 : i32
      %dma_wait3A_107 = arith.constant 0 : i32
      %dma_wait3A_108 = arith.constant 0 : i32
      %dma_wait3A_109 = arith.constant 0 : i32
      %dma_wait3A_110 = tpu.memref_slice %arg16[%dma_wait3A_107, %dma_wait3A_108, %dma_wait3A_109] : memref<2x200x16xf32, #tpu.memory_space<vmem>> -> memref<1x200x16xf32, #tpu.memory_space<vmem>>
      %dma_wait3A_111 = tpu.memref_squeeze %dma_wait3A_110 : memref<1x200x16xf32, #tpu.memory_space<vmem>> -> memref<200x16xf32, #tpu.memory_space<vmem>>
      %dma_wait3A_112 = arith.constant 0 : i32
      %dma_wait3A_113 = tpu.memref_slice %arg13[%dma_wait3A_106, %dma_wait3A_112] : memref<2x200xi32, #tpu.memory_space<vmem>> -> memref<1x200xi32, #tpu.memory_space<vmem>>
      %dma_wait3A_114 = tpu.memref_squeeze %dma_wait3A_113 : memref<1x200xi32, #tpu.memory_space<vmem>> -> memref<200xi32, #tpu.memory_space<vmem>>
      %dma_wait3A_115 = arith.constant 0 : i32
      %dma_wait3A_116 = arith.constant 0 : i32
      %dma_wait3A_117 = tpu.memref_slice %arg5[%dma_wait3A_115, %dma_wait3A_116] : memref<10000x16xf32, #tpu.memory_space<hbm>> -> memref<10000x16xf32, #tpu.memory_space<hbm>>
      tpu.wait_indirect_dma semaphore(%arg24 : memref<!tpu.dma_semaphore, #tpu.memory_space<semaphore_mem>>) src(%dma_wait3A_117 : memref<10000x16xf32, #tpu.memory_space<hbm>>) dst(%dma_wait3A_111 : memref<200x16xf32, #tpu.memory_space<vmem>>)
      %dma_wait3A_118 = arith.constant 0 : i32
      %dma_wait3A_119 = arith.constant 0 : i32
      %dma_wait3A_120 = arith.constant 0 : i32
      %dma_wait3A_121 = arith.constant 0 : i32
      %dma_wait3A_122 = tpu.memref_slice %arg17[%dma_wait3A_119, %dma_wait3A_120, %dma_wait3A_121] : memref<2x200x16xf32, #tpu.memory_space<vmem>> -> memref<1x200x16xf32, #tpu.memory_space<vmem>>
      %dma_wait3A_123 = tpu.memref_squeeze %dma_wait3A_122 : memref<1x200x16xf32, #tpu.memory_space<vmem>> -> memref<200x16xf32, #tpu.memory_space<vmem>>
      %dma_wait3A_124 = arith.constant 0 : i32
      %dma_wait3A_125 = tpu.memref_slice %arg14[%dma_wait3A_118, %dma_wait3A_124] : memref<2x200xi32, #tpu.memory_space<vmem>> -> memref<1x200xi32, #tpu.memory_space<vmem>>
      %dma_wait3A_126 = tpu.memref_squeeze %dma_wait3A_125 : memref<1x200xi32, #tpu.memory_space<vmem>> -> memref<200xi32, #tpu.memory_space<vmem>>
      %dma_wait3A_127 = arith.constant 0 : i32
      %dma_wait3A_128 = arith.constant 0 : i32
      %dma_wait3A_129 = tpu.memref_slice %arg6[%dma_wait3A_127, %dma_wait3A_128] : memref<10000x16xf32, #tpu.memory_space<hbm>> -> memref<10000x16xf32, #tpu.memory_space<hbm>>
      tpu.wait_indirect_dma semaphore(%arg24 : memref<!tpu.dma_semaphore, #tpu.memory_space<semaphore_mem>>) src(%dma_wait3A_129 : memref<10000x16xf32, #tpu.memory_space<hbm>>) dst(%dma_wait3A_123 : memref<200x16xf32, #tpu.memory_space<vmem>>)
      %dma_wait3A_130 = arith.constant 0 : i32
      %dma_wait3A_131 = arith.constant 0 : i32
      %dma_wait3A_132 = arith.constant 0 : i32
      %dma_wait3A_133 = arith.constant 0 : i32
      %dma_wait3A_134 = tpu.memref_slice %arg18[%dma_wait3A_131, %dma_wait3A_132, %dma_wait3A_133] : memref<2x200x64xf32, #tpu.memory_space<vmem>> -> memref<1x200x64xf32, #tpu.memory_space<vmem>>
      %dma_wait3A_135 = tpu.memref_squeeze %dma_wait3A_134 : memref<1x200x64xf32, #tpu.memory_space<vmem>> -> memref<200x64xf32, #tpu.memory_space<vmem>>
      %dma_wait3A_136 = arith.constant 0 : i32
      %dma_wait3A_137 = tpu.memref_slice %arg15[%dma_wait3A_130, %dma_wait3A_136] : memref<2x200xi32, #tpu.memory_space<vmem>> -> memref<1x200xi32, #tpu.memory_space<vmem>>
      %dma_wait3A_138 = tpu.memref_squeeze %dma_wait3A_137 : memref<1x200xi32, #tpu.memory_space<vmem>> -> memref<200xi32, #tpu.memory_space<vmem>>
      %dma_wait3A_139 = arith.constant 0 : i32
      %dma_wait3A_140 = arith.constant 0 : i32
      %dma_wait3A_141 = tpu.memref_slice %arg7[%dma_wait3A_139, %dma_wait3A_140] : memref<20000x64xf32, #tpu.memory_space<hbm>> -> memref<20000x64xf32, #tpu.memory_space<hbm>>
      tpu.wait_indirect_dma semaphore(%arg26 : memref<!tpu.dma_semaphore, #tpu.memory_space<semaphore_mem>>) src(%dma_wait3A_141 : memref<20000x64xf32, #tpu.memory_space<hbm>>) dst(%dma_wait3A_135 : memref<200x64xf32, #tpu.memory_space<vmem>>)
      %add3A_142 = arith.constant 1 : i32
      %add3A_143 = arith.addi %mul3A_105, %add3A_142 : i32
      %lt3A = arith.constant 100 : i32
      %lt3A_144 = arith.cmpi slt, %add3A_143, %lt3A : i32
      %convert_element_type3A_145 = arith.extui %lt3A_144 : i1 to i32
      %cond3A_146 = arith.constant 0 : i32
      %cond3A_147 = arith.cmpi ne, %convert_element_type3A_145, %cond3A_146 : i32
      scf.if %cond3A_147 {
        %add3A_240 = arith.constant 1 : i32
        %add3A_241 = arith.addi %mul3A_105, %add3A_240 : i32
        %ge3A = arith.constant 2 : i32
        %ge3A_242 = arith.cmpi sge, %add3A_241, %ge3A : i32
        %convert_element_type3A_243 = arith.extui %ge3A_242 : i1 to i32
        %cond3A_244 = arith.constant 0 : i32
        %cond3A_245 = arith.cmpi ne, %convert_element_type3A_243, %cond3A_244 : i32
        scf.if %cond3A_245 {
          %dma_wait3A_293 = arith.constant 1 : i32
          %dma_wait3A_294 = arith.constant 1 : i32
          %dma_wait3A_295 = arith.constant 0 : i32
          %dma_wait3A_296 = arith.constant 0 : i32
          %dma_wait3A_297 = tpu.memref_slice %arg18[%dma_wait3A_293, %dma_wait3A_295, %dma_wait3A_296] : memref<2x200x64xf32, #tpu.memory_space<vmem>> -> memref<1x200x64xf32, #tpu.memory_space<vmem>>
          %dma_wait3A_298 = tpu.memref_squeeze %dma_wait3A_297 : memref<1x200x64xf32, #tpu.memory_space<vmem>> -> memref<200x64xf32, #tpu.memory_space<vmem>>
          %dma_wait3A_299 = arith.constant 0 : i32
          %dma_wait3A_300 = tpu.memref_slice %arg14[%dma_wait3A_294, %dma_wait3A_299] : memref<2x200xi32, #tpu.memory_space<vmem>> -> memref<1x200xi32, #tpu.memory_space<vmem>>
          %dma_wait3A_301 = tpu.memref_squeeze %dma_wait3A_300 : memref<1x200xi32, #tpu.memory_space<vmem>> -> memref<200xi32, #tpu.memory_space<vmem>>
          %dma_wait3A_302 = arith.constant 0 : i32
          %dma_wait3A_303 = arith.constant 0 : i32
          %dma_wait3A_304 = tpu.memref_slice %arg22[%dma_wait3A_302, %dma_wait3A_303] : memref<10240x64xf32, #tpu.memory_space<vmem_shared>> -> memref<10240x64xf32, #tpu.memory_space<vmem_shared>>
          tpu.wait_indirect_dma semaphore(%arg29 : memref<!tpu.dma_semaphore, #tpu.memory_space<semaphore_mem>>) src(%dma_wait3A_298 : memref<200x64xf32, #tpu.memory_space<vmem>>) dst(%dma_wait3A_304 : memref<10240x64xf32, #tpu.memory_space<vmem_shared>>)
          %eq3A_305 = arith.constant 0 : i32
          %eq3A_306 = arith.cmpi eq, %arg0, %eq3A_305 : i32
          %convert_element_type3A_307 = arith.extui %eq3A_306 : i1 to i32
          %cond3A_308 = arith.constant 0 : i32
          %cond3A_309 = arith.cmpi ne, %convert_element_type3A_307, %cond3A_308 : i32
          scf.if %cond3A_309 {
            %dma_wait3A_310 = arith.constant 1 : i32
            %dma_wait3A_311 = arith.constant 1 : i32
            %dma_wait3A_312 = arith.constant 0 : i32
            %dma_wait3A_313 = arith.constant 0 : i32
            %dma_wait3A_314 = tpu.memref_slice %arg19[%dma_wait3A_310, %dma_wait3A_312, %dma_wait3A_313] : memref<2x200x16xf32, #tpu.memory_space<vmem>> -> memref<1x200x16xf32, #tpu.memory_space<vmem>>
            %dma_wait3A_315 = tpu.memref_squeeze %dma_wait3A_314 : memref<1x200x16xf32, #tpu.memory_space<vmem>> -> memref<200x16xf32, #tpu.memory_space<vmem>>
            %dma_wait3A_316 = arith.constant 0 : i32
            %dma_wait3A_317 = tpu.memref_slice %arg14[%dma_wait3A_311, %dma_wait3A_316] : memref<2x200xi32, #tpu.memory_space<vmem>> -> memref<1x200xi32, #tpu.memory_space<vmem>>
            %dma_wait3A_318 = tpu.memref_squeeze %dma_wait3A_317 : memref<1x200xi32, #tpu.memory_space<vmem>> -> memref<200xi32, #tpu.memory_space<vmem>>
            %dma_wait3A_319 = arith.constant 0 : i32
            %dma_wait3A_320 = arith.constant 0 : i32
            %dma_wait3A_321 = tpu.memref_slice %arg23[%dma_wait3A_319, %dma_wait3A_320] : memref<10240x16xf32, #tpu.memory_space<vmem_shared>> -> memref<10240x16xf32, #tpu.memory_space<vmem_shared>>
            tpu.wait_indirect_dma semaphore(%arg31 : memref<!tpu.dma_semaphore, #tpu.memory_space<semaphore_mem>>) src(%dma_wait3A_315 : memref<200x16xf32, #tpu.memory_space<vmem>>) dst(%dma_wait3A_321 : memref<10240x16xf32, #tpu.memory_space<vmem_shared>>)
          } else {
          }
        } else {
        }
        %mul3A_246 = arith.constant 20000 : i32
        %mul3A_247 = arith.muli %arg1, %mul3A_246 : i32
        %mul3A_248 = arith.constant 200 : i32
        %mul3A_249 = arith.muli %add3A_241, %mul3A_248 : i32
        %add3A_250 = arith.addi %mul3A_247, %mul3A_249 : i32
        %run_scoped3A_251 = arith.constant 1 : i32
        "tpu.region"() ({
          %run_scoped3A_293 = tpu.sem_alloc : memref<!tpu.dma_semaphore, #tpu.memory_space<semaphore_mem>>
          %dma_start3A_294 = arith.constant 0 : i32
          %dma_start3A_295 = tpu.memref_slice %arg13[%run_scoped3A_251, %dma_start3A_294] : memref<2x200xi32, #tpu.memory_space<vmem>> -> memref<1x200xi32, #tpu.memory_space<vmem>>
          %dma_start3A_296 = tpu.memref_squeeze %dma_start3A_295 : memref<1x200xi32, #tpu.memory_space<vmem>> -> memref<200xi32, #tpu.memory_space<vmem>>
          %dma_start3A_297 = tpu.memref_slice %arg2[%add3A_250] : memref<320000xi32, #tpu.memory_space<hbm>> -> memref<200xi32, #tpu.memory_space<hbm>>
          %dma_start3A_298 = arith.constant 0 : i32
          %dma_start3A_299 = tpu.memref_slice %arg13[%run_scoped3A_251, %dma_start3A_298] : memref<2x200xi32, #tpu.memory_space<vmem>> -> memref<1x200xi32, #tpu.memory_space<vmem>>
          %dma_start3A_300 = tpu.memref_squeeze %dma_start3A_299 : memref<1x200xi32, #tpu.memory_space<vmem>> -> memref<200xi32, #tpu.memory_space<vmem>>
          %dma_start3A_301 = tpu.memref_slice %arg2[%add3A_250] : memref<320000xi32, #tpu.memory_space<hbm>> -> memref<200xi32, #tpu.memory_space<hbm>>
          tpu.enqueue_dma source(%dma_start3A_301 : memref<200xi32, #tpu.memory_space<hbm>>) target(%dma_start3A_300 : memref<200xi32, #tpu.memory_space<vmem>>) target_semaphore(%run_scoped3A_293 : memref<!tpu.dma_semaphore, #tpu.memory_space<semaphore_mem>>)
          %dma_wait3A_302 = arith.constant 0 : i32
          %dma_wait3A_303 = tpu.memref_slice %arg13[%run_scoped3A_251, %dma_wait3A_302] : memref<2x200xi32, #tpu.memory_space<vmem>> -> memref<1x200xi32, #tpu.memory_space<vmem>>
          %dma_wait3A_304 = tpu.memref_squeeze %dma_wait3A_303 : memref<1x200xi32, #tpu.memory_space<vmem>> -> memref<200xi32, #tpu.memory_space<vmem>>
          %dma_wait3A_305 = tpu.memref_slice %arg2[%add3A_250] : memref<320000xi32, #tpu.memory_space<hbm>> -> memref<200xi32, #tpu.memory_space<hbm>>
          %dma_wait3A_306 = arith.constant 0 : i32
          %dma_wait3A_307 = tpu.memref_slice %arg13[%run_scoped3A_251, %dma_wait3A_306] : memref<2x200xi32, #tpu.memory_space<vmem>> -> memref<1x200xi32, #tpu.memory_space<vmem>>
          %dma_wait3A_308 = tpu.memref_squeeze %dma_wait3A_307 : memref<1x200xi32, #tpu.memory_space<vmem>> -> memref<200xi32, #tpu.memory_space<vmem>>
          %dma_wait3A_309 = tpu.memref_slice %arg2[%add3A_250] : memref<320000xi32, #tpu.memory_space<hbm>> -> memref<200xi32, #tpu.memory_space<hbm>>
          tpu.wait_dma2 semaphore(%run_scoped3A_293 : memref<!tpu.dma_semaphore, #tpu.memory_space<semaphore_mem>>) src(%dma_wait3A_309 : memref<200xi32, #tpu.memory_space<hbm>>) dst(%dma_wait3A_308 : memref<200xi32, #tpu.memory_space<vmem>>)
          tpu.yield
        }) : () -> ()
        %run_scoped3A_252 = arith.constant 1 : i32
        "tpu.region"() ({
          %run_scoped3A_293 = tpu.sem_alloc : memref<!tpu.dma_semaphore, #tpu.memory_space<semaphore_mem>>
          %dma_start3A_294 = arith.constant 0 : i32
          %dma_start3A_295 = tpu.memref_slice %arg14[%run_scoped3A_252, %dma_start3A_294] : memref<2x200xi32, #tpu.memory_space<vmem>> -> memref<1x200xi32, #tpu.memory_space<vmem>>
          %dma_start3A_296 = tpu.memref_squeeze %dma_start3A_295 : memref<1x200xi32, #tpu.memory_space<vmem>> -> memref<200xi32, #tpu.memory_space<vmem>>
          %dma_start3A_297 = tpu.memref_slice %arg3[%add3A_250] : memref<320000xi32, #tpu.memory_space<hbm>> -> memref<200xi32, #tpu.memory_space<hbm>>
          %dma_start3A_298 = arith.constant 0 : i32
          %dma_start3A_299 = tpu.memref_slice %arg14[%run_scoped3A_252, %dma_start3A_298] : memref<2x200xi32, #tpu.memory_space<vmem>> -> memref<1x200xi32, #tpu.memory_space<vmem>>
          %dma_start3A_300 = tpu.memref_squeeze %dma_start3A_299 : memref<1x200xi32, #tpu.memory_space<vmem>> -> memref<200xi32, #tpu.memory_space<vmem>>
          %dma_start3A_301 = tpu.memref_slice %arg3[%add3A_250] : memref<320000xi32, #tpu.memory_space<hbm>> -> memref<200xi32, #tpu.memory_space<hbm>>
          tpu.enqueue_dma source(%dma_start3A_301 : memref<200xi32, #tpu.memory_space<hbm>>) target(%dma_start3A_300 : memref<200xi32, #tpu.memory_space<vmem>>) target_semaphore(%run_scoped3A_293 : memref<!tpu.dma_semaphore, #tpu.memory_space<semaphore_mem>>)
          %dma_wait3A_302 = arith.constant 0 : i32
          %dma_wait3A_303 = tpu.memref_slice %arg14[%run_scoped3A_252, %dma_wait3A_302] : memref<2x200xi32, #tpu.memory_space<vmem>> -> memref<1x200xi32, #tpu.memory_space<vmem>>
          %dma_wait3A_304 = tpu.memref_squeeze %dma_wait3A_303 : memref<1x200xi32, #tpu.memory_space<vmem>> -> memref<200xi32, #tpu.memory_space<vmem>>
          %dma_wait3A_305 = tpu.memref_slice %arg3[%add3A_250] : memref<320000xi32, #tpu.memory_space<hbm>> -> memref<200xi32, #tpu.memory_space<hbm>>
          %dma_wait3A_306 = arith.constant 0 : i32
          %dma_wait3A_307 = tpu.memref_slice %arg14[%run_scoped3A_252, %dma_wait3A_306] : memref<2x200xi32, #tpu.memory_space<vmem>> -> memref<1x200xi32, #tpu.memory_space<vmem>>
          %dma_wait3A_308 = tpu.memref_squeeze %dma_wait3A_307 : memref<1x200xi32, #tpu.memory_space<vmem>> -> memref<200xi32, #tpu.memory_space<vmem>>
          %dma_wait3A_309 = tpu.memref_slice %arg3[%add3A_250] : memref<320000xi32, #tpu.memory_space<hbm>> -> memref<200xi32, #tpu.memory_space<hbm>>
          tpu.wait_dma2 semaphore(%run_scoped3A_293 : memref<!tpu.dma_semaphore, #tpu.memory_space<semaphore_mem>>) src(%dma_wait3A_309 : memref<200xi32, #tpu.memory_space<hbm>>) dst(%dma_wait3A_308 : memref<200xi32, #tpu.memory_space<vmem>>)
          tpu.yield
        }) : () -> ()
        %mul3A_253 = arith.constant 320000 : i32
        %mul3A_254 = arith.muli %arg0, %mul3A_253 : i32
        %add3A_255 = arith.addi %mul3A_254, %add3A_250 : i32
        %run_scoped3A_256 = arith.constant 1 : i32
        "tpu.region"() ({
          %run_scoped3A_293 = tpu.sem_alloc : memref<!tpu.dma_semaphore, #tpu.memory_space<semaphore_mem>>
          %dma_start3A_294 = arith.constant 0 : i32
          %dma_start3A_295 = tpu.memref_slice %arg15[%run_scoped3A_256, %dma_start3A_294] : memref<2x200xi32, #tpu.memory_space<vmem>> -> memref<1x200xi32, #tpu.memory_space<vmem>>
          %dma_start3A_296 = tpu.memref_squeeze %dma_start3A_295 : memref<1x200xi32, #tpu.memory_space<vmem>> -> memref<200xi32, #tpu.memory_space<vmem>>
          %dma_start3A_297 = tpu.memref_slice %arg4[%add3A_255] : memref<640000xi32, #tpu.memory_space<hbm>> -> memref<200xi32, #tpu.memory_space<hbm>>
          %dma_start3A_298 = arith.constant 0 : i32
          %dma_start3A_299 = tpu.memref_slice %arg15[%run_scoped3A_256, %dma_start3A_298] : memref<2x200xi32, #tpu.memory_space<vmem>> -> memref<1x200xi32, #tpu.memory_space<vmem>>
          %dma_start3A_300 = tpu.memref_squeeze %dma_start3A_299 : memref<1x200xi32, #tpu.memory_space<vmem>> -> memref<200xi32, #tpu.memory_space<vmem>>
          %dma_start3A_301 = tpu.memref_slice %arg4[%add3A_255] : memref<640000xi32, #tpu.memory_space<hbm>> -> memref<200xi32, #tpu.memory_space<hbm>>
          tpu.enqueue_dma source(%dma_start3A_301 : memref<200xi32, #tpu.memory_space<hbm>>) target(%dma_start3A_300 : memref<200xi32, #tpu.memory_space<vmem>>) target_semaphore(%run_scoped3A_293 : memref<!tpu.dma_semaphore, #tpu.memory_space<semaphore_mem>>)
          %dma_wait3A_302 = arith.constant 0 : i32
          %dma_wait3A_303 = tpu.memref_slice %arg15[%run_scoped3A_256, %dma_wait3A_302] : memref<2x200xi32, #tpu.memory_space<vmem>> -> memref<1x200xi32, #tpu.memory_space<vmem>>
          %dma_wait3A_304 = tpu.memref_squeeze %dma_wait3A_303 : memref<1x200xi32, #tpu.memory_space<vmem>> -> memref<200xi32, #tpu.memory_space<vmem>>
          %dma_wait3A_305 = tpu.memref_slice %arg4[%add3A_255] : memref<640000xi32, #tpu.memory_space<hbm>> -> memref<200xi32, #tpu.memory_space<hbm>>
          %dma_wait3A_306 = arith.constant 0 : i32
          %dma_wait3A_307 = tpu.memref_slice %arg15[%run_scoped3A_256, %dma_wait3A_306] : memref<2x200xi32, #tpu.memory_space<vmem>> -> memref<1x200xi32, #tpu.memory_space<vmem>>
          %dma_wait3A_308 = tpu.memref_squeeze %dma_wait3A_307 : memref<1x200xi32, #tpu.memory_space<vmem>> -> memref<200xi32, #tpu.memory_space<vmem>>
          %dma_wait3A_309 = tpu.memref_slice %arg4[%add3A_255] : memref<640000xi32, #tpu.memory_space<hbm>> -> memref<200xi32, #tpu.memory_space<hbm>>
          tpu.wait_dma2 semaphore(%run_scoped3A_293 : memref<!tpu.dma_semaphore, #tpu.memory_space<semaphore_mem>>) src(%dma_wait3A_309 : memref<200xi32, #tpu.memory_space<hbm>>) dst(%dma_wait3A_308 : memref<200xi32, #tpu.memory_space<vmem>>)
          tpu.yield
        }) : () -> ()
        %dma_start3A_257 = arith.constant 1 : i32
        %dma_start3A_258 = arith.constant 1 : i32
        %dma_start3A_259 = arith.constant 0 : i32
        %dma_start3A_260 = arith.constant 0 : i32
        %dma_start3A_261 = tpu.memref_slice %arg16[%dma_start3A_258, %dma_start3A_259, %dma_start3A_260] : memref<2x200x16xf32, #tpu.memory_space<vmem>> -> memref<1x200x16xf32, #tpu.memory_space<vmem>>
        %dma_start3A_262 = tpu.memref_squeeze %dma_start3A_261 : memref<1x200x16xf32, #tpu.memory_space<vmem>> -> memref<200x16xf32, #tpu.memory_space<vmem>>
        %dma_start3A_263 = arith.constant 0 : i32
        %dma_start3A_264 = tpu.memref_slice %arg13[%dma_start3A_257, %dma_start3A_263] : memref<2x200xi32, #tpu.memory_space<vmem>> -> memref<1x200xi32, #tpu.memory_space<vmem>>
        %dma_start3A_265 = tpu.memref_squeeze %dma_start3A_264 : memref<1x200xi32, #tpu.memory_space<vmem>> -> memref<200xi32, #tpu.memory_space<vmem>>
        %dma_start3A_266 = arith.constant 0 : i32
        %dma_start3A_267 = arith.constant 0 : i32
        %dma_start3A_268 = tpu.memref_slice %arg5[%dma_start3A_266, %dma_start3A_267] : memref<10000x16xf32, #tpu.memory_space<hbm>> -> memref<10000x16xf32, #tpu.memory_space<hbm>>
        tpu.enqueue_indirect_dma source(%dma_start3A_268 : memref<10000x16xf32, #tpu.memory_space<hbm>>) target(%dma_start3A_262 : memref<200x16xf32, #tpu.memory_space<vmem>>) offsets(%dma_start3A_265 : memref<200xi32, #tpu.memory_space<vmem>>) semaphore(%arg25 : memref<!tpu.dma_semaphore, #tpu.memory_space<semaphore_mem>>)
        %dma_start3A_269 = arith.constant 1 : i32
        %dma_start3A_270 = arith.constant 1 : i32
        %dma_start3A_271 = arith.constant 0 : i32
        %dma_start3A_272 = arith.constant 0 : i32
        %dma_start3A_273 = tpu.memref_slice %arg17[%dma_start3A_270, %dma_start3A_271, %dma_start3A_272] : memref<2x200x16xf32, #tpu.memory_space<vmem>> -> memref<1x200x16xf32, #tpu.memory_space<vmem>>
        %dma_start3A_274 = tpu.memref_squeeze %dma_start3A_273 : memref<1x200x16xf32, #tpu.memory_space<vmem>> -> memref<200x16xf32, #tpu.memory_space<vmem>>
        %dma_start3A_275 = arith.constant 0 : i32
        %dma_start3A_276 = tpu.memref_slice %arg14[%dma_start3A_269, %dma_start3A_275] : memref<2x200xi32, #tpu.memory_space<vmem>> -> memref<1x200xi32, #tpu.memory_space<vmem>>
        %dma_start3A_277 = tpu.memref_squeeze %dma_start3A_276 : memref<1x200xi32, #tpu.memory_space<vmem>> -> memref<200xi32, #tpu.memory_space<vmem>>
        %dma_start3A_278 = arith.constant 0 : i32
        %dma_start3A_279 = arith.constant 0 : i32
        %dma_start3A_280 = tpu.memref_slice %arg6[%dma_start3A_278, %dma_start3A_279] : memref<10000x16xf32, #tpu.memory_space<hbm>> -> memref<10000x16xf32, #tpu.memory_space<hbm>>
        tpu.enqueue_indirect_dma source(%dma_start3A_280 : memref<10000x16xf32, #tpu.memory_space<hbm>>) target(%dma_start3A_274 : memref<200x16xf32, #tpu.memory_space<vmem>>) offsets(%dma_start3A_277 : memref<200xi32, #tpu.memory_space<vmem>>) semaphore(%arg25 : memref<!tpu.dma_semaphore, #tpu.memory_space<semaphore_mem>>)
        %dma_start3A_281 = arith.constant 1 : i32
        %dma_start3A_282 = arith.constant 1 : i32
        %dma_start3A_283 = arith.constant 0 : i32
        %dma_start3A_284 = arith.constant 0 : i32
        %dma_start3A_285 = tpu.memref_slice %arg18[%dma_start3A_282, %dma_start3A_283, %dma_start3A_284] : memref<2x200x64xf32, #tpu.memory_space<vmem>> -> memref<1x200x64xf32, #tpu.memory_space<vmem>>
        %dma_start3A_286 = tpu.memref_squeeze %dma_start3A_285 : memref<1x200x64xf32, #tpu.memory_space<vmem>> -> memref<200x64xf32, #tpu.memory_space<vmem>>
        %dma_start3A_287 = arith.constant 0 : i32
        %dma_start3A_288 = tpu.memref_slice %arg15[%dma_start3A_281, %dma_start3A_287] : memref<2x200xi32, #tpu.memory_space<vmem>> -> memref<1x200xi32, #tpu.memory_space<vmem>>
        %dma_start3A_289 = tpu.memref_squeeze %dma_start3A_288 : memref<1x200xi32, #tpu.memory_space<vmem>> -> memref<200xi32, #tpu.memory_space<vmem>>
        %dma_start3A_290 = arith.constant 0 : i32
        %dma_start3A_291 = arith.constant 0 : i32
        %dma_start3A_292 = tpu.memref_slice %arg7[%dma_start3A_290, %dma_start3A_291] : memref<20000x64xf32, #tpu.memory_space<hbm>> -> memref<20000x64xf32, #tpu.memory_space<hbm>>
        tpu.enqueue_indirect_dma source(%dma_start3A_292 : memref<20000x64xf32, #tpu.memory_space<hbm>>) target(%dma_start3A_286 : memref<200x64xf32, #tpu.memory_space<vmem>>) offsets(%dma_start3A_289 : memref<200xi32, #tpu.memory_space<vmem>>) semaphore(%arg27 : memref<!tpu.dma_semaphore, #tpu.memory_space<semaphore_mem>>)
      } else {
      }
      %parallel_loop3A = arith.constant 0 : i32
      %parallel_loop3A_148 = arith.constant 200 : i32
      %parallel_loop3A_149 = arith.constant 1 : i32
      scf.for %parallel_loop3A_240 = %parallel_loop3A to %parallel_loop3A_148 step %parallel_loop3A_149  : i32 {
        %parallel_loop3A_241 = arith.constant 0 : i32
        %parallel_loop3A_242 = arith.index_cast %parallel_loop3A_241 : i32 to index
        %parallel_loop3A_243 = arith.index_cast %parallel_loop3A_240 : i32 to index
        %parallel_loop3A_244 = arith.constant 0 : index
        %parallel_loop3A_245 = tpu.vector_load %arg16[%parallel_loop3A_242, %parallel_loop3A_243, %parallel_loop3A_244] {strides = array<i32>} : memref<2x200x16xf32, #tpu.memory_space<vmem>>, vector<16xf32>,
        %parallel_loop3A_246 = arith.constant 0 : i32
        %parallel_loop3A_247 = arith.index_cast %parallel_loop3A_246 : i32 to index
        %parallel_loop3A_248 = arith.index_cast %parallel_loop3A_240 : i32 to index
        %parallel_loop3A_249 = arith.constant 0 : index
        %parallel_loop3A_250 = tpu.vector_load %arg17[%parallel_loop3A_247, %parallel_loop3A_248, %parallel_loop3A_249] {strides = array<i32>} : memref<2x200x16xf32, #tpu.memory_space<vmem>>, vector<16xf32>,
        %parallel_loop3A_251 = arith.addf %parallel_loop3A_245, %parallel_loop3A_250 : vector<16xf32>
        %parallel_loop3A_252 = arith.constant 0.000000e+00 : f32
        %parallel_loop3A_253 = vector.broadcast %parallel_loop3A_252 : f32 to vector<16xf32>
        %parallel_loop3A_254 = arith.cmpf oge, %parallel_loop3A_251, %parallel_loop3A_253 : vector<16xf32>
        %parallel_loop3A_255 = arith.constant 2.000000e-01 : f32
        %parallel_loop3A_256 = vector.broadcast %parallel_loop3A_255 : f32 to vector<16xf32>
        %parallel_loop3A_257 = arith.mulf %parallel_loop3A_256, %parallel_loop3A_251 : vector<16xf32>
        %parallel_loop3A_258 = arith.select %parallel_loop3A_254, %parallel_loop3A_251, %parallel_loop3A_257 : vector<16xi1>, vector<16xf32>
        %parallel_loop3A_259 = arith.subf %parallel_loop3A_258, %get3A_1 : vector<16xf32>
        %parallel_loop3A_260 = math.exp %parallel_loop3A_259 : vector<16xf32>
        %parallel_loop3A_261 = arith.constant 0 : i32
        %parallel_loop3A_262 = arith.index_cast %parallel_loop3A_261 : i32 to index
        %parallel_loop3A_263 = arith.index_cast %parallel_loop3A_240 : i32 to index
        %parallel_loop3A_264 = arith.constant 0 : index
        %parallel_loop3A_265 = tpu.vector_load %arg19[%parallel_loop3A_262, %parallel_loop3A_263, %parallel_loop3A_264] {strides = array<i32>} : memref<2x200x16xf32, #tpu.memory_space<vmem>>, vector<16xf32>,
        tpu.vector_store %arg19[%parallel_loop3A_262, %parallel_loop3A_263, %parallel_loop3A_264], %parallel_loop3A_260 {strides = array<i32>} : memref<2x200x16xf32, #tpu.memory_space<vmem>>, vector<16xf32>,
        %parallel_loop3A_266 = arith.constant 16 : i32
        %parallel_loop3A_267 = arith.muli %parallel_loop3A_240, %parallel_loop3A_266 : i32
        %parallel_loop3A_268 = arith.constant 0 : i32
        %parallel_loop3A_269 = arith.index_cast %parallel_loop3A_268 : i32 to index
        %parallel_loop3A_270 = arith.index_cast %parallel_loop3A_267 : i32 to index
        %parallel_loop3A_271 = tpu.vector_load %arg20[%parallel_loop3A_269, %parallel_loop3A_270] {strides = array<i32>} : memref<2x3200xf32, #tpu.memory_space<vmem>>, vector<16xf32>,
        tpu.vector_store %arg20[%parallel_loop3A_269, %parallel_loop3A_270], %parallel_loop3A_260 {strides = array<i32>} : memref<2x3200xf32, #tpu.memory_space<vmem>>, vector<16xf32>,
      } {sc.loop_unroll_factor = 8 : i64, sc.parallel_access}
      %parallel_loop3A_150 = arith.constant 0 : i32
      %parallel_loop3A_151 = arith.constant 200 : i32
      %parallel_loop3A_152 = arith.constant 1 : i32
      scf.for %parallel_loop3A_240 = %parallel_loop3A_150 to %parallel_loop3A_151 step %parallel_loop3A_152  : i32 {
        %parallel_loop3A_241 = arith.constant 16 : i32
        %parallel_loop3A_242 = arith.muli %parallel_loop3A_240, %parallel_loop3A_241 : i32
        %parallel_loop3A_243 = vector.broadcast %parallel_loop3A_242 : i32 to vector<16xi32>
        %parallel_loop3A_244 = arith.addi %parallel_loop3A_243, %broadcast_in_dim3A_4 : vector<16xi32>
        %parallel_loop3A_245 = vector.broadcast %mul3A_3 : i32 to vector<16xi32>
        %parallel_loop3A_246 = arith.addi %parallel_loop3A_244, %parallel_loop3A_245 : vector<16xi32>
        %parallel_loop3A_247 = arith.constant 0 : i32
        %parallel_loop3A_248 = arith.constant 0 : i32
        %parallel_loop3A_249 = tpu.memref_slice %arg20[%parallel_loop3A_247, %parallel_loop3A_248] : memref<2x3200xf32, #tpu.memory_space<vmem>> -> memref<1x3200xf32, #tpu.memory_space<vmem>>
        %parallel_loop3A_250 = tpu.memref_squeeze %parallel_loop3A_249 : memref<1x3200xf32, #tpu.memory_space<vmem>> -> memref<3200xf32, #tpu.memory_space<vmem>>
        %parallel_loop3A_251 = tpu.vector_load_idx %parallel_loop3A_250[%parallel_loop3A_246] : memref<3200xf32, #tpu.memory_space<vmem>>[vector<16xi32>], vector<16xf32>,
        %parallel_loop3A_252 = arith.constant 0 : i32
        %parallel_loop3A_253 = arith.index_cast %parallel_loop3A_252 : i32 to index
        %parallel_loop3A_254 = arith.index_cast %parallel_loop3A_240 : i32 to index
        %parallel_loop3A_255 = arith.constant 0 : index
        %parallel_loop3A_256 = tpu.vector_load %arg18[%parallel_loop3A_253, %parallel_loop3A_254, %parallel_loop3A_255] {strides = array<i32>} : memref<2x200x64xf32, #tpu.memory_space<vmem>>, vector<16xf32>,
        %parallel_loop3A_257 = arith.mulf %parallel_loop3A_256, %parallel_loop3A_251 : vector<16xf32>
        %parallel_loop3A_258 = arith.constant 0 : i32
        %parallel_loop3A_259 = arith.index_cast %parallel_loop3A_258 : i32 to index
        %parallel_loop3A_260 = arith.index_cast %parallel_loop3A_240 : i32 to index
        %parallel_loop3A_261 = arith.constant 0 : index
        %parallel_loop3A_262 = tpu.vector_load %arg18[%parallel_loop3A_259, %parallel_loop3A_260, %parallel_loop3A_261] {strides = array<i32>} : memref<2x200x64xf32, #tpu.memory_space<vmem>>, vector<16xf32>,
        tpu.vector_store %arg18[%parallel_loop3A_259, %parallel_loop3A_260, %parallel_loop3A_261], %parallel_loop3A_257 {strides = array<i32>} : memref<2x200x64xf32, #tpu.memory_space<vmem>>, vector<16xf32>,
        %parallel_loop3A_263 = arith.addi %parallel_loop3A_243, %broadcast_in_dim3A_6 : vector<16xi32>
        %parallel_loop3A_264 = vector.broadcast %mul3A_3 : i32 to vector<16xi32>
        %parallel_loop3A_265 = arith.addi %parallel_loop3A_263, %parallel_loop3A_264 : vector<16xi32>
        %parallel_loop3A_266 = arith.constant 0 : i32
        %parallel_loop3A_267 = arith.constant 0 : i32
        %parallel_loop3A_268 = tpu.memref_slice %arg20[%parallel_loop3A_266, %parallel_loop3A_267] : memref<2x3200xf32, #tpu.memory_space<vmem>> -> memref<1x3200xf32, #tpu.memory_space<vmem>>
        %parallel_loop3A_269 = tpu.memref_squeeze %parallel_loop3A_268 : memref<1x3200xf32, #tpu.memory_space<vmem>> -> memref<3200xf32, #tpu.memory_space<vmem>>
        %parallel_loop3A_270 = tpu.vector_load_idx %parallel_loop3A_269[%parallel_loop3A_265] : memref<3200xf32, #tpu.memory_space<vmem>>[vector<16xi32>], vector<16xf32>,
        %parallel_loop3A_271 = arith.constant 0 : i32
        %parallel_loop3A_272 = arith.index_cast %parallel_loop3A_271 : i32 to index
        %parallel_loop3A_273 = arith.index_cast %parallel_loop3A_240 : i32 to index
        %parallel_loop3A_274 = arith.constant 16 : index
        %parallel_loop3A_275 = tpu.vector_load %arg18[%parallel_loop3A_272, %parallel_loop3A_273, %parallel_loop3A_274] {strides = array<i32>} : memref<2x200x64xf32, #tpu.memory_space<vmem>>, vector<16xf32>,
        %parallel_loop3A_276 = arith.mulf %parallel_loop3A_275, %parallel_loop3A_270 : vector<16xf32>
        %parallel_loop3A_277 = arith.constant 0 : i32
        %parallel_loop3A_278 = arith.index_cast %parallel_loop3A_277 : i32 to index
        %parallel_loop3A_279 = arith.index_cast %parallel_loop3A_240 : i32 to index
        %parallel_loop3A_280 = arith.constant 16 : index
        %parallel_loop3A_281 = tpu.vector_load %arg18[%parallel_loop3A_278, %parallel_loop3A_279, %parallel_loop3A_280] {strides = array<i32>} : memref<2x200x64xf32, #tpu.memory_space<vmem>>, vector<16xf32>,
        tpu.vector_store %arg18[%parallel_loop3A_278, %parallel_loop3A_279, %parallel_loop3A_280], %parallel_loop3A_276 {strides = array<i32>} : memref<2x200x64xf32, #tpu.memory_space<vmem>>, vector<16xf32>,
        %parallel_loop3A_282 = arith.addi %parallel_loop3A_243, %broadcast_in_dim3A_8 : vector<16xi32>
        %parallel_loop3A_283 = vector.broadcast %mul3A_3 : i32 to vector<16xi32>
        %parallel_loop3A_284 = arith.addi %parallel_loop3A_282, %parallel_loop3A_283 : vector<16xi32>
        %parallel_loop3A_285 = arith.constant 0 : i32
        %parallel_loop3A_286 = arith.constant 0 : i32
        %parallel_loop3A_287 = tpu.memref_slice %arg20[%parallel_loop3A_285, %parallel_loop3A_286] : memref<2x3200xf32, #tpu.memory_space<vmem>> -> memref<1x3200xf32, #tpu.memory_space<vmem>>
        %parallel_loop3A_288 = tpu.memref_squeeze %parallel_loop3A_287 : memref<1x3200xf32, #tpu.memory_space<vmem>> -> memref<3200xf32, #tpu.memory_space<vmem>>
        %parallel_loop3A_289 = tpu.vector_load_idx %parallel_loop3A_288[%parallel_loop3A_284] : memref<3200xf32, #tpu.memory_space<vmem>>[vector<16xi32>], vector<16xf32>,
        %parallel_loop3A_290 = arith.constant 0 : i32
        %parallel_loop3A_291 = arith.index_cast %parallel_loop3A_290 : i32 to index
        %parallel_loop3A_292 = arith.index_cast %parallel_loop3A_240 : i32 to index
        %parallel_loop3A_293 = arith.constant 32 : index
        %parallel_loop3A_294 = tpu.vector_load %arg18[%parallel_loop3A_291, %parallel_loop3A_292, %parallel_loop3A_293] {strides = array<i32>} : memref<2x200x64xf32, #tpu.memory_space<vmem>>, vector<16xf32>,
        %parallel_loop3A_295 = arith.mulf %parallel_loop3A_294, %parallel_loop3A_289 : vector<16xf32>
        %parallel_loop3A_296 = arith.constant 0 : i32
        %parallel_loop3A_297 = arith.index_cast %parallel_loop3A_296 : i32 to index
        %parallel_loop3A_298 = arith.index_cast %parallel_loop3A_240 : i32 to index
        %parallel_loop3A_299 = arith.constant 32 : index
        %parallel_loop3A_300 = tpu.vector_load %arg18[%parallel_loop3A_297, %parallel_loop3A_298, %parallel_loop3A_299] {strides = array<i32>} : memref<2x200x64xf32, #tpu.memory_space<vmem>>, vector<16xf32>,
        tpu.vector_store %arg18[%parallel_loop3A_297, %parallel_loop3A_298, %parallel_loop3A_299], %parallel_loop3A_295 {strides = array<i32>} : memref<2x200x64xf32, #tpu.memory_space<vmem>>, vector<16xf32>,
        %parallel_loop3A_301 = arith.addi %parallel_loop3A_243, %broadcast_in_dim3A_10 : vector<16xi32>
        %parallel_loop3A_302 = vector.broadcast %mul3A_3 : i32 to vector<16xi32>
        %parallel_loop3A_303 = arith.addi %parallel_loop3A_301, %parallel_loop3A_302 : vector<16xi32>
        %parallel_loop3A_304 = arith.constant 0 : i32
        %parallel_loop3A_305 = arith.constant 0 : i32
        %parallel_loop3A_306 = tpu.memref_slice %arg20[%parallel_loop3A_304, %parallel_loop3A_305] : memref<2x3200xf32, #tpu.memory_space<vmem>> -> memref<1x3200xf32, #tpu.memory_space<vmem>>
        %parallel_loop3A_307 = tpu.memref_squeeze %parallel_loop3A_306 : memref<1x3200xf32, #tpu.memory_space<vmem>> -> memref<3200xf32, #tpu.memory_space<vmem>>
        %parallel_loop3A_308 = tpu.vector_load_idx %parallel_loop3A_307[%parallel_loop3A_303] : memref<3200xf32, #tpu.memory_space<vmem>>[vector<16xi32>], vector<16xf32>,
        %parallel_loop3A_309 = arith.constant 0 : i32
        %parallel_loop3A_310 = arith.index_cast %parallel_loop3A_309 : i32 to index
        %parallel_loop3A_311 = arith.index_cast %parallel_loop3A_240 : i32 to index
        %parallel_loop3A_312 = arith.constant 48 : index
        %parallel_loop3A_313 = tpu.vector_load %arg18[%parallel_loop3A_310, %parallel_loop3A_311, %parallel_loop3A_312] {strides = array<i32>} : memref<2x200x64xf32, #tpu.memory_space<vmem>>, vector<16xf32>,
        %parallel_loop3A_314 = arith.mulf %parallel_loop3A_313, %parallel_loop3A_308 : vector<16xf32>
        %parallel_loop3A_315 = arith.constant 0 : i32
        %parallel_loop3A_316 = arith.index_cast %parallel_loop3A_315 : i32 to index
        %parallel_loop3A_317 = arith.index_cast %parallel_loop3A_240 : i32 to index
        %parallel_loop3A_318 = arith.constant 48 : index
        %parallel_loop3A_319 = tpu.vector_load %arg18[%parallel_loop3A_316, %parallel_loop3A_317, %parallel_loop3A_318] {strides = array<i32>} : memref<2x200x64xf32, #tpu.memory_space<vmem>>, vector<16xf32>,
        tpu.vector_store %arg18[%parallel_loop3A_316, %parallel_loop3A_317, %parallel_loop3A_318], %parallel_loop3A_314 {strides = array<i32>} : memref<2x200x64xf32, #tpu.memory_space<vmem>>, vector<16xf32>,
      } {sc.loop_unroll_factor = 8 : i64, sc.parallel_access}
      %eq3A_153 = arith.constant 0 : i32
      %eq3A_154 = arith.cmpi eq, %arg0, %eq3A_153 : i32
      %convert_element_type3A_155 = arith.extui %eq3A_154 : i1 to i32
      %cond3A_156 = arith.constant 0 : i32
      %cond3A_157 = arith.cmpi ne, %convert_element_type3A_155, %cond3A_156 : i32
      scf.if %cond3A_157 {
        %dma_start3A_240 = arith.constant 0 : i32
        %dma_start3A_241 = arith.constant 0 : i32
        %dma_start3A_242 = arith.constant 0 : i32
        %dma_start3A_243 = arith.constant 0 : i32
        %dma_start3A_244 = tpu.memref_slice %arg19[%dma_start3A_240, %dma_start3A_242, %dma_start3A_243] : memref<2x200x16xf32, #tpu.memory_space<vmem>> -> memref<1x200x16xf32, #tpu.memory_space<vmem>>
        %dma_start3A_245 = tpu.memref_squeeze %dma_start3A_244 : memref<1x200x16xf32, #tpu.memory_space<vmem>> -> memref<200x16xf32, #tpu.memory_space<vmem>>
        %dma_start3A_246 = arith.constant 0 : i32
        %dma_start3A_247 = tpu.memref_slice %arg14[%dma_start3A_241, %dma_start3A_246] : memref<2x200xi32, #tpu.memory_space<vmem>> -> memref<1x200xi32, #tpu.memory_space<vmem>>
        %dma_start3A_248 = tpu.memref_squeeze %dma_start3A_247 : memref<1x200xi32, #tpu.memory_space<vmem>> -> memref<200xi32, #tpu.memory_space<vmem>>
        %dma_start3A_249 = arith.constant 0 : i32
        %dma_start3A_250 = arith.constant 0 : i32
        %dma_start3A_251 = tpu.memref_slice %arg23[%dma_start3A_249, %dma_start3A_250] : memref<10240x16xf32, #tpu.memory_space<vmem_shared>> -> memref<10240x16xf32, #tpu.memory_space<vmem_shared>>
        tpu.enqueue_indirect_dma source(%dma_start3A_245 : memref<200x16xf32, #tpu.memory_space<vmem>>) target(%dma_start3A_251 : memref<10240x16xf32, #tpu.memory_space<vmem_shared>>) offsets(%dma_start3A_248 : memref<200xi32, #tpu.memory_space<vmem>>) semaphore(%arg30 : memref<!tpu.dma_semaphore, #tpu.memory_space<semaphore_mem>>) {add = true}
      } else {
      }
      %dma_start3A_158 = arith.constant 0 : i32
      %dma_start3A_159 = arith.constant 0 : i32
      %dma_start3A_160 = arith.constant 0 : i32
      %dma_start3A_161 = arith.constant 0 : i32
      %dma_start3A_162 = tpu.memref_slice %arg18[%dma_start3A_158, %dma_start3A_160, %dma_start3A_161] : memref<2x200x64xf32, #tpu.memory_space<vmem>> -> memref<1x200x64xf32, #tpu.memory_space<vmem>>
      %dma_start3A_163 = tpu.memref_squeeze %dma_start3A_162 : memref<1x200x64xf32, #tpu.memory_space<vmem>> -> memref<200x64xf32, #tpu.memory_space<vmem>>
      %dma_start3A_164 = arith.constant 0 : i32
      %dma_start3A_165 = tpu.memref_slice %arg14[%dma_start3A_159, %dma_start3A_164] : memref<2x200xi32, #tpu.memory_space<vmem>> -> memref<1x200xi32, #tpu.memory_space<vmem>>
      %dma_start3A_166 = tpu.memref_squeeze %dma_start3A_165 : memref<1x200xi32, #tpu.memory_space<vmem>> -> memref<200xi32, #tpu.memory_space<vmem>>
      %dma_start3A_167 = arith.constant 0 : i32
      %dma_start3A_168 = arith.constant 0 : i32
      %dma_start3A_169 = tpu.memref_slice %arg22[%dma_start3A_167, %dma_start3A_168] : memref<10240x64xf32, #tpu.memory_space<vmem_shared>> -> memref<10240x64xf32, #tpu.memory_space<vmem_shared>>
      tpu.enqueue_indirect_dma source(%dma_start3A_163 : memref<200x64xf32, #tpu.memory_space<vmem>>) target(%dma_start3A_169 : memref<10240x64xf32, #tpu.memory_space<vmem_shared>>) offsets(%dma_start3A_166 : memref<200xi32, #tpu.memory_space<vmem>>) semaphore(%arg28 : memref<!tpu.dma_semaphore, #tpu.memory_space<semaphore_mem>>) {add = true}
      %mul3A_170 = arith.constant 2 : i32
      %mul3A_171 = arith.muli %mul3A_170, %scan3A_103 : i32
      %add3A_172 = arith.constant 1 : i32
      %add3A_173 = arith.addi %mul3A_171, %add3A_172 : i32
      %dma_wait3A_174 = arith.constant 1 : i32
      %dma_wait3A_175 = arith.constant 1 : i32
      %dma_wait3A_176 = arith.constant 0 : i32
      %dma_wait3A_177 = arith.constant 0 : i32
      %dma_wait3A_178 = tpu.memref_slice %arg16[%dma_wait3A_175, %dma_wait3A_176, %dma_wait3A_177] : memref<2x200x16xf32, #tpu.memory_space<vmem>> -> memref<1x200x16xf32, #tpu.memory_space<vmem>>
      %dma_wait3A_179 = tpu.memref_squeeze %dma_wait3A_178 : memref<1x200x16xf32, #tpu.memory_space<vmem>> -> memref<200x16xf32, #tpu.memory_space<vmem>>
      %dma_wait3A_180 = arith.constant 0 : i32
      %dma_wait3A_181 = tpu.memref_slice %arg13[%dma_wait3A_174, %dma_wait3A_180] : memref<2x200xi32, #tpu.memory_space<vmem>> -> memref<1x200xi32, #tpu.memory_space<vmem>>
      %dma_wait3A_182 = tpu.memref_squeeze %dma_wait3A_181 : memref<1x200xi32, #tpu.memory_space<vmem>> -> memref<200xi32, #tpu.memory_space<vmem>>
      %dma_wait3A_183 = arith.constant 0 : i32
      %dma_wait3A_184 = arith.constant 0 : i32
      %dma_wait3A_185 = tpu.memref_slice %arg5[%dma_wait3A_183, %dma_wait3A_184] : memref<10000x16xf32, #tpu.memory_space<hbm>> -> memref<10000x16xf32, #tpu.memory_space<hbm>>
      tpu.wait_indirect_dma semaphore(%arg25 : memref<!tpu.dma_semaphore, #tpu.memory_space<semaphore_mem>>) src(%dma_wait3A_185 : memref<10000x16xf32, #tpu.memory_space<hbm>>) dst(%dma_wait3A_179 : memref<200x16xf32, #tpu.memory_space<vmem>>)
      %dma_wait3A_186 = arith.constant 1 : i32
      %dma_wait3A_187 = arith.constant 1 : i32
      %dma_wait3A_188 = arith.constant 0 : i32
      %dma_wait3A_189 = arith.constant 0 : i32
      %dma_wait3A_190 = tpu.memref_slice %arg17[%dma_wait3A_187, %dma_wait3A_188, %dma_wait3A_189] : memref<2x200x16xf32, #tpu.memory_space<vmem>> -> memref<1x200x16xf32, #tpu.memory_space<vmem>>
      %dma_wait3A_191 = tpu.memref_squeeze %dma_wait3A_190 : memref<1x200x16xf32, #tpu.memory_space<vmem>> -> memref<200x16xf32, #tpu.memory_space<vmem>>
      %dma_wait3A_192 = arith.constant 0 : i32
      %dma_wait3A_193 = tpu.memref_slice %arg14[%dma_wait3A_186, %dma_wait3A_192] : memref<2x200xi32, #tpu.memory_space<vmem>> -> memref<1x200xi32, #tpu.memory_space<vmem>>
      %dma_wait3A_194 = tpu.memref_squeeze %dma_wait3A_193 : memref<1x200xi32, #tpu.memory_space<vmem>> -> memref<200xi32, #tpu.memory_space<vmem>>
      %dma_wait3A_195 = arith.constant 0 : i32
      %dma_wait3A_196 = arith.constant 0 : i32
      %dma_wait3A_197 = tpu.memref_slice %arg6[%dma_wait3A_195, %dma_wait3A_196] : memref<10000x16xf32, #tpu.memory_space<hbm>> -> memref<10000x16xf32, #tpu.memory_space<hbm>>
      tpu.wait_indirect_dma semaphore(%arg25 : memref<!tpu.dma_semaphore, #tpu.memory_space<semaphore_mem>>) src(%dma_wait3A_197 : memref<10000x16xf32, #tpu.memory_space<hbm>>) dst(%dma_wait3A_191 : memref<200x16xf32, #tpu.memory_space<vmem>>)
      %dma_wait3A_198 = arith.constant 1 : i32
      %dma_wait3A_199 = arith.constant 1 : i32
      %dma_wait3A_200 = arith.constant 0 : i32
      %dma_wait3A_201 = arith.constant 0 : i32
      %dma_wait3A_202 = tpu.memref_slice %arg18[%dma_wait3A_199, %dma_wait3A_200, %dma_wait3A_201] : memref<2x200x64xf32, #tpu.memory_space<vmem>> -> memref<1x200x64xf32, #tpu.memory_space<vmem>>
      %dma_wait3A_203 = tpu.memref_squeeze %dma_wait3A_202 : memref<1x200x64xf32, #tpu.memory_space<vmem>> -> memref<200x64xf32, #tpu.memory_space<vmem>>
      %dma_wait3A_204 = arith.constant 0 : i32
      %dma_wait3A_205 = tpu.memref_slice %arg15[%dma_wait3A_198, %dma_wait3A_204] : memref<2x200xi32, #tpu.memory_space<vmem>> -> memref<1x200xi32, #tpu.memory_space<vmem>>
      %dma_wait3A_206 = tpu.memref_squeeze %dma_wait3A_205 : memref<1x200xi32, #tpu.memory_space<vmem>> -> memref<200xi32, #tpu.memory_space<vmem>>
      %dma_wait3A_207 = arith.constant 0 : i32
      %dma_wait3A_208 = arith.constant 0 : i32
      %dma_wait3A_209 = tpu.memref_slice %arg7[%dma_wait3A_207, %dma_wait3A_208] : memref<20000x64xf32, #tpu.memory_space<hbm>> -> memref<20000x64xf32, #tpu.memory_space<hbm>>
      tpu.wait_indirect_dma semaphore(%arg27 : memref<!tpu.dma_semaphore, #tpu.memory_space<semaphore_mem>>) src(%dma_wait3A_209 : memref<20000x64xf32, #tpu.memory_space<hbm>>) dst(%dma_wait3A_203 : memref<200x64xf32, #tpu.memory_space<vmem>>)
      %add3A_210 = arith.constant 1 : i32
      %add3A_211 = arith.addi %add3A_173, %add3A_210 : i32
      %lt3A_212 = arith.constant 100 : i32
      %lt3A_213 = arith.cmpi slt, %add3A_211, %lt3A_212 : i32
      %convert_element_type3A_214 = arith.extui %lt3A_213 : i1 to i32
      %cond3A_215 = arith.constant 0 : i32
      %cond3A_216 = arith.cmpi ne, %convert_element_type3A_214, %cond3A_215 : i32
      scf.if %cond3A_216 {
        %add3A_240 = arith.constant 1 : i32
        %add3A_241 = arith.addi %add3A_173, %add3A_240 : i32
        %ge3A = arith.constant 2 : i32
        %ge3A_242 = arith.cmpi sge, %add3A_241, %ge3A : i32
        %convert_element_type3A_243 = arith.extui %ge3A_242 : i1 to i32
        %cond3A_244 = arith.constant 0 : i32
        %cond3A_245 = arith.cmpi ne, %convert_element_type3A_243, %cond3A_244 : i32
        scf.if %cond3A_245 {
          %dma_wait3A_293 = arith.constant 0 : i32
          %dma_wait3A_294 = arith.constant 0 : i32
          %dma_wait3A_295 = arith.constant 0 : i32
          %dma_wait3A_296 = arith.constant 0 : i32
          %dma_wait3A_297 = tpu.memref_slice %arg18[%dma_wait3A_293, %dma_wait3A_295, %dma_wait3A_296] : memref<2x200x64xf32, #tpu.memory_space<vmem>> -> memref<1x200x64xf32, #tpu.memory_space<vmem>>
          %dma_wait3A_298 = tpu.memref_squeeze %dma_wait3A_297 : memref<1x200x64xf32, #tpu.memory_space<vmem>> -> memref<200x64xf32, #tpu.memory_space<vmem>>
          %dma_wait3A_299 = arith.constant 0 : i32
          %dma_wait3A_300 = tpu.memref_slice %arg14[%dma_wait3A_294, %dma_wait3A_299] : memref<2x200xi32, #tpu.memory_space<vmem>> -> memref<1x200xi32, #tpu.memory_space<vmem>>
          %dma_wait3A_301 = tpu.memref_squeeze %dma_wait3A_300 : memref<1x200xi32, #tpu.memory_space<vmem>> -> memref<200xi32, #tpu.memory_space<vmem>>
          %dma_wait3A_302 = arith.constant 0 : i32
          %dma_wait3A_303 = arith.constant 0 : i32
          %dma_wait3A_304 = tpu.memref_slice %arg22[%dma_wait3A_302, %dma_wait3A_303] : memref<10240x64xf32, #tpu.memory_space<vmem_shared>> -> memref<10240x64xf32, #tpu.memory_space<vmem_shared>>
          tpu.wait_indirect_dma semaphore(%arg28 : memref<!tpu.dma_semaphore, #tpu.memory_space<semaphore_mem>>) src(%dma_wait3A_298 : memref<200x64xf32, #tpu.memory_space<vmem>>) dst(%dma_wait3A_304 : memref<10240x64xf32, #tpu.memory_space<vmem_shared>>)
          %eq3A_305 = arith.constant 0 : i32
          %eq3A_306 = arith.cmpi eq, %arg0, %eq3A_305 : i32
          %convert_element_type3A_307 = arith.extui %eq3A_306 : i1 to i32
          %cond3A_308 = arith.constant 0 : i32
          %cond3A_309 = arith.cmpi ne, %convert_element_type3A_307, %cond3A_308 : i32
          scf.if %cond3A_309 {
            %dma_wait3A_310 = arith.constant 0 : i32
            %dma_wait3A_311 = arith.constant 0 : i32
            %dma_wait3A_312 = arith.constant 0 : i32
            %dma_wait3A_313 = arith.constant 0 : i32
            %dma_wait3A_314 = tpu.memref_slice %arg19[%dma_wait3A_310, %dma_wait3A_312, %dma_wait3A_313] : memref<2x200x16xf32, #tpu.memory_space<vmem>> -> memref<1x200x16xf32, #tpu.memory_space<vmem>>
            %dma_wait3A_315 = tpu.memref_squeeze %dma_wait3A_314 : memref<1x200x16xf32, #tpu.memory_space<vmem>> -> memref<200x16xf32, #tpu.memory_space<vmem>>
            %dma_wait3A_316 = arith.constant 0 : i32
            %dma_wait3A_317 = tpu.memref_slice %arg14[%dma_wait3A_311, %dma_wait3A_316] : memref<2x200xi32, #tpu.memory_space<vmem>> -> memref<1x200xi32, #tpu.memory_space<vmem>>
            %dma_wait3A_318 = tpu.memref_squeeze %dma_wait3A_317 : memref<1x200xi32, #tpu.memory_space<vmem>> -> memref<200xi32, #tpu.memory_space<vmem>>
            %dma_wait3A_319 = arith.constant 0 : i32
            %dma_wait3A_320 = arith.constant 0 : i32
            %dma_wait3A_321 = tpu.memref_slice %arg23[%dma_wait3A_319, %dma_wait3A_320] : memref<10240x16xf32, #tpu.memory_space<vmem_shared>> -> memref<10240x16xf32, #tpu.memory_space<vmem_shared>>
            tpu.wait_indirect_dma semaphore(%arg30 : memref<!tpu.dma_semaphore, #tpu.memory_space<semaphore_mem>>) src(%dma_wait3A_315 : memref<200x16xf32, #tpu.memory_space<vmem>>) dst(%dma_wait3A_321 : memref<10240x16xf32, #tpu.memory_space<vmem_shared>>)
          } else {
          }
        } else {
        }
        %mul3A_246 = arith.constant 20000 : i32
        %mul3A_247 = arith.muli %arg1, %mul3A_246 : i32
        %mul3A_248 = arith.constant 200 : i32
        %mul3A_249 = arith.muli %add3A_241, %mul3A_248 : i32
        %add3A_250 = arith.addi %mul3A_247, %mul3A_249 : i32
        %run_scoped3A_251 = arith.constant 0 : i32
        "tpu.region"() ({
          %run_scoped3A_293 = tpu.sem_alloc : memref<!tpu.dma_semaphore, #tpu.memory_space<semaphore_mem>>
          %dma_start3A_294 = arith.constant 0 : i32
          %dma_start3A_295 = tpu.memref_slice %arg13[%run_scoped3A_251, %dma_start3A_294] : memref<2x200xi32, #tpu.memory_space<vmem>> -> memref<1x200xi32, #tpu.memory_space<vmem>>
          %dma_start3A_296 = tpu.memref_squeeze %dma_start3A_295 : memref<1x200xi32, #tpu.memory_space<vmem>> -> memref<200xi32, #tpu.memory_space<vmem>>
          %dma_start3A_297 = tpu.memref_slice %arg2[%add3A_250] : memref<320000xi32, #tpu.memory_space<hbm>> -> memref<200xi32, #tpu.memory_space<hbm>>
          %dma_start3A_298 = arith.constant 0 : i32
          %dma_start3A_299 = tpu.memref_slice %arg13[%run_scoped3A_251, %dma_start3A_298] : memref<2x200xi32, #tpu.memory_space<vmem>> -> memref<1x200xi32, #tpu.memory_space<vmem>>
          %dma_start3A_300 = tpu.memref_squeeze %dma_start3A_299 : memref<1x200xi32, #tpu.memory_space<vmem>> -> memref<200xi32, #tpu.memory_space<vmem>>
          %dma_start3A_301 = tpu.memref_slice %arg2[%add3A_250] : memref<320000xi32, #tpu.memory_space<hbm>> -> memref<200xi32, #tpu.memory_space<hbm>>
          tpu.enqueue_dma source(%dma_start3A_301 : memref<200xi32, #tpu.memory_space<hbm>>) target(%dma_start3A_300 : memref<200xi32, #tpu.memory_space<vmem>>) target_semaphore(%run_scoped3A_293 : memref<!tpu.dma_semaphore, #tpu.memory_space<semaphore_mem>>)
          %dma_wait3A_302 = arith.constant 0 : i32
          %dma_wait3A_303 = tpu.memref_slice %arg13[%run_scoped3A_251, %dma_wait3A_302] : memref<2x200xi32, #tpu.memory_space<vmem>> -> memref<1x200xi32, #tpu.memory_space<vmem>>
          %dma_wait3A_304 = tpu.memref_squeeze %dma_wait3A_303 : memref<1x200xi32, #tpu.memory_space<vmem>> -> memref<200xi32, #tpu.memory_space<vmem>>
          %dma_wait3A_305 = tpu.memref_slice %arg2[%add3A_250] : memref<320000xi32, #tpu.memory_space<hbm>> -> memref<200xi32, #tpu.memory_space<hbm>>
          %dma_wait3A_306 = arith.constant 0 : i32
          %dma_wait3A_307 = tpu.memref_slice %arg13[%run_scoped3A_251, %dma_wait3A_306] : memref<2x200xi32, #tpu.memory_space<vmem>> -> memref<1x200xi32, #tpu.memory_space<vmem>>
          %dma_wait3A_308 = tpu.memref_squeeze %dma_wait3A_307 : memref<1x200xi32, #tpu.memory_space<vmem>> -> memref<200xi32, #tpu.memory_space<vmem>>
          %dma_wait3A_309 = tpu.memref_slice %arg2[%add3A_250] : memref<320000xi32, #tpu.memory_space<hbm>> -> memref<200xi32, #tpu.memory_space<hbm>>
          tpu.wait_dma2 semaphore(%run_scoped3A_293 : memref<!tpu.dma_semaphore, #tpu.memory_space<semaphore_mem>>) src(%dma_wait3A_309 : memref<200xi32, #tpu.memory_space<hbm>>) dst(%dma_wait3A_308 : memref<200xi32, #tpu.memory_space<vmem>>)
          tpu.yield
        }) : () -> ()
        %run_scoped3A_252 = arith.constant 0 : i32
        "tpu.region"() ({
          %run_scoped3A_293 = tpu.sem_alloc : memref<!tpu.dma_semaphore, #tpu.memory_space<semaphore_mem>>
          %dma_start3A_294 = arith.constant 0 : i32
          %dma_start3A_295 = tpu.memref_slice %arg14[%run_scoped3A_252, %dma_start3A_294] : memref<2x200xi32, #tpu.memory_space<vmem>> -> memref<1x200xi32, #tpu.memory_space<vmem>>
          %dma_start3A_296 = tpu.memref_squeeze %dma_start3A_295 : memref<1x200xi32, #tpu.memory_space<vmem>> -> memref<200xi32, #tpu.memory_space<vmem>>
          %dma_start3A_297 = tpu.memref_slice %arg3[%add3A_250] : memref<320000xi32, #tpu.memory_space<hbm>> -> memref<200xi32, #tpu.memory_space<hbm>>
          %dma_start3A_298 = arith.constant 0 : i32
          %dma_start3A_299 = tpu.memref_slice %arg14[%run_scoped3A_252, %dma_start3A_298] : memref<2x200xi32, #tpu.memory_space<vmem>> -> memref<1x200xi32, #tpu.memory_space<vmem>>
          %dma_start3A_300 = tpu.memref_squeeze %dma_start3A_299 : memref<1x200xi32, #tpu.memory_space<vmem>> -> memref<200xi32, #tpu.memory_space<vmem>>
          %dma_start3A_301 = tpu.memref_slice %arg3[%add3A_250] : memref<320000xi32, #tpu.memory_space<hbm>> -> memref<200xi32, #tpu.memory_space<hbm>>
          tpu.enqueue_dma source(%dma_start3A_301 : memref<200xi32, #tpu.memory_space<hbm>>) target(%dma_start3A_300 : memref<200xi32, #tpu.memory_space<vmem>>) target_semaphore(%run_scoped3A_293 : memref<!tpu.dma_semaphore, #tpu.memory_space<semaphore_mem>>)
          %dma_wait3A_302 = arith.constant 0 : i32
          %dma_wait3A_303 = tpu.memref_slice %arg14[%run_scoped3A_252, %dma_wait3A_302] : memref<2x200xi32, #tpu.memory_space<vmem>> -> memref<1x200xi32, #tpu.memory_space<vmem>>
          %dma_wait3A_304 = tpu.memref_squeeze %dma_wait3A_303 : memref<1x200xi32, #tpu.memory_space<vmem>> -> memref<200xi32, #tpu.memory_space<vmem>>
          %dma_wait3A_305 = tpu.memref_slice %arg3[%add3A_250] : memref<320000xi32, #tpu.memory_space<hbm>> -> memref<200xi32, #tpu.memory_space<hbm>>
          %dma_wait3A_306 = arith.constant 0 : i32
          %dma_wait3A_307 = tpu.memref_slice %arg14[%run_scoped3A_252, %dma_wait3A_306] : memref<2x200xi32, #tpu.memory_space<vmem>> -> memref<1x200xi32, #tpu.memory_space<vmem>>
          %dma_wait3A_308 = tpu.memref_squeeze %dma_wait3A_307 : memref<1x200xi32, #tpu.memory_space<vmem>> -> memref<200xi32, #tpu.memory_space<vmem>>
          %dma_wait3A_309 = tpu.memref_slice %arg3[%add3A_250] : memref<320000xi32, #tpu.memory_space<hbm>> -> memref<200xi32, #tpu.memory_space<hbm>>
          tpu.wait_dma2 semaphore(%run_scoped3A_293 : memref<!tpu.dma_semaphore, #tpu.memory_space<semaphore_mem>>) src(%dma_wait3A_309 : memref<200xi32, #tpu.memory_space<hbm>>) dst(%dma_wait3A_308 : memref<200xi32, #tpu.memory_space<vmem>>)
          tpu.yield
        }) : () -> ()
        %mul3A_253 = arith.constant 320000 : i32
        %mul3A_254 = arith.muli %arg0, %mul3A_253 : i32
        %add3A_255 = arith.addi %mul3A_254, %add3A_250 : i32
        %run_scoped3A_256 = arith.constant 0 : i32
        "tpu.region"() ({
          %run_scoped3A_293 = tpu.sem_alloc : memref<!tpu.dma_semaphore, #tpu.memory_space<semaphore_mem>>
          %dma_start3A_294 = arith.constant 0 : i32
          %dma_start3A_295 = tpu.memref_slice %arg15[%run_scoped3A_256, %dma_start3A_294] : memref<2x200xi32, #tpu.memory_space<vmem>> -> memref<1x200xi32, #tpu.memory_space<vmem>>
          %dma_start3A_296 = tpu.memref_squeeze %dma_start3A_295 : memref<1x200xi32, #tpu.memory_space<vmem>> -> memref<200xi32, #tpu.memory_space<vmem>>
          %dma_start3A_297 = tpu.memref_slice %arg4[%add3A_255] : memref<640000xi32, #tpu.memory_space<hbm>> -> memref<200xi32, #tpu.memory_space<hbm>>
          %dma_start3A_298 = arith.constant 0 : i32
          %dma_start3A_299 = tpu.memref_slice %arg15[%run_scoped3A_256, %dma_start3A_298] : memref<2x200xi32, #tpu.memory_space<vmem>> -> memref<1x200xi32, #tpu.memory_space<vmem>>
          %dma_start3A_300 = tpu.memref_squeeze %dma_start3A_299 : memref<1x200xi32, #tpu.memory_space<vmem>> -> memref<200xi32, #tpu.memory_space<vmem>>
          %dma_start3A_301 = tpu.memref_slice %arg4[%add3A_255] : memref<640000xi32, #tpu.memory_space<hbm>> -> memref<200xi32, #tpu.memory_space<hbm>>
          tpu.enqueue_dma source(%dma_start3A_301 : memref<200xi32, #tpu.memory_space<hbm>>) target(%dma_start3A_300 : memref<200xi32, #tpu.memory_space<vmem>>) target_semaphore(%run_scoped3A_293 : memref<!tpu.dma_semaphore, #tpu.memory_space<semaphore_mem>>)
          %dma_wait3A_302 = arith.constant 0 : i32
          %dma_wait3A_303 = tpu.memref_slice %arg15[%run_scoped3A_256, %dma_wait3A_302] : memref<2x200xi32, #tpu.memory_space<vmem>> -> memref<1x200xi32, #tpu.memory_space<vmem>>
          %dma_wait3A_304 = tpu.memref_squeeze %dma_wait3A_303 : memref<1x200xi32, #tpu.memory_space<vmem>> -> memref<200xi32, #tpu.memory_space<vmem>>
          %dma_wait3A_305 = tpu.memref_slice %arg4[%add3A_255] : memref<640000xi32, #tpu.memory_space<hbm>> -> memref<200xi32, #tpu.memory_space<hbm>>
          %dma_wait3A_306 = arith.constant 0 : i32
          %dma_wait3A_307 = tpu.memref_slice %arg15[%run_scoped3A_256, %dma_wait3A_306] : memref<2x200xi32, #tpu.memory_space<vmem>> -> memref<1x200xi32, #tpu.memory_space<vmem>>
          %dma_wait3A_308 = tpu.memref_squeeze %dma_wait3A_307 : memref<1x200xi32, #tpu.memory_space<vmem>> -> memref<200xi32, #tpu.memory_space<vmem>>
          %dma_wait3A_309 = tpu.memref_slice %arg4[%add3A_255] : memref<640000xi32, #tpu.memory_space<hbm>> -> memref<200xi32, #tpu.memory_space<hbm>>
          tpu.wait_dma2 semaphore(%run_scoped3A_293 : memref<!tpu.dma_semaphore, #tpu.memory_space<semaphore_mem>>) src(%dma_wait3A_309 : memref<200xi32, #tpu.memory_space<hbm>>) dst(%dma_wait3A_308 : memref<200xi32, #tpu.memory_space<vmem>>)
          tpu.yield
        }) : () -> ()
        %dma_start3A_257 = arith.constant 0 : i32
        %dma_start3A_258 = arith.constant 0 : i32
        %dma_start3A_259 = arith.constant 0 : i32
        %dma_start3A_260 = arith.constant 0 : i32
        %dma_start3A_261 = tpu.memref_slice %arg16[%dma_start3A_258, %dma_start3A_259, %dma_start3A_260] : memref<2x200x16xf32, #tpu.memory_space<vmem>> -> memref<1x200x16xf32, #tpu.memory_space<vmem>>
        %dma_start3A_262 = tpu.memref_squeeze %dma_start3A_261 : memref<1x200x16xf32, #tpu.memory_space<vmem>> -> memref<200x16xf32, #tpu.memory_space<vmem>>
        %dma_start3A_263 = arith.constant 0 : i32
        %dma_start3A_264 = tpu.memref_slice %arg13[%dma_start3A_257, %dma_start3A_263] : memref<2x200xi32, #tpu.memory_space<vmem>> -> memref<1x200xi32, #tpu.memory_space<vmem>>
        %dma_start3A_265 = tpu.memref_squeeze %dma_start3A_264 : memref<1x200xi32, #tpu.memory_space<vmem>> -> memref<200xi32, #tpu.memory_space<vmem>>
        %dma_start3A_266 = arith.constant 0 : i32
        %dma_start3A_267 = arith.constant 0 : i32
        %dma_start3A_268 = tpu.memref_slice %arg5[%dma_start3A_266, %dma_start3A_267] : memref<10000x16xf32, #tpu.memory_space<hbm>> -> memref<10000x16xf32, #tpu.memory_space<hbm>>
        tpu.enqueue_indirect_dma source(%dma_start3A_268 : memref<10000x16xf32, #tpu.memory_space<hbm>>) target(%dma_start3A_262 : memref<200x16xf32, #tpu.memory_space<vmem>>) offsets(%dma_start3A_265 : memref<200xi32, #tpu.memory_space<vmem>>) semaphore(%arg24 : memref<!tpu.dma_semaphore, #tpu.memory_space<semaphore_mem>>)
        %dma_start3A_269 = arith.constant 0 : i32
        %dma_start3A_270 = arith.constant 0 : i32
        %dma_start3A_271 = arith.constant 0 : i32
        %dma_start3A_272 = arith.constant 0 : i32
        %dma_start3A_273 = tpu.memref_slice %arg17[%dma_start3A_270, %dma_start3A_271, %dma_start3A_272] : memref<2x200x16xf32, #tpu.memory_space<vmem>> -> memref<1x200x16xf32, #tpu.memory_space<vmem>>
        %dma_start3A_274 = tpu.memref_squeeze %dma_start3A_273 : memref<1x200x16xf32, #tpu.memory_space<vmem>> -> memref<200x16xf32, #tpu.memory_space<vmem>>
        %dma_start3A_275 = arith.constant 0 : i32
        %dma_start3A_276 = tpu.memref_slice %arg14[%dma_start3A_269, %dma_start3A_275] : memref<2x200xi32, #tpu.memory_space<vmem>> -> memref<1x200xi32, #tpu.memory_space<vmem>>
        %dma_start3A_277 = tpu.memref_squeeze %dma_start3A_276 : memref<1x200xi32, #tpu.memory_space<vmem>> -> memref<200xi32, #tpu.memory_space<vmem>>
        %dma_start3A_278 = arith.constant 0 : i32
        %dma_start3A_279 = arith.constant 0 : i32
        %dma_start3A_280 = tpu.memref_slice %arg6[%dma_start3A_278, %dma_start3A_279] : memref<10000x16xf32, #tpu.memory_space<hbm>> -> memref<10000x16xf32, #tpu.memory_space<hbm>>
        tpu.enqueue_indirect_dma source(%dma_start3A_280 : memref<10000x16xf32, #tpu.memory_space<hbm>>) target(%dma_start3A_274 : memref<200x16xf32, #tpu.memory_space<vmem>>) offsets(%dma_start3A_277 : memref<200xi32, #tpu.memory_space<vmem>>) semaphore(%arg24 : memref<!tpu.dma_semaphore, #tpu.memory_space<semaphore_mem>>)
        %dma_start3A_281 = arith.constant 0 : i32
        %dma_start3A_282 = arith.constant 0 : i32
        %dma_start3A_283 = arith.constant 0 : i32
        %dma_start3A_284 = arith.constant 0 : i32
        %dma_start3A_285 = tpu.memref_slice %arg18[%dma_start3A_282, %dma_start3A_283, %dma_start3A_284] : memref<2x200x64xf32, #tpu.memory_space<vmem>> -> memref<1x200x64xf32, #tpu.memory_space<vmem>>
        %dma_start3A_286 = tpu.memref_squeeze %dma_start3A_285 : memref<1x200x64xf32, #tpu.memory_space<vmem>> -> memref<200x64xf32, #tpu.memory_space<vmem>>
        %dma_start3A_287 = arith.constant 0 : i32
        %dma_start3A_288 = tpu.memref_slice %arg15[%dma_start3A_281, %dma_start3A_287] : memref<2x200xi32, #tpu.memory_space<vmem>> -> memref<1x200xi32, #tpu.memory_space<vmem>>
        %dma_start3A_289 = tpu.memref_squeeze %dma_start3A_288 : memref<1x200xi32, #tpu.memory_space<vmem>> -> memref<200xi32, #tpu.memory_space<vmem>>
        %dma_start3A_290 = arith.constant 0 : i32
        %dma_start3A_291 = arith.constant 0 : i32
        %dma_start3A_292 = tpu.memref_slice %arg7[%dma_start3A_290, %dma_start3A_291] : memref<20000x64xf32, #tpu.memory_space<hbm>> -> memref<20000x64xf32, #tpu.memory_space<hbm>>
        tpu.enqueue_indirect_dma source(%dma_start3A_292 : memref<20000x64xf32, #tpu.memory_space<hbm>>) target(%dma_start3A_286 : memref<200x64xf32, #tpu.memory_space<vmem>>) offsets(%dma_start3A_289 : memref<200xi32, #tpu.memory_space<vmem>>) semaphore(%arg26 : memref<!tpu.dma_semaphore, #tpu.memory_space<semaphore_mem>>)
      } else {
      }
      %parallel_loop3A_217 = arith.constant 0 : i32
      %parallel_loop3A_218 = arith.constant 200 : i32
      %parallel_loop3A_219 = arith.constant 1 : i32
      scf.for %parallel_loop3A_240 = %parallel_loop3A_217 to %parallel_loop3A_218 step %parallel_loop3A_219  : i32 {
        %parallel_loop3A_241 = arith.constant 1 : i32
        %parallel_loop3A_242 = arith.index_cast %parallel_loop3A_241 : i32 to index
        %parallel_loop3A_243 = arith.index_cast %parallel_loop3A_240 : i32 to index
        %parallel_loop3A_244 = arith.constant 0 : index
        %parallel_loop3A_245 = tpu.vector_load %arg16[%parallel_loop3A_242, %parallel_loop3A_243, %parallel_loop3A_244] {strides = array<i32>} : memref<2x200x16xf32, #tpu.memory_space<vmem>>, vector<16xf32>,
        %parallel_loop3A_246 = arith.constant 1 : i32
        %parallel_loop3A_247 = arith.index_cast %parallel_loop3A_246 : i32 to index
        %parallel_loop3A_248 = arith.index_cast %parallel_loop3A_240 : i32 to index
        %parallel_loop3A_249 = arith.constant 0 : index
        %parallel_loop3A_250 = tpu.vector_load %arg17[%parallel_loop3A_247, %parallel_loop3A_248, %parallel_loop3A_249] {strides = array<i32>} : memref<2x200x16xf32, #tpu.memory_space<vmem>>, vector<16xf32>,
        %parallel_loop3A_251 = arith.addf %parallel_loop3A_245, %parallel_loop3A_250 : vector<16xf32>
        %parallel_loop3A_252 = arith.constant 0.000000e+00 : f32
        %parallel_loop3A_253 = vector.broadcast %parallel_loop3A_252 : f32 to vector<16xf32>
        %parallel_loop3A_254 = arith.cmpf oge, %parallel_loop3A_251, %parallel_loop3A_253 : vector<16xf32>
        %parallel_loop3A_255 = arith.constant 2.000000e-01 : f32
        %parallel_loop3A_256 = vector.broadcast %parallel_loop3A_255 : f32 to vector<16xf32>
        %parallel_loop3A_257 = arith.mulf %parallel_loop3A_256, %parallel_loop3A_251 : vector<16xf32>
        %parallel_loop3A_258 = arith.select %parallel_loop3A_254, %parallel_loop3A_251, %parallel_loop3A_257 : vector<16xi1>, vector<16xf32>
        %parallel_loop3A_259 = arith.subf %parallel_loop3A_258, %get3A_1 : vector<16xf32>
        %parallel_loop3A_260 = math.exp %parallel_loop3A_259 : vector<16xf32>
        %parallel_loop3A_261 = arith.constant 1 : i32
        %parallel_loop3A_262 = arith.index_cast %parallel_loop3A_261 : i32 to index
        %parallel_loop3A_263 = arith.index_cast %parallel_loop3A_240 : i32 to index
        %parallel_loop3A_264 = arith.constant 0 : index
        %parallel_loop3A_265 = tpu.vector_load %arg19[%parallel_loop3A_262, %parallel_loop3A_263, %parallel_loop3A_264] {strides = array<i32>} : memref<2x200x16xf32, #tpu.memory_space<vmem>>, vector<16xf32>,
        tpu.vector_store %arg19[%parallel_loop3A_262, %parallel_loop3A_263, %parallel_loop3A_264], %parallel_loop3A_260 {strides = array<i32>} : memref<2x200x16xf32, #tpu.memory_space<vmem>>, vector<16xf32>,
        %parallel_loop3A_266 = arith.constant 16 : i32
        %parallel_loop3A_267 = arith.muli %parallel_loop3A_240, %parallel_loop3A_266 : i32
        %parallel_loop3A_268 = arith.constant 1 : i32
        %parallel_loop3A_269 = arith.index_cast %parallel_loop3A_268 : i32 to index
        %parallel_loop3A_270 = arith.index_cast %parallel_loop3A_267 : i32 to index
        %parallel_loop3A_271 = tpu.vector_load %arg20[%parallel_loop3A_269, %parallel_loop3A_270] {strides = array<i32>} : memref<2x3200xf32, #tpu.memory_space<vmem>>, vector<16xf32>,
        tpu.vector_store %arg20[%parallel_loop3A_269, %parallel_loop3A_270], %parallel_loop3A_260 {strides = array<i32>} : memref<2x3200xf32, #tpu.memory_space<vmem>>, vector<16xf32>,
      } {sc.loop_unroll_factor = 8 : i64, sc.parallel_access}
      %parallel_loop3A_220 = arith.constant 0 : i32
      %parallel_loop3A_221 = arith.constant 200 : i32
      %parallel_loop3A_222 = arith.constant 1 : i32
      scf.for %parallel_loop3A_240 = %parallel_loop3A_220 to %parallel_loop3A_221 step %parallel_loop3A_222  : i32 {
        %parallel_loop3A_241 = arith.constant 16 : i32
        %parallel_loop3A_242 = arith.muli %parallel_loop3A_240, %parallel_loop3A_241 : i32
        %parallel_loop3A_243 = vector.broadcast %parallel_loop3A_242 : i32 to vector<16xi32>
        %parallel_loop3A_244 = arith.addi %parallel_loop3A_243, %broadcast_in_dim3A_4 : vector<16xi32>
        %parallel_loop3A_245 = vector.broadcast %mul3A_3 : i32 to vector<16xi32>
        %parallel_loop3A_246 = arith.addi %parallel_loop3A_244, %parallel_loop3A_245 : vector<16xi32>
        %parallel_loop3A_247 = arith.constant 1 : i32
        %parallel_loop3A_248 = arith.constant 0 : i32
        %parallel_loop3A_249 = tpu.memref_slice %arg20[%parallel_loop3A_247, %parallel_loop3A_248] : memref<2x3200xf32, #tpu.memory_space<vmem>> -> memref<1x3200xf32, #tpu.memory_space<vmem>>
        %parallel_loop3A_250 = tpu.memref_squeeze %parallel_loop3A_249 : memref<1x3200xf32, #tpu.memory_space<vmem>> -> memref<3200xf32, #tpu.memory_space<vmem>>
        %parallel_loop3A_251 = tpu.vector_load_idx %parallel_loop3A_250[%parallel_loop3A_246] : memref<3200xf32, #tpu.memory_space<vmem>>[vector<16xi32>], vector<16xf32>,
        %parallel_loop3A_252 = arith.constant 1 : i32
        %parallel_loop3A_253 = arith.index_cast %parallel_loop3A_252 : i32 to index
        %parallel_loop3A_254 = arith.index_cast %parallel_loop3A_240 : i32 to index
        %parallel_loop3A_255 = arith.constant 0 : index
        %parallel_loop3A_256 = tpu.vector_load %arg18[%parallel_loop3A_253, %parallel_loop3A_254, %parallel_loop3A_255] {strides = array<i32>} : memref<2x200x64xf32, #tpu.memory_space<vmem>>, vector<16xf32>,
        %parallel_loop3A_257 = arith.mulf %parallel_loop3A_256, %parallel_loop3A_251 : vector<16xf32>
        %parallel_loop3A_258 = arith.constant 1 : i32
        %parallel_loop3A_259 = arith.index_cast %parallel_loop3A_258 : i32 to index
        %parallel_loop3A_260 = arith.index_cast %parallel_loop3A_240 : i32 to index
        %parallel_loop3A_261 = arith.constant 0 : index
        %parallel_loop3A_262 = tpu.vector_load %arg18[%parallel_loop3A_259, %parallel_loop3A_260, %parallel_loop3A_261] {strides = array<i32>} : memref<2x200x64xf32, #tpu.memory_space<vmem>>, vector<16xf32>,
        tpu.vector_store %arg18[%parallel_loop3A_259, %parallel_loop3A_260, %parallel_loop3A_261], %parallel_loop3A_257 {strides = array<i32>} : memref<2x200x64xf32, #tpu.memory_space<vmem>>, vector<16xf32>,
        %parallel_loop3A_263 = arith.addi %parallel_loop3A_243, %broadcast_in_dim3A_6 : vector<16xi32>
        %parallel_loop3A_264 = vector.broadcast %mul3A_3 : i32 to vector<16xi32>
        %parallel_loop3A_265 = arith.addi %parallel_loop3A_263, %parallel_loop3A_264 : vector<16xi32>
        %parallel_loop3A_266 = arith.constant 1 : i32
        %parallel_loop3A_267 = arith.constant 0 : i32
        %parallel_loop3A_268 = tpu.memref_slice %arg20[%parallel_loop3A_266, %parallel_loop3A_267] : memref<2x3200xf32, #tpu.memory_space<vmem>> -> memref<1x3200xf32, #tpu.memory_space<vmem>>
        %parallel_loop3A_269 = tpu.memref_squeeze %parallel_loop3A_268 : memref<1x3200xf32, #tpu.memory_space<vmem>> -> memref<3200xf32, #tpu.memory_space<vmem>>
        %parallel_loop3A_270 = tpu.vector_load_idx %parallel_loop3A_269[%parallel_loop3A_265] : memref<3200xf32, #tpu.memory_space<vmem>>[vector<16xi32>], vector<16xf32>,
        %parallel_loop3A_271 = arith.constant 1 : i32
        %parallel_loop3A_272 = arith.index_cast %parallel_loop3A_271 : i32 to index
        %parallel_loop3A_273 = arith.index_cast %parallel_loop3A_240 : i32 to index
        %parallel_loop3A_274 = arith.constant 16 : index
        %parallel_loop3A_275 = tpu.vector_load %arg18[%parallel_loop3A_272, %parallel_loop3A_273, %parallel_loop3A_274] {strides = array<i32>} : memref<2x200x64xf32, #tpu.memory_space<vmem>>, vector<16xf32>,
        %parallel_loop3A_276 = arith.mulf %parallel_loop3A_275, %parallel_loop3A_270 : vector<16xf32>
        %parallel_loop3A_277 = arith.constant 1 : i32
        %parallel_loop3A_278 = arith.index_cast %parallel_loop3A_277 : i32 to index
        %parallel_loop3A_279 = arith.index_cast %parallel_loop3A_240 : i32 to index
        %parallel_loop3A_280 = arith.constant 16 : index
        %parallel_loop3A_281 = tpu.vector_load %arg18[%parallel_loop3A_278, %parallel_loop3A_279, %parallel_loop3A_280] {strides = array<i32>} : memref<2x200x64xf32, #tpu.memory_space<vmem>>, vector<16xf32>,
        tpu.vector_store %arg18[%parallel_loop3A_278, %parallel_loop3A_279, %parallel_loop3A_280], %parallel_loop3A_276 {strides = array<i32>} : memref<2x200x64xf32, #tpu.memory_space<vmem>>, vector<16xf32>,
        %parallel_loop3A_282 = arith.addi %parallel_loop3A_243, %broadcast_in_dim3A_8 : vector<16xi32>
        %parallel_loop3A_283 = vector.broadcast %mul3A_3 : i32 to vector<16xi32>
        %parallel_loop3A_284 = arith.addi %parallel_loop3A_282, %parallel_loop3A_283 : vector<16xi32>
        %parallel_loop3A_285 = arith.constant 1 : i32
        %parallel_loop3A_286 = arith.constant 0 : i32
        %parallel_loop3A_287 = tpu.memref_slice %arg20[%parallel_loop3A_285, %parallel_loop3A_286] : memref<2x3200xf32, #tpu.memory_space<vmem>> -> memref<1x3200xf32, #tpu.memory_space<vmem>>
        %parallel_loop3A_288 = tpu.memref_squeeze %parallel_loop3A_287 : memref<1x3200xf32, #tpu.memory_space<vmem>> -> memref<3200xf32, #tpu.memory_space<vmem>>
        %parallel_loop3A_289 = tpu.vector_load_idx %parallel_loop3A_288[%parallel_loop3A_284] : memref<3200xf32, #tpu.memory_space<vmem>>[vector<16xi32>], vector<16xf32>,
        %parallel_loop3A_290 = arith.constant 1 : i32
        %parallel_loop3A_291 = arith.index_cast %parallel_loop3A_290 : i32 to index
        %parallel_loop3A_292 = arith.index_cast %parallel_loop3A_240 : i32 to index
        %parallel_loop3A_293 = arith.constant 32 : index
        %parallel_loop3A_294 = tpu.vector_load %arg18[%parallel_loop3A_291, %parallel_loop3A_292, %parallel_loop3A_293] {strides = array<i32>} : memref<2x200x64xf32, #tpu.memory_space<vmem>>, vector<16xf32>,
        %parallel_loop3A_295 = arith.mulf %parallel_loop3A_294, %parallel_loop3A_289 : vector<16xf32>
        %parallel_loop3A_296 = arith.constant 1 : i32
        %parallel_loop3A_297 = arith.index_cast %parallel_loop3A_296 : i32 to index
        %parallel_loop3A_298 = arith.index_cast %parallel_loop3A_240 : i32 to index
        %parallel_loop3A_299 = arith.constant 32 : index
        %parallel_loop3A_300 = tpu.vector_load %arg18[%parallel_loop3A_297, %parallel_loop3A_298, %parallel_loop3A_299] {strides = array<i32>} : memref<2x200x64xf32, #tpu.memory_space<vmem>>, vector<16xf32>,
        tpu.vector_store %arg18[%parallel_loop3A_297, %parallel_loop3A_298, %parallel_loop3A_299], %parallel_loop3A_295 {strides = array<i32>} : memref<2x200x64xf32, #tpu.memory_space<vmem>>, vector<16xf32>,
        %parallel_loop3A_301 = arith.addi %parallel_loop3A_243, %broadcast_in_dim3A_10 : vector<16xi32>
        %parallel_loop3A_302 = vector.broadcast %mul3A_3 : i32 to vector<16xi32>
        %parallel_loop3A_303 = arith.addi %parallel_loop3A_301, %parallel_loop3A_302 : vector<16xi32>
        %parallel_loop3A_304 = arith.constant 1 : i32
        %parallel_loop3A_305 = arith.constant 0 : i32
        %parallel_loop3A_306 = tpu.memref_slice %arg20[%parallel_loop3A_304, %parallel_loop3A_305] : memref<2x3200xf32, #tpu.memory_space<vmem>> -> memref<1x3200xf32, #tpu.memory_space<vmem>>
        %parallel_loop3A_307 = tpu.memref_squeeze %parallel_loop3A_306 : memref<1x3200xf32, #tpu.memory_space<vmem>> -> memref<3200xf32, #tpu.memory_space<vmem>>
        %parallel_loop3A_308 = tpu.vector_load_idx %parallel_loop3A_307[%parallel_loop3A_303] : memref<3200xf32, #tpu.memory_space<vmem>>[vector<16xi32>], vector<16xf32>,
        %parallel_loop3A_309 = arith.constant 1 : i32
        %parallel_loop3A_310 = arith.index_cast %parallel_loop3A_309 : i32 to index
        %parallel_loop3A_311 = arith.index_cast %parallel_loop3A_240 : i32 to index
        %parallel_loop3A_312 = arith.constant 48 : index
        %parallel_loop3A_313 = tpu.vector_load %arg18[%parallel_loop3A_310, %parallel_loop3A_311, %parallel_loop3A_312] {strides = array<i32>} : memref<2x200x64xf32, #tpu.memory_space<vmem>>, vector<16xf32>,
        %parallel_loop3A_314 = arith.mulf %parallel_loop3A_313, %parallel_loop3A_308 : vector<16xf32>
        %parallel_loop3A_315 = arith.constant 1 : i32
        %parallel_loop3A_316 = arith.index_cast %parallel_loop3A_315 : i32 to index
        %parallel_loop3A_317 = arith.index_cast %parallel_loop3A_240 : i32 to index
        %parallel_loop3A_318 = arith.constant 48 : index
        %parallel_loop3A_319 = tpu.vector_load %arg18[%parallel_loop3A_316, %parallel_loop3A_317, %parallel_loop3A_318] {strides = array<i32>} : memref<2x200x64xf32, #tpu.memory_space<vmem>>, vector<16xf32>,
        tpu.vector_store %arg18[%parallel_loop3A_316, %parallel_loop3A_317, %parallel_loop3A_318], %parallel_loop3A_314 {strides = array<i32>} : memref<2x200x64xf32, #tpu.memory_space<vmem>>, vector<16xf32>,
      } {sc.loop_unroll_factor = 8 : i64, sc.parallel_access}
      %eq3A_223 = arith.constant 0 : i32
      %eq3A_224 = arith.cmpi eq, %arg0, %eq3A_223 : i32
      %convert_element_type3A_225 = arith.extui %eq3A_224 : i1 to i32
      %cond3A_226 = arith.constant 0 : i32
      %cond3A_227 = arith.cmpi ne, %convert_element_type3A_225, %cond3A_226 : i32
      scf.if %cond3A_227 {
        %dma_start3A_240 = arith.constant 1 : i32
        %dma_start3A_241 = arith.constant 1 : i32
        %dma_start3A_242 = arith.constant 0 : i32
        %dma_start3A_243 = arith.constant 0 : i32
        %dma_start3A_244 = tpu.memref_slice %arg19[%dma_start3A_240, %dma_start3A_242, %dma_start3A_243] : memref<2x200x16xf32, #tpu.memory_space<vmem>> -> memref<1x200x16xf32, #tpu.memory_space<vmem>>
        %dma_start3A_245 = tpu.memref_squeeze %dma_start3A_244 : memref<1x200x16xf32, #tpu.memory_space<vmem>> -> memref<200x16xf32, #tpu.memory_space<vmem>>
        %dma_start3A_246 = arith.constant 0 : i32
        %dma_start3A_247 = tpu.memref_slice %arg14[%dma_start3A_241, %dma_start3A_246] : memref<2x200xi32, #tpu.memory_space<vmem>> -> memref<1x200xi32, #tpu.memory_space<vmem>>
        %dma_start3A_248 = tpu.memref_squeeze %dma_start3A_247 : memref<1x200xi32, #tpu.memory_space<vmem>> -> memref<200xi32, #tpu.memory_space<vmem>>
        %dma_start3A_249 = arith.constant 0 : i32
        %dma_start3A_250 = arith.constant 0 : i32
        %dma_start3A_251 = tpu.memref_slice %arg23[%dma_start3A_249, %dma_start3A_250] : memref<10240x16xf32, #tpu.memory_space<vmem_shared>> -> memref<10240x16xf32, #tpu.memory_space<vmem_shared>>
        tpu.enqueue_indirect_dma source(%dma_start3A_245 : memref<200x16xf32, #tpu.memory_space<vmem>>) target(%dma_start3A_251 : memref<10240x16xf32, #tpu.memory_space<vmem_shared>>) offsets(%dma_start3A_248 : memref<200xi32, #tpu.memory_space<vmem>>) semaphore(%arg31 : memref<!tpu.dma_semaphore, #tpu.memory_space<semaphore_mem>>) {add = true}
      } else {
      }
      %dma_start3A_228 = arith.constant 1 : i32
      %dma_start3A_229 = arith.constant 1 : i32
      %dma_start3A_230 = arith.constant 0 : i32
      %dma_start3A_231 = arith.constant 0 : i32
      %dma_start3A_232 = tpu.memref_slice %arg18[%dma_start3A_228, %dma_start3A_230, %dma_start3A_231] : memref<2x200x64xf32, #tpu.memory_space<vmem>> -> memref<1x200x64xf32, #tpu.memory_space<vmem>>
      %dma_start3A_233 = tpu.memref_squeeze %dma_start3A_232 : memref<1x200x64xf32, #tpu.memory_space<vmem>> -> memref<200x64xf32, #tpu.memory_space<vmem>>
      %dma_start3A_234 = arith.constant 0 : i32
      %dma_start3A_235 = tpu.memref_slice %arg14[%dma_start3A_229, %dma_start3A_234] : memref<2x200xi32, #tpu.memory_space<vmem>> -> memref<1x200xi32, #tpu.memory_space<vmem>>
      %dma_start3A_236 = tpu.memref_squeeze %dma_start3A_235 : memref<1x200xi32, #tpu.memory_space<vmem>> -> memref<200xi32, #tpu.memory_space<vmem>>
      %dma_start3A_237 = arith.constant 0 : i32
      %dma_start3A_238 = arith.constant 0 : i32
      %dma_start3A_239 = tpu.memref_slice %arg22[%dma_start3A_237, %dma_start3A_238] : memref<10240x64xf32, #tpu.memory_space<vmem_shared>> -> memref<10240x64xf32, #tpu.memory_space<vmem_shared>>
      tpu.enqueue_indirect_dma source(%dma_start3A_233 : memref<200x64xf32, #tpu.memory_space<vmem>>) target(%dma_start3A_239 : memref<10240x64xf32, #tpu.memory_space<vmem_shared>>) offsets(%dma_start3A_236 : memref<200xi32, #tpu.memory_space<vmem>>) semaphore(%arg29 : memref<!tpu.dma_semaphore, #tpu.memory_space<semaphore_mem>>) {add = true}
    }
    %scan3A_66 = arith.constant 50 : i32
    %dma_wait3A = arith.constant 0 : i32
    %dma_wait3A_67 = arith.constant 0 : i32
    %dma_wait3A_68 = arith.constant 0 : i32
    %dma_wait3A_69 = arith.constant 0 : i32
    %dma_wait3A_70 = tpu.memref_slice %arg18[%dma_wait3A, %dma_wait3A_68, %dma_wait3A_69] : memref<2x200x64xf32, #tpu.memory_space<vmem>> -> memref<1x200x64xf32, #tpu.memory_space<vmem>>
    %dma_wait3A_71 = tpu.memref_squeeze %dma_wait3A_70 : memref<1x200x64xf32, #tpu.memory_space<vmem>> -> memref<200x64xf32, #tpu.memory_space<vmem>>
    %dma_wait3A_72 = arith.constant 0 : i32
    %dma_wait3A_73 = tpu.memref_slice %arg14[%dma_wait3A_67, %dma_wait3A_72] : memref<2x200xi32, #tpu.memory_space<vmem>> -> memref<1x200xi32, #tpu.memory_space<vmem>>
    %dma_wait3A_74 = tpu.memref_squeeze %dma_wait3A_73 : memref<1x200xi32, #tpu.memory_space<vmem>> -> memref<200xi32, #tpu.memory_space<vmem>>
    %dma_wait3A_75 = arith.constant 0 : i32
    %dma_wait3A_76 = arith.constant 0 : i32
    %dma_wait3A_77 = tpu.memref_slice %arg22[%dma_wait3A_75, %dma_wait3A_76] : memref<10240x64xf32, #tpu.memory_space<vmem_shared>> -> memref<10240x64xf32, #tpu.memory_space<vmem_shared>>
    tpu.wait_indirect_dma semaphore(%arg28 : memref<!tpu.dma_semaphore, #tpu.memory_space<semaphore_mem>>) src(%dma_wait3A_71 : memref<200x64xf32, #tpu.memory_space<vmem>>) dst(%dma_wait3A_77 : memref<10240x64xf32, #tpu.memory_space<vmem_shared>>)
    %eq3A = arith.constant 0 : i32
    %eq3A_78 = arith.cmpi eq, %arg0, %eq3A : i32
    %convert_element_type3A = arith.extui %eq3A_78 : i1 to i32
    %cond3A = arith.constant 0 : i32
    %cond3A_79 = arith.cmpi ne, %convert_element_type3A, %cond3A : i32
    scf.if %cond3A_79 {
      %dma_wait3A_103 = arith.constant 0 : i32
      %dma_wait3A_104 = arith.constant 0 : i32
      %dma_wait3A_105 = arith.constant 0 : i32
      %dma_wait3A_106 = arith.constant 0 : i32
      %dma_wait3A_107 = tpu.memref_slice %arg19[%dma_wait3A_103, %dma_wait3A_105, %dma_wait3A_106] : memref<2x200x16xf32, #tpu.memory_space<vmem>> -> memref<1x200x16xf32, #tpu.memory_space<vmem>>
      %dma_wait3A_108 = tpu.memref_squeeze %dma_wait3A_107 : memref<1x200x16xf32, #tpu.memory_space<vmem>> -> memref<200x16xf32, #tpu.memory_space<vmem>>
      %dma_wait3A_109 = arith.constant 0 : i32
      %dma_wait3A_110 = tpu.memref_slice %arg14[%dma_wait3A_104, %dma_wait3A_109] : memref<2x200xi32, #tpu.memory_space<vmem>> -> memref<1x200xi32, #tpu.memory_space<vmem>>
      %dma_wait3A_111 = tpu.memref_squeeze %dma_wait3A_110 : memref<1x200xi32, #tpu.memory_space<vmem>> -> memref<200xi32, #tpu.memory_space<vmem>>
      %dma_wait3A_112 = arith.constant 0 : i32
      %dma_wait3A_113 = arith.constant 0 : i32
      %dma_wait3A_114 = tpu.memref_slice %arg23[%dma_wait3A_112, %dma_wait3A_113] : memref<10240x16xf32, #tpu.memory_space<vmem_shared>> -> memref<10240x16xf32, #tpu.memory_space<vmem_shared>>
      tpu.wait_indirect_dma semaphore(%arg30 : memref<!tpu.dma_semaphore, #tpu.memory_space<semaphore_mem>>) src(%dma_wait3A_108 : memref<200x16xf32, #tpu.memory_space<vmem>>) dst(%dma_wait3A_114 : memref<10240x16xf32, #tpu.memory_space<vmem_shared>>)
    } else {
    }
    %dma_wait3A_80 = arith.constant 1 : i32
    %dma_wait3A_81 = arith.constant 1 : i32
    %dma_wait3A_82 = arith.constant 0 : i32
    %dma_wait3A_83 = arith.constant 0 : i32
    %dma_wait3A_84 = tpu.memref_slice %arg18[%dma_wait3A_80, %dma_wait3A_82, %dma_wait3A_83] : memref<2x200x64xf32, #tpu.memory_space<vmem>> -> memref<1x200x64xf32, #tpu.memory_space<vmem>>
    %dma_wait3A_85 = tpu.memref_squeeze %dma_wait3A_84 : memref<1x200x64xf32, #tpu.memory_space<vmem>> -> memref<200x64xf32, #tpu.memory_space<vmem>>
    %dma_wait3A_86 = arith.constant 0 : i32
    %dma_wait3A_87 = tpu.memref_slice %arg14[%dma_wait3A_81, %dma_wait3A_86] : memref<2x200xi32, #tpu.memory_space<vmem>> -> memref<1x200xi32, #tpu.memory_space<vmem>>
    %dma_wait3A_88 = tpu.memref_squeeze %dma_wait3A_87 : memref<1x200xi32, #tpu.memory_space<vmem>> -> memref<200xi32, #tpu.memory_space<vmem>>
    %dma_wait3A_89 = arith.constant 0 : i32
    %dma_wait3A_90 = arith.constant 0 : i32
    %dma_wait3A_91 = tpu.memref_slice %arg22[%dma_wait3A_89, %dma_wait3A_90] : memref<10240x64xf32, #tpu.memory_space<vmem_shared>> -> memref<10240x64xf32, #tpu.memory_space<vmem_shared>>
    tpu.wait_indirect_dma semaphore(%arg29 : memref<!tpu.dma_semaphore, #tpu.memory_space<semaphore_mem>>) src(%dma_wait3A_85 : memref<200x64xf32, #tpu.memory_space<vmem>>) dst(%dma_wait3A_91 : memref<10240x64xf32, #tpu.memory_space<vmem_shared>>)
    %eq3A_92 = arith.constant 0 : i32
    %eq3A_93 = arith.cmpi eq, %arg0, %eq3A_92 : i32
    %convert_element_type3A_94 = arith.extui %eq3A_93 : i1 to i32
    %cond3A_95 = arith.constant 0 : i32
    %cond3A_96 = arith.cmpi ne, %convert_element_type3A_94, %cond3A_95 : i32
    scf.if %cond3A_96 {
      %dma_wait3A_103 = arith.constant 1 : i32
      %dma_wait3A_104 = arith.constant 1 : i32
      %dma_wait3A_105 = arith.constant 0 : i32
      %dma_wait3A_106 = arith.constant 0 : i32
      %dma_wait3A_107 = tpu.memref_slice %arg19[%dma_wait3A_103, %dma_wait3A_105, %dma_wait3A_106] : memref<2x200x16xf32, #tpu.memory_space<vmem>> -> memref<1x200x16xf32, #tpu.memory_space<vmem>>
      %dma_wait3A_108 = tpu.memref_squeeze %dma_wait3A_107 : memref<1x200x16xf32, #tpu.memory_space<vmem>> -> memref<200x16xf32, #tpu.memory_space<vmem>>
      %dma_wait3A_109 = arith.constant 0 : i32
      %dma_wait3A_110 = tpu.memref_slice %arg14[%dma_wait3A_104, %dma_wait3A_109] : memref<2x200xi32, #tpu.memory_space<vmem>> -> memref<1x200xi32, #tpu.memory_space<vmem>>
      %dma_wait3A_111 = tpu.memref_squeeze %dma_wait3A_110 : memref<1x200xi32, #tpu.memory_space<vmem>> -> memref<200xi32, #tpu.memory_space<vmem>>
      %dma_wait3A_112 = arith.constant 0 : i32
      %dma_wait3A_113 = arith.constant 0 : i32
      %dma_wait3A_114 = tpu.memref_slice %arg23[%dma_wait3A_112, %dma_wait3A_113] : memref<10240x16xf32, #tpu.memory_space<vmem_shared>> -> memref<10240x16xf32, #tpu.memory_space<vmem_shared>>
      tpu.wait_indirect_dma semaphore(%arg31 : memref<!tpu.dma_semaphore, #tpu.memory_space<semaphore_mem>>) src(%dma_wait3A_108 : memref<200x16xf32, #tpu.memory_space<vmem>>) dst(%dma_wait3A_114 : memref<10240x16xf32, #tpu.memory_space<vmem_shared>>)
    } else {
    }
    %barrier3A_97 = arith.constant 0 : index
    tpu.barrier barrier_id(%barrier3A_97)
    "tpu.region"() ({
      %run_scoped3A_103 = tpu.sem_alloc : memref<!tpu.dma_semaphore, #tpu.memory_space<semaphore_mem>>
      %dma_start3A_104 = arith.constant 0 : i32
      %dma_start3A_105 = tpu.memref_slice %arg11[%arg0, %mul3A_0, %dma_start3A_104] : memref<2x10240x64xf32, #tpu.memory_space<hbm>> -> memref<1x640x64xf32, #tpu.memory_space<hbm>>
      %dma_start3A_106 = tpu.memref_squeeze %dma_start3A_105 : memref<1x640x64xf32, #tpu.memory_space<hbm>> -> memref<640x64xf32, #tpu.memory_space<hbm>>
      %dma_start3A_107 = arith.constant 0 : i32
      %dma_start3A_108 = tpu.memref_slice %arg22[%mul3A_0, %dma_start3A_107] : memref<10240x64xf32, #tpu.memory_space<vmem_shared>> -> memref<640x64xf32, #tpu.memory_space<vmem_shared>>
      tpu.enqueue_dma source(%dma_start3A_108 : memref<640x64xf32, #tpu.memory_space<vmem_shared>>) target(%dma_start3A_106 : memref<640x64xf32, #tpu.memory_space<hbm>>) target_semaphore(%run_scoped3A_103 : memref<!tpu.dma_semaphore, #tpu.memory_space<semaphore_mem>>)
      %dma_wait3A_109 = arith.constant 0 : i32
      %dma_wait3A_110 = tpu.memref_slice %arg11[%arg0, %mul3A_0, %dma_wait3A_109] : memref<2x10240x64xf32, #tpu.memory_space<hbm>> -> memref<1x640x64xf32, #tpu.memory_space<hbm>>
      %dma_wait3A_111 = tpu.memref_squeeze %dma_wait3A_110 : memref<1x640x64xf32, #tpu.memory_space<hbm>> -> memref<640x64xf32, #tpu.memory_space<hbm>>
      %dma_wait3A_112 = arith.constant 0 : i32
      %dma_wait3A_113 = tpu.memref_slice %arg22[%mul3A_0, %dma_wait3A_112] : memref<10240x64xf32, #tpu.memory_space<vmem_shared>> -> memref<640x64xf32, #tpu.memory_space<vmem_shared>>
      tpu.wait_dma2 semaphore(%run_scoped3A_103 : memref<!tpu.dma_semaphore, #tpu.memory_space<semaphore_mem>>) src(%dma_wait3A_113 : memref<640x64xf32, #tpu.memory_space<vmem_shared>>) dst(%dma_wait3A_111 : memref<640x64xf32, #tpu.memory_space<hbm>>)
      tpu.yield
    }) : () -> ()
    %eq3A_98 = arith.constant 0 : i32
    %eq3A_99 = arith.cmpi eq, %arg0, %eq3A_98 : i32
    %convert_element_type3A_100 = arith.extui %eq3A_99 : i1 to i32
    %cond3A_101 = arith.constant 0 : i32
    %cond3A_102 = arith.cmpi ne, %convert_element_type3A_100, %cond3A_101 : i32
    scf.if %cond3A_102 {
      "tpu.region"() ({
        %run_scoped3A_103 = tpu.sem_alloc : memref<!tpu.dma_semaphore, #tpu.memory_space<semaphore_mem>>
        %dma_start3A_104 = arith.constant 0 : i32
        %dma_start3A_105 = tpu.memref_slice %arg12[%mul3A_0, %dma_start3A_104] : memref<10240x16xf32, #tpu.memory_space<hbm>> -> memref<640x16xf32, #tpu.memory_space<hbm>>
        %dma_start3A_106 = arith.constant 0 : i32
        %dma_start3A_107 = tpu.memref_slice %arg23[%mul3A_0, %dma_start3A_106] : memref<10240x16xf32, #tpu.memory_space<vmem_shared>> -> memref<640x16xf32, #tpu.memory_space<vmem_shared>>
        tpu.enqueue_dma source(%dma_start3A_107 : memref<640x16xf32, #tpu.memory_space<vmem_shared>>) target(%dma_start3A_105 : memref<640x16xf32, #tpu.memory_space<hbm>>) target_semaphore(%run_scoped3A_103 : memref<!tpu.dma_semaphore, #tpu.memory_space<semaphore_mem>>)
        %dma_wait3A_108 = arith.constant 0 : i32
        %dma_wait3A_109 = tpu.memref_slice %arg12[%mul3A_0, %dma_wait3A_108] : memref<10240x16xf32, #tpu.memory_space<hbm>> -> memref<640x16xf32, #tpu.memory_space<hbm>>
        %dma_wait3A_110 = arith.constant 0 : i32
        %dma_wait3A_111 = tpu.memref_slice %arg23[%mul3A_0, %dma_wait3A_110] : memref<10240x16xf32, #tpu.memory_space<vmem_shared>> -> memref<640x16xf32, #tpu.memory_space<vmem_shared>>
        tpu.wait_dma2 semaphore(%run_scoped3A_103 : memref<!tpu.dma_semaphore, #tpu.memory_space<semaphore_mem>>) src(%dma_wait3A_111 : memref<640x16xf32, #tpu.memory_space<vmem_shared>>) dst(%dma_wait3A_109 : memref<640x16xf32, #tpu.memory_space<hbm>>)
        tpu.yield
      }) : () -> ()
    } else {
    }
    return
  }
}

module attributes {stable_mosaic.version = 14 : i64} {
  func.func @_tc1_body(%arg0: memref<10000x128xf32, #tpu.memory_space<vmem>>, %arg1: memref<128x128xf32, #tpu.memory_space<vmem>>, %arg2: memref<128x128xf32, #tpu.memory_space<vmem>>, %arg3: memref<128x16xf32, #tpu.memory_space<vmem>>, %arg4: memref<128x16xf32, #tpu.memory_space<vmem>>, %arg5: memref<2x10000x64xf32, #tpu.memory_space<vmem>>, %arg6: memref<10000x16xf32, #tpu.memory_space<vmem>>, %arg7: memref<10000x16xf32, #tpu.memory_space<vmem>>, %arg8: memref<10000x128xf32, #tpu.memory_space<vmem>>, %arg9: memref<8x128xf32, #tpu.memory_space<vmem>>) attributes {dimension_semantics = [], scalar_prefetch = 0 : i64, scratch_operands = 0 : i64, tpu.core_type = #tpu.core_type<tc>} {
    %get3A = arith.constant 0 : index
    %get3A_0 = arith.constant 0 : index
    %get3A_1 = vector.load %arg0[%get3A, %get3A_0] : memref<10000x128xf32, #tpu.memory_space<vmem>>, vector<10000x128xf32>
    %get3A_2 = arith.constant 0 : index
    %get3A_3 = arith.constant 0 : index
    %get3A_4 = vector.load %arg1[%get3A_2, %get3A_3] : memref<128x128xf32, #tpu.memory_space<vmem>>, vector<128x128xf32>
    %dot_general3A = arith.constant dense<0.000000e+00> : vector<10000x128xf32>
    %dot_general3A_5 = tpu.matmul %get3A_1, %get3A_4, %dot_general3A {dimension_numbers = #tpu.dot_dimension_numbers<[1], [0], [0], [1], [0, 0, 1, 1], [], []>, transpose_lhs_hint = false} : vector<10000x128xf32>, vector<128x128xf32>, vector<10000x128xf32> -> vector<10000x128xf32>
    %slice3A = vector.extract_strided_slice %dot_general3A_5 {offsets = [0, 0], sizes = [10000, 64], strides = [1, 1]} : vector<10000x128xf32> to vector<10000x64xf32>
    %swap3A = arith.constant 0 : index
    %swap3A_6 = arith.constant 0 : index
    %swap3A_7 = arith.constant 0 : index
    %swap3A_8 = vector.load %arg5[%swap3A, %swap3A_6, %swap3A_7] : memref<2x10000x64xf32, #tpu.memory_space<vmem>>, vector<1x10000x64xf32>
    %swap3A_9 = vector.shape_cast %swap3A_8 : vector<1x10000x64xf32> to vector<10000x64xf32>
    %swap3A_10 = vector.shape_cast %slice3A : vector<10000x64xf32> to vector<1x10000x64xf32>
    tpu.vector_store %arg5[%swap3A, %swap3A_6, %swap3A_7], %swap3A_10 {strides = array<i32>} : memref<2x10000x64xf32, #tpu.memory_space<vmem>>, vector<1x10000x64xf32>,
    %slice3A_11 = vector.extract_strided_slice %dot_general3A_5 {offsets = [0, 64], sizes = [10000, 64], strides = [1, 1]} : vector<10000x128xf32> to vector<10000x64xf32>
    %swap3A_12 = arith.constant 1 : index
    %swap3A_13 = arith.constant 0 : index
    %swap3A_14 = arith.constant 0 : index
    %swap3A_15 = vector.load %arg5[%swap3A_12, %swap3A_13, %swap3A_14] : memref<2x10000x64xf32, #tpu.memory_space<vmem>>, vector<1x10000x64xf32>
    %swap3A_16 = vector.shape_cast %swap3A_15 : vector<1x10000x64xf32> to vector<10000x64xf32>
    %swap3A_17 = vector.shape_cast %slice3A_11 : vector<10000x64xf32> to vector<1x10000x64xf32>
    tpu.vector_store %arg5[%swap3A_12, %swap3A_13, %swap3A_14], %swap3A_17 {strides = array<i32>} : memref<2x10000x64xf32, #tpu.memory_space<vmem>>, vector<1x10000x64xf32>,
    %get3A_18 = arith.constant 0 : index
    %get3A_19 = arith.constant 0 : index
    %get3A_20 = vector.load %arg3[%get3A_18, %get3A_19] : memref<128x16xf32, #tpu.memory_space<vmem>>, vector<128x16xf32>
    %dot_general3A_21 = arith.constant dense<0.000000e+00> : vector<10000x16xf32>
    %dot_general3A_22 = tpu.matmul %dot_general3A_5, %get3A_20, %dot_general3A_21 {dimension_numbers = #tpu.dot_dimension_numbers<[1], [0], [0], [1], [0, 0, 1, 1], [], []>, transpose_lhs_hint = false} : vector<10000x128xf32>, vector<128x16xf32>, vector<10000x16xf32> -> vector<10000x16xf32>
    %get3A_23 = arith.constant 0 : index
    %get3A_24 = arith.constant 0 : index
    %get3A_25 = vector.load %arg4[%get3A_23, %get3A_24] : memref<128x16xf32, #tpu.memory_space<vmem>>, vector<128x16xf32>
    %dot_general3A_26 = arith.constant dense<0.000000e+00> : vector<10000x16xf32>
    %dot_general3A_27 = tpu.matmul %dot_general3A_5, %get3A_25, %dot_general3A_26 {dimension_numbers = #tpu.dot_dimension_numbers<[1], [0], [0], [1], [0, 0, 1, 1], [], []>, transpose_lhs_hint = false} : vector<10000x128xf32>, vector<128x16xf32>, vector<10000x16xf32> -> vector<10000x16xf32>
    %swap3A_28 = arith.constant 0 : index
    %swap3A_29 = arith.constant 0 : index
    %swap3A_30 = vector.load %arg6[%swap3A_28, %swap3A_29] : memref<10000x16xf32, #tpu.memory_space<vmem>>, vector<10000x16xf32>
    tpu.vector_store %arg6[%swap3A_28, %swap3A_29], %dot_general3A_22 {strides = array<i32>} : memref<10000x16xf32, #tpu.memory_space<vmem>>, vector<10000x16xf32>,
    %swap3A_31 = arith.constant 0 : index
    %swap3A_32 = arith.constant 0 : index
    %swap3A_33 = vector.load %arg7[%swap3A_31, %swap3A_32] : memref<10000x16xf32, #tpu.memory_space<vmem>>, vector<10000x16xf32>
    tpu.vector_store %arg7[%swap3A_31, %swap3A_32], %dot_general3A_27 {strides = array<i32>} : memref<10000x16xf32, #tpu.memory_space<vmem>>, vector<10000x16xf32>,
    %get3A_34 = arith.constant 0 : index
    %get3A_35 = arith.constant 0 : index
    %get3A_36 = vector.load %arg2[%get3A_34, %get3A_35] : memref<128x128xf32, #tpu.memory_space<vmem>>, vector<128x128xf32>
    %dot_general3A_37 = arith.constant dense<0.000000e+00> : vector<10000x128xf32>
    %dot_general3A_38 = tpu.matmul %get3A_1, %get3A_36, %dot_general3A_37 {dimension_numbers = #tpu.dot_dimension_numbers<[1], [0], [0], [1], [0, 0, 1, 1], [], []>, transpose_lhs_hint = false} : vector<10000x128xf32>, vector<128x128xf32>, vector<10000x128xf32> -> vector<10000x128xf32>
    %swap3A_39 = arith.constant 0 : index
    %swap3A_40 = arith.constant 0 : index
    %swap3A_41 = vector.load %arg8[%swap3A_39, %swap3A_40] : memref<10000x128xf32, #tpu.memory_space<vmem>>, vector<10000x128xf32>
    tpu.vector_store %arg8[%swap3A_39, %swap3A_40], %dot_general3A_38 {strides = array<i32>} : memref<10000x128xf32, #tpu.memory_space<vmem>>, vector<10000x128xf32>,
    %reduce_max3A = vector.shape_cast %dot_general3A_22 : vector<10000x16xf32> to vector<1x10000x16xf32>
    %reduce_max3A_42 = arith.constant dense<0xFF800000> : vector<1xf32>
    %reduce_max3A_43 = vector.multi_reduction <maximumf>, %reduce_max3A, %reduce_max3A_42 [1, 2] : vector<1x10000x16xf32> to vector<1xf32>
    %reduce_max3A_44 = vector.shape_cast %reduce_max3A_43 : vector<1xf32> to vector<1x1x1xf32>
    %reduce_max3A_45 = vector.extract %reduce_max3A_44[0, 0, 0] : f32 from vector<1x1x1xf32>
    %reduce_max3A_46 = vector.shape_cast %dot_general3A_27 : vector<10000x16xf32> to vector<1x10000x16xf32>
    %reduce_max3A_47 = arith.constant dense<0xFF800000> : vector<1xf32>
    %reduce_max3A_48 = vector.multi_reduction <maximumf>, %reduce_max3A_46, %reduce_max3A_47 [1, 2] : vector<1x10000x16xf32> to vector<1xf32>
    %reduce_max3A_49 = vector.shape_cast %reduce_max3A_48 : vector<1xf32> to vector<1x1x1xf32>
    %reduce_max3A_50 = vector.extract %reduce_max3A_49[0, 0, 0] : f32 from vector<1x1x1xf32>
    %add3A = arith.addf %reduce_max3A_45, %reduce_max3A_50 : f32
    %ge3A = arith.constant 0.000000e+00 : f32
    %ge3A_51 = arith.cmpf oge, %add3A, %ge3A : f32
    %mul3A = arith.constant 2.000000e-01 : f32
    %mul3A_52 = arith.mulf %mul3A, %add3A : f32
    %select_n3A = arith.select %ge3A_51, %add3A, %mul3A_52 : f32
    %broadcast_in_dim3A = vector.broadcast %select_n3A : f32 to vector<8x128xf32>
    %swap3A_53 = arith.constant 0 : index
    %swap3A_54 = arith.constant 0 : index
    %swap3A_55 = vector.load %arg9[%swap3A_53, %swap3A_54] : memref<8x128xf32, #tpu.memory_space<vmem>>, vector<8x128xf32>
    tpu.vector_store %arg9[%swap3A_53, %swap3A_54], %broadcast_in_dim3A {strides = array<i32>} : memref<8x128xf32, #tpu.memory_space<vmem>>, vector<8x128xf32>,
    return
  }
}

module attributes {stable_mosaic.version = 14 : i64} {
  func.func @_tc2_body(%arg0: memref<2x10240x64xf32, #tpu.memory_space<vmem>>, %arg1: memref<10240x16xf32, #tpu.memory_space<vmem>>, %arg2: memref<10000x128xf32, #tpu.memory_space<vmem>>, %arg3: memref<8x128xf32, #tpu.memory_space<vmem>>, %arg4: memref<10000x128xf32, #tpu.memory_space<vmem>>) attributes {dimension_semantics = [], scalar_prefetch = 0 : i64, scratch_operands = 0 : i64, tpu.core_type = #tpu.core_type<tc>} {
    %get3A = arith.constant 0 : index
    %get3A_0 = arith.constant 0 : index
    %get3A_1 = arith.constant 0 : index
    %get3A_2 = vector.load %arg0[%get3A, %get3A_0, %get3A_1] : memref<2x10240x64xf32, #tpu.memory_space<vmem>>, vector<1x10000x64xf32>
    %get3A_3 = vector.shape_cast %get3A_2 : vector<1x10000x64xf32> to vector<10000x64xf32>
    %get3A_4 = arith.constant 1 : index
    %get3A_5 = arith.constant 0 : index
    %get3A_6 = arith.constant 0 : index
    %get3A_7 = vector.load %arg0[%get3A_4, %get3A_5, %get3A_6] : memref<2x10240x64xf32, #tpu.memory_space<vmem>>, vector<1x10000x64xf32>
    %get3A_8 = vector.shape_cast %get3A_7 : vector<1x10000x64xf32> to vector<10000x64xf32>
    %concatenate3A = tpu.concatenate %get3A_3, %get3A_8 in 1 : vector<10000x64xf32>, vector<10000x64xf32> -> vector<10000x128xf32>
    %get3A_9 = arith.constant 0 : index
    %get3A_10 = arith.constant 0 : index
    %get3A_11 = vector.load %arg1[%get3A_9, %get3A_10] : memref<10240x16xf32, #tpu.memory_space<vmem>>, vector<10000x8xf32>
    %get3A_12 = arith.constant 0 : index
    %get3A_13 = arith.constant 0 : index
    %get3A_14 = vector.load %arg3[%get3A_12, %get3A_13] : memref<8x128xf32, #tpu.memory_space<vmem>>, vector<8x128xf32>
    %dot_general3A = arith.constant dense<0.000000e+00> : vector<10000x128xf32>
    %dot_general3A_15 = tpu.matmul %get3A_11, %get3A_14, %dot_general3A {dimension_numbers = #tpu.dot_dimension_numbers<[1], [0], [0], [1], [0, 0, 1, 1], [], []>, transpose_lhs_hint = false} : vector<10000x8xf32>, vector<8x128xf32>, vector<10000x128xf32> -> vector<10000x128xf32>
    %add3A = arith.constant 1.000000e-16 : f32
    %add3A_16 = vector.broadcast %add3A : f32 to vector<10000x128xf32>
    %add3A_17 = arith.addf %dot_general3A_15, %add3A_16 : vector<10000x128xf32>
    %div3A = arith.divf %concatenate3A, %add3A_17 : vector<10000x128xf32>
    %get3A_18 = arith.constant 0 : index
    %get3A_19 = arith.constant 0 : index
    %get3A_20 = vector.load %arg2[%get3A_18, %get3A_19] : memref<10000x128xf32, #tpu.memory_space<vmem>>, vector<10000x128xf32>
    %add3A_21 = arith.addf %div3A, %get3A_20 : vector<10000x128xf32>
    %gt3A = arith.constant 0.000000e+00 : f32
    %gt3A_22 = vector.broadcast %gt3A : f32 to vector<10000x128xf32>
    %gt3A_23 = arith.cmpf ogt, %add3A_21, %gt3A_22 : vector<10000x128xf32>
    %min3A = arith.constant 0.000000e+00 : f32
    %min3A_24 = vector.broadcast %min3A : f32 to vector<10000x128xf32>
    %min3A_25 = arith.minimumf %add3A_21, %min3A_24 : vector<10000x128xf32>
    %exp3A = math.exp %min3A_25 : vector<10000x128xf32>
    %sub3A = arith.constant 1.000000e+00 : f32
    %sub3A_26 = vector.broadcast %sub3A : f32 to vector<10000x128xf32>
    %sub3A_27 = arith.subf %exp3A, %sub3A_26 : vector<10000x128xf32>
    %select_n3A = arith.select %gt3A_23, %add3A_21, %sub3A_27 : vector<10000x128xi1>, vector<10000x128xf32>
    %swap3A = arith.constant 0 : index
    %swap3A_28 = arith.constant 0 : index
    %swap3A_29 = vector.load %arg4[%swap3A, %swap3A_28] : memref<10000x128xf32, #tpu.memory_space<vmem>>, vector<10000x128xf32>
    tpu.vector_store %arg4[%swap3A, %swap3A_28], %select_n3A {strides = array<i32>} : memref<10000x128xf32, #tpu.memory_space<vmem>>, vector<10000x128xf32>,
    return
  }
}

</mosaic_0001>

<sc_bundles>
// kernel: kernel.5.cloned.1.call-start
scs
__scs_entry_jumppad:
0x0: {  	(pc) =	sbr.rel $0x88, $3  }
0x1: {  	(tag) =	ssettag $0x0;
	lr =	simm.s32 $0x1  }
0x2: {  	[smem:$0x3F9B] =	sst lr;
	_ =	strace $0xD0000000  }
0x3: {  	_ = 	snop  }
0x4: {  	_ = 	snop  }
0x5: {  	_ = 	snop  }
0x6: {  	_ = 	snop  }
0x7: {  	_ = 	snop  }
__scs_overlays_trampoline_lowered:
0x8: {  	[smem:$0x3FAA] =	sst s0  }
0x9: {  	[smem:$0x3FAB] =	sst s1  }
0xa: {  	[smem:$0x3FAC] =	sst s2  }
0xb: {  	[smem:$0x3FAD] =	sst s3  }
0xc: {  	[smem:$0x3FAE] =	sst s4  }
0xd: {  	[smem:$0x3FAF] =	sst s5  }
0xe: {  	[smem:$0x3FB0] =	sst s6  }
0xf: {  	[smem:$0x3FB1] =	sst s7  }
0x10: {  	[smem:$0x3FB2] =	sst s8  }
0x11: {  	[smem:$0x3FB3] =	sst s9;
	s0 =	simm.s32 @!p0 $0x0  }
0x12: {  	s1 =	sld [smem:$0x3F99];
	s0 =	simm.s32 @p0 $0x1  }
0x13: {  	[smem:$0x3FB4] =	sst s0;
	s0 =	simm.s32 @!p1 $0x0  }
0x14: {  	s2 =	sld [smem:$0x3F98];
	s0 =	simm.s32 @p1 $0x1  }
0x15: {  	[smem:$0x3FB5] =	sst s0;
	s0 =	simm.s32 @!p2 $0x0  }
0x16: {  	s3 =	sld [smem:$0x3FDB];
	s0 =	simm.s32 @p2 $0x1  }
0x17: {  	s4 =	simm.s32 $0x1BF5;
	[smem:$0x3FB7] =	sst s0  }
0x18: {  	s0 =	sld [smem:$0x3F9A];
	_ =	swait.ge [sflag:s4], $0x0  }
0x19: {  	s7 =	sld [smem:$0x3F9B]  }
0x1a: {  	s8 =	sadd.s32 $0xFFFFE003, lr  }
0x1b: {  	s9 =	sadd.s32 $0xFFFFFEF7, lr;
	s5 =	simm.s32 $0xFFFFFFFF;
	p2 =	slt.u32 s8, $0xFFFFF086  }
0x1c: {  	p1 =	slt.u32 s9, $0xF7A;
	s5 =	simm.s32 @!p2 $0x0  }
0x1d: {  	s5 =	simm.s32 @p1 $0x1;
	p0 =	seq.s32 s7, s2  }
0x1e: {  	s7 =	smul.u32 @!p0 $0xF7A, s2;
	p2 =	seq.s32 @!p0 s5, $0x0  }
0x1f: {  	s9 =	smul.u32 $0xF7A, s1;
	s8 =	simm.s32 @!p0 $0x1BF5;
	p2 =	por !p2, p0  }
0x20: {  	[sflag:s8] =	ssyncset.s32 @!p0 $0xFFFFF086;
	s6 =	sadd.s32 @!p0 s3, s7;
	s7 =	simm.s32 @!p0 $0x108  }
0x21: {  	s3 =	sadd.s32 s3, s9;
	s6 =	sadd.s32 @!p0 $0x88, s6;
	s7 =	simm.s32 @p2 $0x1082  }
0x22: {  	[simem:s7], [sflag:s8] =	dma.local @!p0 [hbm:s6], $0xF7A  }
0x23: {  	s9 =	sor.u32 $0xD0000000, s2;
	s6 =	simm.s32 $0x108;
	_ =	swait.ge @!p0 [sflag:s8], $0x0  }
0x24: {  	s3 =	sadd.s32 $0x88, s3;
	s6 =	simm.s32 @!p1 $0x1082;
	[sflag:s4] =	ssyncset.s32 $0xFFFFF086  }
0x25: {  	[simem:s6], [sflag:s4] =	dma.local [hbm:s3], $0xF7A  }
0x26: {  	[smem:$0x3F9B] =	sst s1;
	(tag) =	ssettag s2;
	_ =	strace s9  }
0x27: {  	s1 =	sld [smem:$0x3FAB]  }
0x28: {  	s2 =	sld [smem:$0x3FAC]  }
0x29: {  	s4 =	sld [smem:$0x3FAE]  }
0x2a: {  	p0 =	seq.s32 s5, $0x0;
	s5 =	sld [smem:$0x3FAF]  }
0x2b: {  	s6 =	sld [smem:$0x3FB0]  }
0x2c: {  	s7 =	sld [smem:$0x3FB1]  }
0x2d: {  	s3 =	simm.s32 $0x108;
	s8 =	sld [smem:$0x3FB2]  }
0x2e: {  	s3 =	simm.s32 @!p0 $0x1082;
	s9 =	sld [smem:$0x3FB3]  }
0x2f: {  	lr =	sadd.s32 s0, s3;
	s0 =	sld [smem:$0x3FAA]  }
0x30: {  	s3 =	sld [smem:$0x3FAD]  }
0x31: {  	[smem:$0x3FB6] =	sst s10  }
0x32: {  	s10 =	sld [smem:$0x3FB4];
	_ =	sdelay $0x3  }
0x33: {  	p0 =	seq.s32 s10, $0x1;
	s10 =	sld [smem:$0x3FB6];
	_ =	sdelay $0x3  }
0x34: {  	[smem:$0x3FB6] =	sst s10  }
0x35: {  	s10 =	sld [smem:$0x3FB5];
	_ =	sdelay $0x3  }
0x36: {  	p1 =	seq.s32 s10, $0x1;
	s10 =	sld [smem:$0x3FB6];
	_ =	sdelay $0x3  }
0x37: {  	[smem:$0x3FB6] =	sst s10  }
0x38: {  	s10 =	sld [smem:$0x3FB7]  }
0x39: {  	_ = 	snop;
	(pc) =	sbr.ind lr, $3  }
0x3a: {  	_ = 	snop  }
0x3b: {  	_ = 	snop  }
0x3c: {  	p2 =	seq.s32 s10, $0x1;
	s10 =	sld [smem:$0x3FB6]  }
0x3d: {  	_ =	shalt  }
0x3e: {  	_ =	shalt  }
0x3f: {  	_ =	shalt  }
0x40: {  	_ =	shalt  }
0x41: {  	_ =	shalt  }
0x42: {  	_ =	shalt  }
0x43: {  	_ =	shalt  }
0x44: {  	_ =	shalt  }
0x45: {  	_ =	shalt  }
0x46: {  	_ =	shalt  }
0x47: {  	_ =	shalt  }
0x48: {  	_ =	shalt  }
0x49: {  	_ =	shalt  }
0x4a: {  	_ =	shalt  }
0x4b: {  	_ =	shalt  }
0x4c: {  	_ =	shalt  }
0x4d: {  	_ =	shalt  }
0x4e: {  	_ =	shalt  }
0x4f: {  	_ =	shalt  }
0x50: {  	_ =	shalt  }
0x51: {  	_ =	shalt  }
0x52: {  	_ =	shalt  }
0x53: {  	_ =	shalt  }
0x54: {  	_ =	shalt  }
0x55: {  	_ =	shalt  }
0x56: {  	_ =	shalt  }
0x57: {  	_ =	shalt  }
0x58: {  	_ =	shalt  }
0x59: {  	_ =	shalt  }
0x5a: {  	_ =	shalt  }
0x5b: {  	_ =	shalt  }
0x5c: {  	_ =	shalt  }
0x5d: {  	_ =	shalt  }
0x5e: {  	_ =	shalt  }
0x5f: {  	_ =	shalt  }
0x60: {  	_ =	shalt  }
0x61: {  	_ =	shalt  }
0x62: {  	_ =	shalt  }
0x63: {  	_ =	shalt  }
0x64: {  	_ =	shalt  }
0x65: {  	_ =	shalt  }
0x66: {  	_ =	shalt  }
0x67: {  	_ =	shalt  }
0x68: {  	_ =	shalt  }
0x69: {  	_ =	shalt  }
0x6a: {  	_ =	shalt  }
0x6b: {  	_ =	shalt  }
0x6c: {  	_ =	shalt  }
0x6d: {  	_ =	shalt  }
0x6e: {  	_ =	shalt  }
0x6f: {  	_ =	shalt  }
0x70: {  	_ =	shalt  }
0x71: {  	_ =	shalt  }
0x72: {  	_ =	shalt  }
0x73: {  	_ =	shalt  }
0x74: {  	_ =	shalt  }
0x75: {  	_ =	shalt  }
0x76: {  	_ =	shalt  }
0x77: {  	_ =	shalt  }
0x78: {  	_ =	shalt  }
0x79: {  	_ =	shalt  }
0x7a: {  	_ =	shalt  }
0x7b: {  	_ =	shalt  }
0x7c: {  	_ =	shalt  }
0x7d: {  	_ =	shalt  }
0x7e: {  	_ =	shalt  }
0x7f: {  	_ =	shalt  }
0x80: {  	_ =	shalt  }
0x81: {  	_ =	shalt  }
0x82: {  	_ =	shalt  }
0x83: {  	_ =	shalt  }
0x84: {  	_ =	shalt  }
0x85: {  	_ =	shalt  }
0x86: {  	_ =	shalt  }
0x87: {  	_ =	shalt  }
.Lfunc_end0:
.L_simem_size_0:
called_computation_lowered:
.L_overlay_start_0:
0x88: {  	s2 =	sld [smem:$0x3FD9]  }
0x89: {  	s3 =	sld [smem:$0x3FFE];
	_ =	sdelay $0x1  }
0x8a: {  	s1 =	srdreg.scid  }
0x8b: {  	s0 =	sand.u32 $0x1, s1  }
0x8c: {  	s14 =	sshll.u32 s0, $0xA;
	s2 =	sadd.s32 s3, s2  }
0x8d: {  	s2 =	sadd.s32 s2, s14  }
0x8e: {  	[smem:$0x3FC2] =	sst s2  }
0x8f: {  	_ = 	snop  }
0x90: {  	s2 =	sld [smem:$0x3FD0];
	_ =	sdelay $0x2  }
0x91: {  	s15 =	simm.s32 $0xA;
	s4 =	simm.s32 $0x10  }
0x92: {  	[smem:s4], [sflag:s15] =	dma.local [hbm:s2], $0x1  }
0x93: {  	_ =	swait.eq [sflag:s15], $0x1  }
0x94: {  	[sflag:s15] =	ssyncset.done $0x0  }
0x95: {  	s16 =	sld [smem:$0x10];
	[sflag:s15] =	ssyncadd.s32 $0xFFFFFFFF  }
0x96: {  	s17 =	sld [smem:$0x11];
	(tm) =	ssettm $0x1  }
0x97: {  	s18 =	sld [smem:$0x3FFB];
	_ =	sdelay $0x3  }
0x98: {  	_ =	strace s18  }
0x99: {  	s4 =	sld [smem:$0x3FFC];
	_ =	sdelay $0x3  }
0x9a: {  	_ =	strace s4  }
0x9b: {  	s4 =	sld [smem:$0x3FFD];
	_ =	sdelay $0x3  }
0x9c: {  	_ =	strace s4  }
0x9d: {  	_ =	strace $0x8FFFFFFF  }
0x9e: {  	s19 =	sld [smem:$0x3FDB];
	_ =	sdelay $0x1  }
0x9f: {  	s5 =	simm.s32 $_scs_section_size  }
0xa0: {  	s6 =	simm.s32 $_size__tile_overlayer_lowered;
	s7 =	simm.s32 $_tile_overlayer_lowered  }
0xa1: {  	s22 =	simm.s32 $0x1BFF;
	s21 =	sshll.u32 s7, $0x1;
	s4 =	sadd.s32 s5, s19  }
0xa2: {  	s8 =	simm.s32 $0x0;
	s20 =	sshll.u32 s6, $0x1;
	s6 =	sadd.s32 s21, s4  }
0xa3: {  	[timem:s8], [sflag:s22] =	dma.local [hbm:s6], s20  }
0xa4: {  	_ =	swait.ge [sflag:s22], s20  }
0xa5: {  	s5 =	ssub.s32 $0x0, s20;
	[sflag:s22] =	ssyncset.done $0x0  }
0xa6: {  	[sflag:s22] =	ssyncadd.s32 s5;
	_ =	sdelay $0x1  }
0xa7: {  	s23 =	simm.s32 $0x1B8B  }
0xa8: {  	_ =	swait.ge [sflag:s23], $0x1  }
0xa9: {  	[sflag:s23] =	ssyncset.done $0x0  }
0xaa: {  	s25 =	simm.s32 $0x1B8E;
	s24 =	sld [smem:$0x3FFE];
	[sflag:s23] =	ssyncadd.s32 $0xFFFFFFFF  }
0xab: {  	s26 =	simm.s32 $execute0_lowered;
	[smem:$0x3FD2] =	sst s25  }
0xac: {  	s6 =	sshll.u32 s26, $0x1;
	_ =	strace $0x80000046;
	[dreg:$0x1] =	wrdreg $0xFFFFFFFF  }
0xad: {  	s28 =	simm.s32 $_size_execute0_lowered;
	s4 =	sadd.s32 s4, s6;
	[dreg:$0x0] =	wrdreg $0x0  }
0xae: {  	s6 =	sshll.u32 s28, $0x1;
	[dreg:$0x2] =	wrdreg s4  }
0xaf: {  	[dreg:$0x3] =	wrdreg s6  }
0xb0: {  	[dreg:$0x4] =	wrdreg $0xC0  }
0xb1: {  	_ =	task [dreg:s8], $0x5FFFF  }
0xb2: {  	[dreg:$0x1] =	wrdreg $0xFFFFFFFF  }
0xb3: {  	[dreg:$0x0] =	wrdreg $0x60  }
0xb4: {  	[dreg:$0x2] =	wrdreg s24  }
0xb5: {  	[dreg:$0x3] =	wrdreg s17  }
0xb6: {  	[dreg:$0x4] =	wrdreg s16  }
0xb7: {  	[dreg:$0x5] =	wrdreg $0xCCC00  }
0xb8: {  	[dreg:$0x6] =	wrdreg $0x16CC00  }
0xb9: {  	[dreg:$0x7] =	wrdreg $0x9  }
0xba: {  	_ =	task.clear_ibuf [dreg:s8], $0x8FFFF;
	_ =	strace $0x90000046  }
0xbb: {  	s29 =	simm.s32 $0x9;
	_ =	strace $0x80000048  }
0xbc: {  	_ =	swait.ge [sflag:s29], $0x1  }
0xbd: {  	[sflag:s29] =	ssyncadd.s32 $0xFFFFFFFF  }
0xbe: {  	_ =	strace $0x90000048  }
0xbf: {  	_ =	sfence  }
0xc0: {  	s30 =	sld [smem:$0x0];
	_ =	sdelay $0x2  }
0xc1: {  	s31 =	sshll.u32 s1, $0xD;
	s1 =	sshrl.u32 s1, $0x2  }
0xc2: {  	s3 =	sand.u32 $0x4000, s31;
	s1 =	sadd.s32 s1, s30  }
0xc3: {  	s0 =	sor.u32 s3, s0;
	s1 =	sshll.u32 s1, $0x11  }
0xc4: {  	s0 =	sor.u32 s1, s0  }
0xc5: {  	s0 =	sadd.s32 $0x8F2B, s0  }
0xc6: {  	[sflag:s0] =	ssyncadd.remote.s32 $0x1  }
0xc7: {  	_ =	sfence.sel $0xFFFF  }
0xc8: {  	[dreg:$0x0] =	wrdreg $0xFFFFFFFF;
	(pc) =	sbr.abs _section_cstart, $3  }
0xc9: {  	[dreg:$0x1] =	wrdreg $0xFFFFFFFF  }
0xca: {  	_ =	task.clear_ibuf [dreg:s8], $0x2FFFF;
	_ =	strace $0x9FFFFFFF  }
0xcb: {  	(tm) =	ssettm $0x7FFFFFFF  }
tec
execute0_lowered:
.L_overlay_start_1:
0x0: {  	(tag) =	ssettag $0x1  }
0x1: {  	s0 =	rddreg [dreg:$0x0]  }
0x2: {  	s30 =	rddreg [dreg:$0x1]  }
0x3: {  	s15 =	rddreg [dreg:$0x3]  }
0x4: {  	s16 =	rddreg [dreg:$0x4];
	s6 =	simm.s32 $0x0  }
0x5: {  	s13 =	stileid.u32;
	s1 =	srdreg.scid;
	s28 =	simm.s32 $0x9  }
0x6: {  	s29 =	simm.s32 $0x1;
	s31 =	simm.s32 $0x258;
	[smem:$0x7FF] =	sst s6  }
0x7: {  	s2 =	smul.u32 $0xA000, s13;
	s7 =	sand.u32 $0x1, s1;
	s8 =	sadd.s32 $0x14C00, s0  }
0x8: {  	s9 =	sadd.s32 $0xAE00, s0;
	s10 =	sadd.s32 $0x5C00, s0;
	s4 =	smul.u32 $0x2800, s13  }
0x9: {  	s11 =	sadd.s32 $0xC00, s0;
	s5 =	sadd.s32 $0xAC00, s0;
	s14 =	smul.u32 $0x4E20, s13  }
0xa: {  	s26 =	sshll.u32 s13, $0x6;
	_ =	strace $0x80000047;
	s1 =	smul.u32 $0xA0000, s7  }
0xb: {  	[dreg:$0x6] =	wrdreg s5;
	s12 =	ssub.s32 $0x2, s7;
	s13 =	smul.u32 $0x4E200, s7  }
0xc: {  	p0 =	sne.s32 s7, $0x0;
	s3 =	sshrl.u32 s2, $0x3;
	s24 =	sshrl.u32 s4, $0x3  }
0xd: {  	s25 =	sshrl.u32 s12, $0x1;
	s4 =	sadd.s32 s4, s16;
	s18 =	sshrl.u32 s14, $0x3  }
0xe: {  	s22 =	sadd.s32 $0xC8, s14;
	s23 =	sadd.s32 $0x190, s14;
	s1 =	sadd.s32 s2, s1  }
0xf: {  	s3 =	sadd.s32 s3, s0;
	s5 =	ssub.s32 s12, s25;
	[dreg:$0xe] =	wrdreg s22  }
0x10: {  	s2 =	sadd.s32 s2, s15;
	s15 =	sor.u32 $0x1C09, s26;
	[dreg:$0xf] =	wrdreg s23  }
0x11: {  	s19 =	sadd.s32 s14, s13;
	s20 =	sadd.s32 s8, s18;
	[dreg:$0xa] =	wrdreg s4  }
0x12: {  	s26 =	sshll.u32 s7, $0x2;
	s12 =	simm.s32 $0x3;
	[dreg:$0x7] =	wrdreg s2  }
0x13: {  	s23 =	simm.s32 $0x2;
	s1 =	sshrl.u32 s1, $0x3;
	[dreg:$0xb] =	wrdreg s20  }
0x14: {  	s17 =	sadd.s32 $0x1EA00, s3;
	s2 =	sadd.s32 s9, s18;
	[dreg:$0x9] =	wrdreg s15  }
0x15: {  	s21 =	sshrl.u32 s19, $0x3;
	s25 =	smax.u32 s5, $0x1;
	[dreg:$0x8] =	wrdreg s17  }
0x16: {  	s19 =	simm.s32 $0x68B0;
	s20 =	simm.s32 $0xB3B0;
	[dreg:$0xc] =	wrdreg s2  }
0x17: {  	s1 =	sadd.s32 s1, s0;
	s2 =	sadd.s32 s30, s21;
	[dreg:$0x13] =	wrdreg s25  }
0x18: {  	s0 =	sadd.s32 s24, s0;
	[dreg:$0xd] =	wrdreg s2;
	s1 =	sadd.s32 $0x37A00, s1  }
0x19: {  	s3 =	simm.s32 $0x0;
	s24 =	sadd.s32 $0x32A00, s0;
	[dreg:$0x10] =	wrdreg s1  }
0x1a: {  	v0 =	vmov s26;
	s25 =	simm.s32 $0xC030;
	s0 =	sadd.s32 $0x5FA00, s0;
	[dreg:$0x11] =	wrdreg s24  }
0x1b: {  	v1 =	vor.u32 $0x1, v0;
	v2 =	vor.u32 $0x2, v0;
	v3 =	vor.u32 $0x3, v0;
	[dreg:$0x12] =	wrdreg s0;
	s0 =	simm.s32 $0xC8;
	s24 =	simm.s32 $0x4  }
.LBB2_1:
0x1c: {  	[dreg:$0x14] =	wrdreg s3  }
0x1d: {  	s1 =	rddreg [dreg:$0x7]  }
0x1e: {  	s21 =	rddreg [dreg:$0x8];
	s2 =	sshrl.u32 s1, $0x3  }
0x1f: {  	[dreg:$0x15] =	wrdreg s2  }
0x20: {  	[spmem:s2], [sflag:s15] =	dma.local [hbm:s21], $0x1400  }
0x21: {  	_ =	swait.ge [sflag:s28], $0x1400  }
0x22: {  	[sflag:s28] =	ssyncset.done $0x0  }
0x23: {  	s22 =	sshrl.u32 s4, $0x3;
	s26 =	rddreg [dreg:$0x11];
	[sflag:s28] =	ssyncadd.s32 $0xFFFFEC00  }
0x24: {  	[spmem:s22], [sflag:s15] =	dma.local [hbm:s26], $0x500  }
0x25: {  	_ =	swait.ge [sflag:s28], $0x500  }
0x26: {  	[sflag:s28] =	ssyncset.done $0x0  }
0x27: {  	s4 =	simm.s32 $0xCCB0;
	s3 =	rddreg [dreg:$0x6];
	[sflag:s28] =	ssyncadd.s32 $0xFFFFFB00  }
0x28: {  	[tilespmem:s4], [sflag:$0x9] =	stream.linear.gather [hbm4b:s3+s6], $0x10, $0x38;
	[tilespmem:$0x194C0] =	vst v63  }
0x29: {  	_ =	swait.ge [sflag:s28], $0x10  }
0x2a: {  	[sflag:s28] =	ssyncset.done $0x0  }
0x2b: {  	[sflag:s28] =	ssyncadd.s32 $0xFFFFFFF0  }
0x2c: {  	[bflag:$0x0] =	sbarrier.arrive $0xFFFF  }
0x2d: {  	s5 =	rddreg [dreg:$0xb]  }
0x2e: {  	v4 =	vld [tilespmem:$0xCCB0];
	[tilespmem:s6], [sflag:$0x9] =	stream.linear.gather [hbm4b:s5+s6], $0xC8, $0x38  }
0x2f: {  	_ =	swait.ge [sflag:s28], $0xC8  }
0x30: {  	[sflag:s28] =	ssyncset.done $0x0  }
0x31: {  	s15 =	simm.s32 $0x190;
	s14 =	rddreg [dreg:$0xc];
	[sflag:s28] =	ssyncadd.s32 $0xFFFFFF38  }
0x32: {  	[tilespmem:s15], [sflag:$0x9] =	stream.linear.gather [hbm4b:s14+s6], $0xC8, $0x38;
	[tilespmem:$0x194C0] =	vst v63  }
0x33: {  	_ =	swait.ge [sflag:s28], $0xC8  }
0x34: {  	[sflag:s28] =	ssyncset.done $0x0  }
0x35: {  	s17 =	simm.s32 $0x320;
	s16 =	rddreg [dreg:$0xd];
	[sflag:s28] =	ssyncadd.s32 $0xFFFFFF38  }
0x36: {  	[tilespmem:s17], [sflag:$0x9] =	stream.linear.gather [hbm4b:s16+s6], $0xC8, $0x38;
	[tilespmem:$0x194C0] =	vst v63  }
0x37: {  	_ =	swait.ge [sflag:s28], $0xC8  }
0x38: {  	[sflag:s28] =	ssyncset.done $0x0  }
0x39: {  	s18 =	simm.s32 $0x4B0;
	[sflag:s28] =	ssyncadd.s32 $0xFFFFFF38  }
0x3a: {  	[tilespmem:s18], [sflag:$0x1] =	stream.indirect.gather [hbm4b:s10+s0], $0x10, s6, s0, $0xb8;
	[tilespmem:$0x194C0] =	vst v63  }
0x3b: {  	s21 =	simm.s32 $0x1DB0  }
0x3c: {  	[tilespmem:s21], [sflag:$0x1] =	stream.indirect.gather [hbm4b:s11+s0], $0x10, s15, s0, $0xb8;
	[tilespmem:$0x194C0] =	vst v63  }
0x3d: {  	s26 =	simm.s32 $0x36B0;
	s22 =	rddreg [dreg:$0x2]  }
0x3e: {  	[tilespmem:s26], [sflag:$0x3] =	stream.indirect.gather [hbm4b:s22+s0], $0x40, s17, s0, $0xb8;
	[tilespmem:$0x194C0] =	vst v63  }
0x3f: {  	s17 =	simm.s32 $0x0  }
.LBB2_2:
0x40: {  	_ =	swait.ge [sflag:s29], $0xC80  }
0x41: {  	[sflag:s29] =	ssyncset.done $0x0  }
0x42: {  	[sflag:s29] =	ssyncadd.s32 $0xFFFFF380  }
0x43: {  	_ =	swait.ge [sflag:s29], $0xC80  }
0x44: {  	[sflag:s29] =	ssyncset.done $0x0  }
0x45: {  	[sflag:s29] =	ssyncadd.s32 $0xFFFFF380  }
0x46: {  	_ =	swait.ge [sflag:s12], $0x3200  }
0x47: {  	p1 =	seq.s32 s17, $0x0;
	[sflag:s12] =	ssyncset.done $0x0  }
0x48: {  	s1 =	simm.s32 @!p1 $0x6;
	[sflag:s12] =	ssyncadd.s32 $0xFFFFCE00  }
0x49: {  	p2 =	sne.s32 @!p1 s7, $0x0;
	_ =	swait.ge @!p1 [sflag:s1], $0x3200  }
0x4a: {  	p2 =	por p2, p1;
	[sflag:s1] =	ssyncset.done @!p1 $0x0  }
0x4b: {  	[sflag:s1] =	ssyncadd.s32 @!p1 $0xFFFFCE00;
	s1 =	simm.s32 @!p2 $0x8  }
0x4c: {  	s16 =	smul.u32 $0x190, s17;
	_ =	swait.ge @!p2 [sflag:s1], $0xC80  }
0x4d: {  	s2 =	rddreg [dreg:$0xe]  }
0x4e: {  	s2 =	sadd.s32 s16, s2  }
0x4f: {  	[sflag:s1] =	ssyncset.done @!p2 $0x0;
	s3 =	sshrl.u32 s2, $0x3  }
0x50: {  	[sflag:s1] =	ssyncadd.s32 @!p2 $0xFFFFF380;
	s22 =	sadd.s32 s8, s3  }
0x51: {  	[tilespmem:s0], [sflag:$0x9] =	stream.linear.gather [hbm4b:s22+s6], $0xC8, $0x38;
	[tilespmem:$0x194C0] =	vst v63  }
0x52: {  	_ =	swait.ge [sflag:s28], $0xC8  }
0x53: {  	[sflag:s28] =	ssyncset.done $0x0  }
0x54: {  	s26 =	sadd.s32 s9, s3;
	[sflag:s28] =	ssyncadd.s32 $0xFFFFFF38  }
0x55: {  	[tilespmem:s31], [sflag:$0x9] =	stream.linear.gather [hbm4b:s26+s6], $0xC8, $0x38;
	[tilespmem:$0x194C0] =	vst v63  }
0x56: {  	s2 =	sadd.s32 s13, s2;
	_ =	swait.ge [sflag:s28], $0xC8  }
0x57: {  	s1 =	sshrl.u32 s2, $0x3;
	[sflag:s28] =	ssyncset.done $0x0  }
0x58: {  	s3 =	simm.s32 $0x3E8;
	s1 =	sadd.s32 s30, s1;
	[sflag:s28] =	ssyncadd.s32 $0xFFFFFF38  }
0x59: {  	[tilespmem:s3], [sflag:$0x9] =	stream.linear.gather [hbm4b:s1+s6], $0xC8, $0x38;
	[tilespmem:$0x194C0] =	vst v63  }
0x5a: {  	_ =	swait.ge [sflag:s28], $0xC8  }
0x5b: {  	[sflag:s28] =	ssyncset.done $0x0  }
0x5c: {  	s4 =	simm.s32 $0x1130;
	[sflag:s28] =	ssyncadd.s32 $0xFFFFFF38  }
0x5d: {  	[tilespmem:s4], [sflag:$0x2] =	stream.indirect.gather [hbm4b:s10+s0], $0x10, s0, s0, $0xb8;
	[tilespmem:$0x194C0] =	vst v63  }
0x5e: {  	s5 =	simm.s32 $0x2A30  }
0x5f: {  	[tilespmem:s5], [sflag:$0x2] =	stream.indirect.gather [hbm4b:s11+s0], $0x10, s31, s0, $0xb8;
	[tilespmem:$0x194C0] =	vst v63  }
0x60: {  	s18 =	simm.s32 $0x4F0;
	s15 =	rddreg [dreg:$0x2]  }
0x61: {  	[tilespmem:s19], [sflag:$0x4] =	stream.indirect.gather [hbm4b:s15+s0], $0x40, s3, s0, $0xb8;
	[tilespmem:$0x194C0] =	vst v63  }
0x62: {  	s21 =	simm.s32 $0x1DF0;
	v5 =	vld [tilespmem:s18+$0xFFFFFFC0]  }
0x63: {  	v6 =	vld [tilespmem:s21+$0xFFFFFFD0]  }
0x64: {  	v7 =	vld [tilespmem:s18+$0xFFFFFFD0]  }
0x65: {  	v8 =	vld [tilespmem:s21+$0x20]  }
0x66: {  	v10 =	vld [tilespmem:s21+$0xFFFFFFC0]  }
0x67: {  	v11 =	vld [tilespmem:s21+$0x30]  }
0x68: {  	v12 =	vld [tilespmem:s18+$0x30]  }
0x69: {  	v13 =	vld [tilespmem:s18+$0x20]  }
0x6a: {  	v14 =	vld [tilespmem:s21+$0x0]  }
0x6b: {  	v16 =	vld [tilespmem:s18+$0x0];
	_ =	sdelay $0x1  }
0x6c: {  	v9 =	vld [tilespmem:s21+$0x10]  }
0x6d: {  	v6 =	vadd.f32 v6, v7;
	v7 =	vld [tilespmem:s18+$0x10]  }
0x6e: {  	v17 =	vld [tilespmem:s21+$0xFFFFFFF0];
	v11 =	vadd.f32 v11, v12;
	v5 =	vadd.f32 v10, v5  }
0x6f: {  	v12 =	vld [tilespmem:s18+$0xFFFFFFF0];
	v8 =	vadd.f32 v8, v13;
	v13 =	vadd.f32 v14, v16  }
0x70: {  	s22 =	simm.s32 $0x1E70;
	v15 =	vmul.f32 $2.000000030e-01, v6;
	vm0 =	vge.f32 v6, $0.0e+00  }
0x71: {  	s4 =	simm.s32 $0x570;
	v19 =	vld [tilespmem:s22+$0x10];
	v10 =	vmul.f32 $2.000000030e-01, v5;
	vm1 =	vge.f32 v11, $0.0e+00;
	v18 =	vmul.f32 $2.000000030e-01, v13  }
0x72: {  	v20 =	vld [tilespmem:s4+$0x10];
	v6 =	vsel vm0, v6, v15;
	v7 =	vadd.f32 v9, v7;
	v9 =	vmul.f32 $2.000000030e-01, v11  }
0x73: {  	v14 =	vld [tilespmem:s18+$0xFFFFFFE0];
	vm3 =	vge.f32 v13, $0.0e+00;
	vm0 =	vge.f32 v8, $0.0e+00;
	v6 =	vsub.f32 v6, v4  }
0x74: {  	v15 =	vld [tilespmem:s21+$0xFFFFFFE0];
	v12 =	vadd.f32 v17, v12;
	v9 =	vsel vm1, v11, v9;
	v11 =	vmul.f32 $2.000000030e-01, v7  }
0x75: {  	v21 =	vld [tilespmem:s22+$0x0];
	v6 =	vmul.f32 $1.442695020e+00, v6;
	vm2 =	vge.f32 v7, $0.0e+00;
	vm1 =	vge.f32 v5, $0.0e+00  }
0x76: {  	v16 =	vld [tilespmem:s22+$0xFFFFFFD0];
	v9 =	vsub.f32 v9, v4;
	v5 =	vsel vm1, v5, v10;
	v7 =	vsel vm2, v7, v11  }
0x77: {  	v17 =	vld [tilespmem:s4+$0xFFFFFFD0];
	vm1 =	vge.f32 v12, $0.0e+00;
	v11 =	vsel vm3, v13, v18;
	v7 =	vsub.f32 v7, v4  }
0x78: {  	v10 =	vld [tilespmem:s4+$0xFFFFFFC0];
	(erf) = vpow2.f32 v6;
	v6 =	vsub.f32 v11, v4;
	v9 =	vmul.f32 $1.442695020e+00, v9  }
0x79: {  	v18 =	vld [tilespmem:s22+$0x20];
	v13 =	vadd.f32 v15, v14;
	v11 =	vmul.f32 $2.000000030e-01, v12;
	v7 =	vmul.f32 $1.442695020e+00, v7  }
0x7a: {  	v14 =	vld [tilespmem:s22+$0xFFFFFFC0];
	v5 =	vsub.f32 v5, v4;
	v6 =	vmul.f32 $1.442695020e+00, v6;
	(erf) = vpow2.f32 v9  }
0x7b: {  	v15 =	vmul.f32 $2.000000030e-01, v13;
	v11 =	vsel vm1, v12, v11;
	v12 =	vld [tilespmem:s22+$0x30];
	(erf) = vpow2.f32 v7  }
0x7c: {  	v9 =	vadd.f32 v16, v17;
	v16 =	vld [tilespmem:s4+$0x30];
	vm1 =	vge.f32 v13, $0.0e+00;
	(erf) = vpow2.f32 v6  }
0x7d: {  	v5 =	vmul.f32 $1.442695020e+00, v5;
	v17 =	vld [tilespmem:s4+$0x20];
	v11 =	vsub.f32 v11, v4;
	v6 =	vsel vm1, v13, v15  }
0x7e: {  	v22 =	vld [tilespmem:s4+$0x0];
	v13 =	vmul.f32 $2.000000030e-01, v8;
	v15 =	vmul.f32 $2.000000030e-01, v9;
	v6 =	vsub.f32 v6, v4  }
0x7f: {  	v7 =	vadd.f32 v14, v10;
	vm1 =	vge.f32 v9, $0.0e+00;
	v11 =	vmul.f32 $1.442695020e+00, v11  }
0x80: {  	v8 =	vsel vm0, v8, v13;
	v9 =	vsel vm1, v9, v15;
	v15 =	vmul.f32 $1.442695020e+00, v6  }
0x81: {  	s3 =	simm.s32 $0x9AF0;
	(erf) = vpow2.f32 v5;
	v13 =	vadd.f32 v12, v16;
	v8 =	vsub.f32 v8, v4;
	v10 =	vpop (erf)  }
0x82: {  	s15 =	simm.s32 $0xB3F0;
	v14 =	vmul.f32 $2.000000030e-01, v7;
	v5 =	vadd.f32 v18, v17;
	v12 =	vadd.f32 v19, v20;
	v6 =	vld [tilespmem:s22+$0xFFFFFFF0];
	[tilespmem:s3+$0xFFFFFFD0] =	vst v10  }
0x83: {  	s14 =	smov.u32 s30;
	v17 =	vadd.f32 v21, v22;
	(erf) = vpow2.f32 v11;
	v23 =	vmul.f32 $1.442695020e+00, v8;
	v8 =	vld [tilespmem:s4+$0xFFFFFFF0];
	[tilespmem:s15+$0xFFFFFFD0] =	vst v10;
	v19 =	vpop (erf)  }
0x84: {  	s30 =	simm.s32 $0x9AF0;
	s26 =	simm.s32 $0x0;
	s1 =	simm.s32 $0x8;
	v16 =	vsub.f32 v9, v4;
	v11 =	vld [tilespmem:s22+$0xFFFFFFE0];
	v18 =	vmul.f32 $2.000000030e-01, v13;
	(erf) = vpow2.f32 v15;
	[tilespmem:s3+$0x30] =	vst v19;
	v15 =	vpop (erf)  }
0x85: {  	s5 =	simm.s32 $0x5F0;
	s18 =	simm.s32 $0xB3F0;
	vm1 =	vge.f32 v13, $0.0e+00;
	vm0 =	vge.f32 v5, $0.0e+00;
	v10 =	vld [tilespmem:s4+$0xFFFFFFE0];
	s4 =	simm.s32 $0x1EF0;
	(erf) = vpow2.f32 v23;
	[tilespmem:s3+$0x10] =	vst v15;
	v9 =	vpop (erf)  }
.LBB2_3:
0x86: {  	v20 =	vld [tilespmem:s5+$0xFFFFFFC0];
	s1 =	sadd.s32 $0x8, s1;
	v16 =	vmul.f32 $1.442695020e+00, v16;
	vm2 =	vge.f32 v12, $0.0e+00;
	v13 =	vsel vm1, v13, v18;
	[tilespmem:s15+$0x30] =	vst v19;
	s18 =	sadd.s32 $0x80, s18;
	s3 =	sadd.s32 $0x80, s3  }
0x87: {  	vm1 =	vge.f32 v7, $0.0e+00;
	v21 =	vmul.f32 $2.000000030e-01, v12;
	v18 =	vld [tilespmem:s4+$0xFFFFFFD0];
	p1 =	slt.u32 s1, $0xC0;
	v19 =	vmul.f32 $2.000000030e-01, v17  }
0x88: {  	v22 =	vadd.f32 v6, v8;
	vm3 =	vge.f32 v17, $0.0e+00;
	v8 =	vsub.f32 v13, v4;
	v6 =	vld [tilespmem:s4+$0xFFFFFFF0]  }
0x89: {  	v7 =	vsel vm1, v7, v14;
	v12 =	vsel vm2, v12, v21;
	v13 =	vld [tilespmem:s5+$0xFFFFFFD0];
	v14 =	vsel vm3, v17, v19;
	[tilespmem:s15+$0x10] =	vst v15  }
0x8a: {  	v12 =	vsub.f32 v12, v4;
	v15 =	vld [tilespmem:s4+$0x20];
	v14 =	vsub.f32 v14, v4;
	(erf) = vpow2.f32 v16;
	[tilespmem:s30+$0x0] =	vst v9;
	v16 =	vpop (erf)  }
0x8b: {  	v10 =	vadd.f32 v11, v10;
	v11 =	vmul.f32 $2.000000030e-01, v22;
	v23 =	vmul.f32 $1.442695020e+00, v8;
	v17 =	vld [tilespmem:s4+$0x10];
	[tilespmem:s30+$0xFFFFFFC0] =	vst v16  }
0x8c: {  	vm1 =	vge.f32 v22, $0.0e+00;
	v24 =	vmul.f32 $1.442695020e+00, v12;
	v21 =	vld [tilespmem:s4+$0xFFFFFFC0];
	v14 =	vmul.f32 $1.442695020e+00, v14;
	[tilespmem:s15+$0xFFFFFFC0] =	vst v16;
	v16 =	vpop (erf)  }
0x8d: {  	v11 =	vsel vm1, v22, v11;
	v8 =	vld [tilespmem:s5+$0xFFFFFFF0];
	(erf) = vpow2.f32 v23;
	[tilespmem:s30+$0xFFFFFFF0] =	vst v16;
	v19 =	vpop (erf)  }
0x8e: {  	v22 =	vmul.f32 $2.000000030e-01, v10;
	v13 =	vadd.f32 v18, v13;
	v18 =	vld [tilespmem:s4+$0x30];
	(erf) = vpow2.f32 v24;
	[tilespmem:s15+$0xFFFFFFF0] =	vst v16;
	v12 =	vpop (erf)  }
0x8f: {  	vm1 =	vge.f32 v10, $0.0e+00;
	v11 =	vsub.f32 v11, v4;
	v16 =	vld [tilespmem:s5+$0x30];
	(erf) = vpow2.f32 v14;
	[tilespmem:s30+$0xFFFFFFE0] =	vst v19  }
0x90: {  	v23 =	vsub.f32 v7, v4;
	v7 =	vsel vm1, v10, v22;
	v10 =	vmul.f32 $2.000000030e-01, v5;
	v14 =	vld [tilespmem:s5+$0x20];
	[tilespmem:s15+$0x0] =	vst v9  }
0x91: {  	v24 =	vsub.f32 v7, v4;
	vm1 =	vge.f32 v13, $0.0e+00;
	v9 =	vmul.f32 $2.000000030e-01, v13;
	v22 =	vld [tilespmem:s5+$0x10];
	[tilespmem:s15+$0xFFFFFFE0] =	vst v19  }
0x92: {  	v5 =	vsel vm0, v5, v10;
	v7 =	vadd.f32 v21, v20;
	v19 =	vmul.f32 $1.442695020e+00, v23;
	v20 =	vld [tilespmem:s4+$0x0];
	[tilespmem:s30+$0x20] =	vst v12;
	s30 =	smov.u32 s3  }
0x93: {  	v23 =	vmul.f32 $1.442695020e+00, v24;
	v24 =	vsub.f32 v5, v4;
	v9 =	vsel vm1, v13, v9;
	v21 =	vld [tilespmem:s5+$0x0];
	v25 =	vpop (erf);
	[tilespmem:s15+$0x20] =	vst v12;
	s15 =	smov.u32 s18  }
.Ltmp0:
0x94: {  	v26 =	vmul.f32 $1.442695020e+00, v11;
	v10 =	vld [tilespmem:s5+$0xFFFFFFE0];
	v13 =	vadd.f32 v18, v16;
	[tilespmem:s3+$0xFFFFFFD0] =	vst v25;
	(erf) = vpow2.f32 v19;
	(pc) =	sbr.rel @p1 .LBB2_3-.Ltmp0, $4  }
0x95: {  	v24 =	vmul.f32 $1.442695020e+00, v24;
	v16 =	vsub.f32 v9, v4;
	v11 =	vld [tilespmem:s4+$0xFFFFFFE0];
	v5 =	vadd.f32 v15, v14;
	[tilespmem:s18+$0xFFFFFFD0] =	vst v25  }
0x96: {  	v12 =	vadd.f32 v17, v22;
	v18 =	vmul.f32 $2.000000030e-01, v13;
	(erf) = vpow2.f32 v26;
	v19 =	vpop (erf)  }
0x97: {  	v14 =	vmul.f32 $2.000000030e-01, v7;
	vm1 =	vge.f32 v13, $0.0e+00;
	[tilespmem:s3+$0x30] =	vst v19;
	(erf) = vpow2.f32 v23;
	v15 =	vpop (erf)  }
0x98: {  	s5 =	sadd.s32 $0x80, s5;
	s4 =	sadd.s32 $0x80, s4;
	vm0 =	vge.f32 v5, $0.0e+00;
	v17 =	vadd.f32 v20, v21;
	[tilespmem:s3+$0x10] =	vst v15;
	v9 =	vpop (erf);
	(erf) = vpow2.f32 v24  }
0x99: {  	v16 =	vmul.f32 $1.442695020e+00, v16;
	v20 =	vmul.f32 $2.000000030e-01, v12;
	vm2 =	vge.f32 v12, $0.0e+00  }
0x9a: {  	v13 =	vsel vm1, v13, v18;
	vm12 =	vge.f32 v7, $0.0e+00;
	v6 =	vadd.f32 v6, v8  }
0x9b: {  	[tilespmem:s15+$0x30] =	vst v19;
	v18 =	vmul.f32 $2.000000030e-01, v17;
	v13 =	vsub.f32 v13, v4;
	v12 =	vsel vm2, v12, v20  }
0x9c: {  	[tilespmem:s15+$0x10] =	vst v15;
	vm13 =	vge.f32 v17, $0.0e+00;
	v7 =	vsel vm12, v7, v14;
	v56 =	vsub.f32 v12, v4  }
0x9d: {  	[tilespmem:s30+$0x0] =	vst v9;
	v10 =	vadd.f32 v11, v10;
	(erf) = vpow2.f32 v16;
	v13 =	vmul.f32 $1.442695020e+00, v13  }
0x9e: {  	[tilespmem:s15+$0x0] =	vst v9;
	v59 =	vmul.f32 $2.000000030e-01, v6;
	v57 =	vsel vm13, v17, v18;
	v58 =	vpop (erf);
	v8 =	vmul.f32 $1.442695020e+00, v56  }
0x9f: {  	vm14 =	vge.f32 v6, $0.0e+00;
	v12 =	vsub.f32 v57, v4;
	[tilespmem:s30+$0xFFFFFFC0] =	vst v58;
	v60 =	vpop (erf);
	(erf) = vpow2.f32 v13  }
0xa0: {  	v7 =	vsub.f32 v7, v4;
	v63 =	vmul.f32 $2.000000030e-01, v10;
	[tilespmem:s15+$0xFFFFFFC0] =	vst v58;
	(erf) = vpow2.f32 v8  }
0xa1: {  	vm15 =	vge.f32 v10, $0.0e+00;
	v6 =	vsel vm14, v6, v59;
	v61 =	vmul.f32 $1.442695020e+00, v12;
	[tilespmem:s30+$0xFFFFFFF0] =	vst v60  }
0xa2: {  	v7 =	vmul.f32 $1.442695020e+00, v7;
	v6 =	vsub.f32 v6, v4;
	v13 =	vsel vm15, v10, v63;
	v62 =	vpop (erf);
	[tilespmem:s15+$0xFFFFFFF0] =	vst v60  }
0xa3: {  	v14 =	vmul.f32 $2.000000030e-01, v5;
	v8 =	vsub.f32 v13, v4;
	[tilespmem:s30+$0xFFFFFFE0] =	vst v62;
	(erf) = vpow2.f32 v61  }
0xa4: {  	v6 =	vmul.f32 $1.442695020e+00, v6;
	v15 =	vpop (erf);
	[tilespmem:s15+$0xFFFFFFE0] =	vst v62;
	(erf) = vpow2.f32 v7  }
0xa5: {  	v5 =	vsel vm0, v5, v14;
	[tilespmem:s30+$0x20] =	vst v15;
	v7 =	vmul.f32 $1.442695020e+00, v8  }
0xa6: {  	s2 =	sadd.s32 $0x80, s3;
	v5 =	vsub.f32 v5, v4;
	[tilespmem:s15+$0x20] =	vst v15;
	v28 =	vpop (erf)  }
0xa7: {  	s22 =	sadd.s32 $0x80, s18;
	(erf) = vpow2.f32 v6;
	[tilespmem:s2+$0xFFFFFFD0] =	vst v28  }
0xa8: {  	v5 =	vmul.f32 $1.442695020e+00, v5;
	[tilespmem:s22+$0xFFFFFFD0] =	vst v28;
	v6 =	vpop (erf)  }
0xa9: {  	(erf) = vpow2.f32 v7;
	[tilespmem:s2+$0x30] =	vst v6;
	v7 =	vpop (erf)  }
0xaa: {  	[tilespmem:s2+$0x10] =	vst v7  }
0xab: {  	(erf) = vpow2.f32 v5;
	[tilespmem:s22+$0x30] =	vst v6  }
0xac: {  	v5 =	vpop (erf);
	[tilespmem:s22+$0x10] =	vst v7  }
0xad: {  	[tilespmem:s2+$0x0] =	vst v5;
	v6 =	vpop (erf)  }
0xae: {  	[tilespmem:s2+$0xFFFFFFC0] =	vst v6  }
0xaf: {  	[tilespmem:s22+$0x0] =	vst v5  }
0xb0: {  	[tilespmem:s22+$0xFFFFFFC0] =	vst v6;
	v6 =	vpop (erf)  }
0xb1: {  	s1 =	simm.s32 $0x0;
	[tilespmem:s2+$0xFFFFFFF0] =	vst v6  }
0xb2: {  	s21 =	simm.s32 $0x70;
	[tilespmem:s22+$0xFFFFFFF0] =	vst v6;
	v6 =	vor.u32 s1, v0;
	v7 =	vpop (erf)  }
0xb3: {  	v5 =	vor.u32 s21, v0;
	[tilespmem:s2+$0xFFFFFFE0] =	vst v7  }
0xb4: {  	s3 =	simm.s32 $0x30;
	v29 =	vpop (erf);
	[tilespmem:s22+$0xFFFFFFE0] =	vst v7  }
0xb5: {  	s4 =	simm.s32 $0x40;
	v31 =	vor.u32 s3, v0;
	[tilespmem:s2+$0x20] =	vst v29  }
0xb6: {  	s5 =	simm.s32 $0x50;
	v32 =	vor.u32 s4, v0;
	[tilespmem:s22+$0x20] =	vst v29  }
0xb7: {  	v33 =	vor.u32 s5, v0;
	v6 =	vld.idx.msk [tilespmem:v6+s20+$0x0], $0xffff  }
0xb8: {  	s15 =	simm.s32 $0x37B0;
	v5 =	vld.idx.msk [tilespmem:v5+s20+$0x0], $0xffff  }
0xb9: {  	v34 =	vld [tilespmem:s15+$0xC0]  }
0xba: {  	v9 =	vld.idx.msk [tilespmem:v31+s20+$0x0], $0xffff  }
0xbb: {  	v10 =	vld.idx.msk [tilespmem:v32+s20+$0x0], $0xffff  }
0xbc: {  	v11 =	vld.idx.msk [tilespmem:v33+s20+$0x0], $0xffff  }
0xbd: {  	v38 =	vld [tilespmem:s15+$0xFFFFFF00]  }
0xbe: {  	v39 =	vld [tilespmem:s15+$0xD0]  }
0xbf: {  	v15 =	vld [tilespmem:s15+$0xFFFFFF40]  }
0xc0: {  	v17 =	vld [tilespmem:s15+$0xFFFFFF80]  }
0xc1: {  	v18 =	vld [tilespmem:s15+$0xFFFFFFC0]  }
0xc2: {  	v40 =	vld [tilespmem:s15+$0x0]  }
0xc3: {  	s18 =	simm.s32 $0x10;
	v21 =	vld [tilespmem:s15+$0x40]  }
0xc4: {  	v7 =	vor.u32 s18, v0;
	s2 =	simm.s32 $0x20;
	v43 =	vld [tilespmem:s15+$0xE0]  }
0xc5: {  	v30 =	vor.u32 s2, v0;
	v50 =	vld [tilespmem:s15+$0xFFFFFF10]  }
0xc6: {  	v51 =	vld [tilespmem:s15+$0xF0]  }
0xc7: {  	s22 =	simm.s32 $0x60;
	v52 =	vld [tilespmem:s15+$0xFFFFFF50]  }
0xc8: {  	v35 =	vor.u32 s22, v0;
	v53 =	vld [tilespmem:s15+$0x10]  }
0xc9: {  	v7 =	vld.idx.msk [tilespmem:v7+s20+$0x0], $0xffff  }
0xca: {  	v8 =	vld.idx.msk [tilespmem:v30+s20+$0x0], $0xffff  }
0xcb: {  	v36 =	vor.u32 s21, v1;
	v54 =	vld [tilespmem:s15+$0x90]  }
0xcc: {  	v16 =	vor.u32 s1, v1;
	v23 =	vld [tilespmem:s15+$0xFFFFFF20];
	v6 =	vmul.f32 v38, v6  }
0xcd: {  	v20 =	vor.u32 s18, v1;
	v5 =	vmul.f32 v34, v5;
	v37 =	vld.idx.msk [tilespmem:v35+s20+$0x0], $0xffff  }
0xce: {  	v41 =	vor.u32 s2, v1;
	[tilespmem:s15+$0xFFFFFF00] =	vst v6;
	v6 =	vld [tilespmem:s15+$0x80];
	v7 =	vmul.f32 v15, v7  }
0xcf: {  	v22 =	vor.u32 s3, v1;
	v58 =	vld [tilespmem:s15+$0xFFFFFF60];
	[tilespmem:s15+$0xC0] =	vst v5;
	v8 =	vmul.f32 v17, v8  }
0xd0: {  	v5 =	vld.idx.msk [tilespmem:v36+s20+$0x0], $0xffff;
	v17 =	vor.u32 s5, v1;
	[tilespmem:s15+$0xFFFFFF40] =	vst v7;
	v7 =	vmul.f32 v18, v9  }
0xd1: {  	v42 =	vld.idx.msk [tilespmem:v16+s20+$0x0], $0xffff;
	v18 =	vor.u32 s22, v1;
	[tilespmem:s15+$0xFFFFFF80] =	vst v8  }
0xd2: {  	v45 =	vld.idx.msk [tilespmem:v20+s20+$0x0], $0xffff;
	[tilespmem:s15+$0xFFFFFFC0] =	vst v7;
	v7 =	vmul.f32 v21, v11  }
0xd3: {  	v19 =	vor.u32 s21, v2;
	v46 =	vld.idx.msk [tilespmem:v41+s20+$0x0], $0xffff;
	v6 =	vmul.f32 v6, v37  }
0xd4: {  	v47 =	vld.idx.msk [tilespmem:v22+s20+$0x0], $0xffff;
	[tilespmem:s15+$0x40] =	vst v7  }
0xd5: {  	v5 =	vmul.f32 v39, v5;
	[tilespmem:s15+$0x80] =	vst v6;
	v6 =	vld.idx.msk [tilespmem:v17+s20+$0x0], $0xffff  }
0xd6: {  	v49 =	vld.idx.msk [tilespmem:v18+s20+$0x0], $0xffff  }
0xd7: {  	[tilespmem:s15+$0xD0] =	vst v5;
	v17 =	vld [tilespmem:s15+$0xFFFFFF90]  }
0xd8: {  	v16 =	vld.idx.msk [tilespmem:v19+s20+$0x0], $0xffff  }
0xd9: {  	v5 =	vor.u32 s4, v1;
	v18 =	vld [tilespmem:s15+$0xFFFFFFD0]  }
0xda: {  	v60 =	vld [tilespmem:s15+$0xFFFFFFA0];
	v19 =	vor.u32 s18, v2  }
0xdb: {  	v61 =	vld [tilespmem:s15+$0xFFFFFFE0];
	v44 =	vmul.f32 v40, v10;
	v20 =	vor.u32 s2, v2  }
0xdc: {  	v21 =	vld [tilespmem:s15+$0x50];
	v22 =	vor.u32 s3, v2;
	v10 =	vmul.f32 v52, v45  }
0xdd: {  	v24 =	vld [tilespmem:s15+$0xFFFFFF30];
	[tilespmem:s15+$0x0] =	vst v44;
	v11 =	vmul.f32 v17, v46;
	v7 =	vmul.f32 v43, v16;
	v16 =	vor.u32 s1, v2  }
0xde: {  	[tilespmem:s15+$0xFFFFFF50] =	vst v10;
	v5 =	vld.idx.msk [tilespmem:v5+s20+$0x0], $0xffff;
	v8 =	vmul.f32 v18, v47  }
0xdf: {  	v13 =	vmul.f32 v50, v42;
	v18 =	vld.idx.msk [tilespmem:v19+s20+$0x0], $0xffff;
	[tilespmem:s15+$0xFFFFFF90] =	vst v11  }
0xe0: {  	v48 =	vor.u32 s21, v3;
	[tilespmem:s15+$0xFFFFFFD0] =	vst v8;
	v11 =	vld.idx.msk [tilespmem:v20+s20+$0x0], $0xffff  }
0xe1: {  	[tilespmem:s15+$0xFFFFFF10] =	vst v13;
	v17 =	vor.u32 s5, v2;
	v6 =	vmul.f32 v21, v6;
	v8 =	vld.idx.msk [tilespmem:v22+s20+$0x0], $0xffff  }
0xe2: {  	v55 =	vor.u32 s4, v2;
	v16 =	vld.idx.msk [tilespmem:v16+s20+$0x0], $0xffff  }
0xe3: {  	v56 =	vor.u32 s22, v2;
	[tilespmem:s15+$0x50] =	vst v6;
	v20 =	vld [tilespmem:s15+$0x20];
	v5 =	vmul.f32 v53, v5  }
0xe4: {  	[tilespmem:s15+$0xE0] =	vst v7;
	v22 =	vld [tilespmem:s15+$0x60]  }
0xe5: {  	v59 =	vor.u32 s1, v3;
	v7 =	vld.idx.msk [tilespmem:v48+s20+$0x0], $0xffff;
	[tilespmem:s15+$0x10] =	vst v5;
	v5 =	vmul.f32 v54, v49  }
0xe6: {  	v6 =	vld.idx.msk [tilespmem:v17+s20+$0x0], $0xffff  }
0xe7: {  	v17 =	vor.u32 s18, v3;
	v57 =	vld.idx.msk [tilespmem:v55+s20+$0x0], $0xffff;
	[tilespmem:s15+$0x90] =	vst v5;
	v16 =	vmul.f32 v23, v16  }
0xe8: {  	v21 =	vor.u32 s2, v3;
	v10 =	vmul.f32 v58, v18;
	v5 =	vld.idx.msk [tilespmem:v56+s20+$0x0], $0xffff  }
0xe9: {  	v11 =	vmul.f32 v60, v11;
	v23 =	vor.u32 s3, v3;
	[tilespmem:s15+$0xFFFFFF20] =	vst v16;
	v16 =	vld [tilespmem:s15+$0xA0]  }
0xea: {  	v18 =	vor.u32 s4, v3;
	[tilespmem:s15+$0xFFFFFF60] =	vst v10;
	v8 =	vmul.f32 v61, v8;
	v13 =	vld.idx.msk [tilespmem:v59+s20+$0x0], $0xffff  }
0xeb: {  	v62 =	vor.u32 s5, v3;
	v25 =	vld [tilespmem:s15+$0xFFFFFF70];
	v7 =	vmul.f32 v51, v7;
	[tilespmem:s15+$0xFFFFFFA0] =	vst v11  }
0xec: {  	v63 =	vor.u32 s22, v3;
	v19 =	vld.idx.msk [tilespmem:v17+s20+$0x0], $0xffff;
	[tilespmem:s15+$0xFFFFFFE0] =	vst v8;
	v9 =	vmul.f32 v20, v57  }
0xed: {  	v6 =	vmul.f32 v22, v6;
	[tilespmem:s15+$0xF0] =	vst v7;
	v20 =	vld.idx.msk [tilespmem:v21+s20+$0x0], $0xffff  }
0xee: {  	[tilespmem:s15+$0x20] =	vst v9;
	v21 =	vld.idx.msk [tilespmem:v23+s20+$0x0], $0xffff;
	v5 =	vmul.f32 v16, v5  }
0xef: {  	[tilespmem:s15+$0x60] =	vst v6;
	v22 =	vld.idx.msk [tilespmem:v18+s20+$0x0], $0xffff;
	v6 =	vmul.f32 v24, v13  }
0xf0: {  	v24 =	vld.idx.msk [tilespmem:v62+s20+$0x0], $0xffff;
	[tilespmem:s15+$0xA0] =	vst v5  }
0xf1: {  	s18 =	simm.s32 $0x37B0;
	s3 =	simm.s32 $0x80;
	v23 =	vld.idx.msk [tilespmem:v63+s20+$0x0], $0xffff;
	[tilespmem:s15+$0xFFFFFF30] =	vst v6  }
.LBB2_5:
0xf2: {  	v5 =	vor.u32 s3, v0;
	v26 =	vor.u32 s3, v1;
	v11 =	vor.u32 s3, v2;
	s2 =	sadd.s32 $0x10, s3;
	s1 =	sadd.s32 $0x70, s3;
	s26 =	sadd.s32 $0x8, s26;
	v27 =	vld [tilespmem:s15+$0xFFFFFFB0]  }
0xf3: {  	s4 =	sadd.s32 $0x20, s3;
	s5 =	sadd.s32 $0x30, s3;
	v6 =	vor.u32 s2, v0;
	v28 =	vor.u32 s2, v1;
	v7 =	vor.u32 s1, v0;
	p1 =	slt.u32 s26, $0xC0;
	v29 =	vld [tilespmem:s15+$0xFFFFFFF0]  }
0xf4: {  	s21 =	sadd.s32 $0x40, s3;
	s30 =	sadd.s32 $0x50, s3;
	s22 =	sadd.s32 $0x60, s3;
	v30 =	vor.u32 s4, v0;
	v31 =	vor.u32 s4, v1;
	v32 =	vor.u32 s5, v0;
	v33 =	vld [tilespmem:s15+$0x30]  }
0xf5: {  	v34 =	vor.u32 s21, v0;
	v35 =	vor.u32 s30, v0;
	v36 =	vor.u32 s22, v0;
	v37 =	vld [tilespmem:s15+$0x70]  }
0xf6: {  	v38 =	vor.u32 s5, v1;
	v39 =	vor.u32 s21, v1;
	v40 =	vor.u32 s30, v1;
	v41 =	vld [tilespmem:s15+$0xB0]  }
0xf7: {  	v18 =	vor.u32 s2, v2;
	v17 =	vor.u32 s4, v2;
	v43 =	vor.u32 s22, v1;
	v42 =	vld.idx.msk [tilespmem:v5+s20+$0x0], $0xffff  }
0xf8: {  	v16 =	vor.u32 s5, v2;
	v14 =	vor.u32 s21, v2;
	v13 =	vor.u32 s30, v2;
	s15 =	sadd.s32 $0x200, s15;
	v44 =	vld.idx.msk [tilespmem:v7+s20+$0x0], $0xffff  }
0xf9: {  	v10 =	vor.u32 s2, v3;
	v8 =	vor.u32 s4, v3;
	v15 =	vor.u32 s22, v2;
	v45 =	vld [tilespmem:s15+$0xC0]  }
0xfa: {  	v9 =	vor.u32 s5, v3;
	v5 =	vor.u32 s30, v3;
	v7 =	vor.u32 s21, v3;
	v46 =	vld.idx.msk [tilespmem:v6+s20+$0x0], $0xffff  }
0xfb: {  	v12 =	vor.u32 s3, v3;
	v19 =	vmul.f32 v25, v19;
	v6 =	vor.u32 s22, v3;
	v30 =	vld.idx.msk [tilespmem:v30+s20+$0x0], $0xffff  }
0xfc: {  	v20 =	vmul.f32 v27, v20;
	v21 =	vmul.f32 v29, v21;
	v25 =	vld.idx.msk [tilespmem:v32+s20+$0x0], $0xffff;
	v32 =	vor.u32 s1, v1  }
0xfd: {  	v27 =	vld.idx.msk [tilespmem:v34+s20+$0x0], $0xffff;
	[tilespmem:s18+$0xFFFFFF70] =	vst v19;
	v19 =	vmul.f32 v33, v22;
	v22 =	vmul.f32 v37, v24  }
0xfe: {  	v24 =	vld.idx.msk [tilespmem:v35+s20+$0x0], $0xffff;
	v29 =	vmul.f32 v45, v44;
	[tilespmem:s18+$0xFFFFFFB0] =	vst v20;
	v20 =	vmul.f32 v41, v23  }
0xff: {  	v23 =	vld.idx.msk [tilespmem:v36+s20+$0x0], $0xffff;
	[tilespmem:s18+$0xFFFFFFF0] =	vst v21  }
0x100: {  	v21 =	vld [tilespmem:s15+$0xFFFFFF00];
	[tilespmem:s15+$0xC0] =	vst v29  }
0x101: {  	v29 =	vld.idx.msk [tilespmem:v32+s20+$0x0], $0xffff;
	[tilespmem:s18+$0x30] =	vst v19  }
0x102: {  	v19 =	vld [tilespmem:s15+$0xD0];
	[tilespmem:s18+$0x70] =	vst v22  }
0x103: {  	v22 =	vld [tilespmem:s15+$0xFFFFFF40];
	[tilespmem:s18+$0xB0] =	vst v20;
	s18 =	smov.u32 s15  }
0x104: {  	v20 =	vld [tilespmem:s15+$0xFFFFFF80]  }
0x105: {  	v33 =	vor.u32 s1, v2;
	v21 =	vmul.f32 v21, v42;
	v32 =	vld [tilespmem:s15+$0xFFFFFFC0]  }
0x106: {  	v34 =	vld [tilespmem:s15+$0x0]  }
0x107: {  	[tilespmem:s15+$0xFFFFFF00] =	vst v21;
	v21 =	vld [tilespmem:s15+$0x40];
	v19 =	vmul.f32 v19, v29  }
0x108: {  	v22 =	vmul.f32 v22, v46;
	v29 =	vld [tilespmem:s15+$0x80]  }
0x109: {  	v26 =	vld.idx.msk [tilespmem:v26+s20+$0x0], $0xffff;
	v20 =	vmul.f32 v20, v30;
	[tilespmem:s15+$0xD0] =	vst v19  }
0x10a: {  	[tilespmem:s15+$0xFFFFFF40] =	vst v22;
	v19 =	vmul.f32 v32, v25;
	v22 =	vld.idx.msk [tilespmem:v33+s20+$0x0], $0xffff  }
0x10b: {  	[tilespmem:s15+$0xFFFFFF80] =	vst v20;
	v20 =	vmul.f32 v34, v27;
	v25 =	vld [tilespmem:s15+$0xE0]  }
0x10c: {  	v27 =	vld.idx.msk [tilespmem:v28+s20+$0x0], $0xffff;
	[tilespmem:s15+$0xFFFFFFC0] =	vst v19;
	v19 =	vmul.f32 v21, v24  }
0x10d: {  	v21 =	vld.idx.msk [tilespmem:v31+s20+$0x0], $0xffff;
	[tilespmem:s15+$0x0] =	vst v20;
	v20 =	vmul.f32 v29, v23  }
0x10e: {  	v23 =	vld.idx.msk [tilespmem:v38+s20+$0x0], $0xffff;
	[tilespmem:s15+$0x40] =	vst v19;
	v19 =	vor.u32 s1, v3  }
0x10f: {  	v24 =	vld.idx.msk [tilespmem:v39+s20+$0x0], $0xffff;
	[tilespmem:s15+$0x80] =	vst v20  }
0x110: {  	v20 =	vld.idx.msk [tilespmem:v40+s20+$0x0], $0xffff;
	v22 =	vmul.f32 v25, v22  }
0x111: {  	v25 =	vld.idx.msk [tilespmem:v43+s20+$0x0], $0xffff  }
0x112: {  	v28 =	vld [tilespmem:s15+$0xFFFFFF10];
	[tilespmem:s15+$0xE0] =	vst v22  }
0x113: {  	v19 =	vld.idx.msk [tilespmem:v19+s20+$0x0], $0xffff  }
0x114: {  	v22 =	vld [tilespmem:s15+$0xF0]  }
0x115: {  	v29 =	vld [tilespmem:s15+$0xFFFFFF50]  }
0x116: {  	v30 =	vld [tilespmem:s15+$0xFFFFFF90]  }
0x117: {  	v26 =	vmul.f32 v28, v26;
	v28 =	vld [tilespmem:s15+$0xFFFFFFD0]  }
0x118: {  	v31 =	vld [tilespmem:s15+$0x10]  }
0x119: {  	[tilespmem:s15+$0xFFFFFF10] =	vst v26;
	v26 =	vld [tilespmem:s15+$0x50];
	v19 =	vmul.f32 v22, v19  }
0x11a: {  	v22 =	vmul.f32 v29, v27;
	v27 =	vld [tilespmem:s15+$0x90]  }
0x11b: {  	v11 =	vld.idx.msk [tilespmem:v11+s20+$0x0], $0xffff;
	v21 =	vmul.f32 v30, v21;
	[tilespmem:s15+$0xF0] =	vst v19  }
0x11c: {  	v19 =	vld [tilespmem:s15+$0xFFFFFF20];
	[tilespmem:s15+$0xFFFFFF50] =	vst v22;
	v22 =	vmul.f32 v28, v23  }
0x11d: {  	v18 =	vld.idx.msk [tilespmem:v18+s20+$0x0], $0xffff;
	[tilespmem:s15+$0xFFFFFF90] =	vst v21;
	v21 =	vmul.f32 v31, v24  }
0x11e: {  	v17 =	vld.idx.msk [tilespmem:v17+s20+$0x0], $0xffff;
	[tilespmem:s15+$0xFFFFFFD0] =	vst v22;
	v20 =	vmul.f32 v26, v20  }
0x11f: {  	v16 =	vld.idx.msk [tilespmem:v16+s20+$0x0], $0xffff;
	[tilespmem:s15+$0x10] =	vst v21;
	v21 =	vmul.f32 v27, v25  }
0x120: {  	v14 =	vld.idx.msk [tilespmem:v14+s20+$0x0], $0xffff;
	[tilespmem:s15+$0x50] =	vst v20  }
0x121: {  	v11 =	vmul.f32 v19, v11;
	v13 =	vld.idx.msk [tilespmem:v13+s20+$0x0], $0xffff;
	[tilespmem:s15+$0x90] =	vst v21  }
0x122: {  	v15 =	vld.idx.msk [tilespmem:v15+s20+$0x0], $0xffff  }
0x123: {  	[tilespmem:s15+$0xFFFFFF20] =	vst v11;
	v11 =	vld [tilespmem:s15+$0xFFFFFF60]  }
0x124: {  	v19 =	vld [tilespmem:s15+$0xFFFFFFA0]  }
0x125: {  	v20 =	vld [tilespmem:s15+$0xFFFFFFE0]  }
0x126: {  	v21 =	vld [tilespmem:s15+$0x20]  }
0x127: {  	v22 =	vld [tilespmem:s15+$0x60]  }
0x128: {  	v11 =	vmul.f32 v11, v18;
	v18 =	vld [tilespmem:s15+$0xA0]  }
0x129: {  	v12 =	vld.idx.msk [tilespmem:v12+s20+$0x0], $0xffff;
	v17 =	vmul.f32 v19, v17  }
0x12a: {  	v23 =	vld [tilespmem:s15+$0xFFFFFF30];
	[tilespmem:s15+$0xFFFFFF60] =	vst v11;
	v11 =	vmul.f32 v20, v16  }
0x12b: {  	v19 =	vld.idx.msk [tilespmem:v10+s20+$0x0], $0xffff;
	[tilespmem:s15+$0xFFFFFFA0] =	vst v17;
	v10 =	vmul.f32 v21, v14  }
0x12c: {  	v20 =	vld.idx.msk [tilespmem:v8+s20+$0x0], $0xffff;
	[tilespmem:s15+$0xFFFFFFE0] =	vst v11;
	v8 =	vmul.f32 v22, v13  }
.Ltmp1:
0x12d: {  	v21 =	vld.idx.msk [tilespmem:v9+s20+$0x0], $0xffff;
	[tilespmem:s15+$0x20] =	vst v10;
	v9 =	vmul.f32 v18, v15;
	(pc) =	sbr.rel @p1 .LBB2_5-.Ltmp1, $4  }
0x12e: {  	v22 =	vld.idx.msk [tilespmem:v7+s20+$0x0], $0xffff;
	[tilespmem:s15+$0x60] =	vst v8  }
0x12f: {  	v7 =	vmul.f32 v23, v12;
	v24 =	vld.idx.msk [tilespmem:v5+s20+$0x0], $0xffff;
	[tilespmem:s15+$0xA0] =	vst v9  }
0x130: {  	v23 =	vld.idx.msk [tilespmem:v6+s20+$0x0], $0xffff  }
0x131: {  	s3 =	sadd.s32 $0x80, s3;
	[tilespmem:s15+$0xFFFFFF30] =	vst v7;
	v25 =	vld [tilespmem:s15+$0xFFFFFF70]  }
0x132: {  	v5 =	vld [tilespmem:s15+$0xFFFFFFB0]  }
0x133: {  	v6 =	vld [tilespmem:s15+$0xFFFFFFF0]  }
0x134: {  	v7 =	vld [tilespmem:s15+$0x30]  }
0x135: {  	v8 =	vld [tilespmem:s15+$0x70]  }
0x136: {  	v9 =	vld [tilespmem:s15+$0xB0];
	v10 =	vmul.f32 v25, v19  }
0x137: {  	v5 =	vmul.f32 v5, v20  }
0x138: {  	v6 =	vmul.f32 v6, v21;
	[tilespmem:s18+$0xFFFFFF70] =	vst v10  }
0x139: {  	v7 =	vmul.f32 v7, v22;
	[tilespmem:s18+$0xFFFFFFB0] =	vst v5  }
0x13a: {  	v5 =	vmul.f32 v8, v24;
	[tilespmem:s18+$0xFFFFFFF0] =	vst v6  }
0x13b: {  	v6 =	vmul.f32 v9, v23;
	[tilespmem:s18+$0x30] =	vst v7  }
0x13c: {  	s1 =	simm.s32 @!p0 $0xC8;
	[tilespmem:s18+$0x70] =	vst v5  }
0x13d: {  	s2 =	simm.s32 @!p0 $0x190;
	s3 =	simm.s32 @!p0 $0x9AB0;
	s4 =	rddreg [dreg:$0x4];
	[tilespmem:s18+$0xB0] =	vst v6  }
0x13e: {  	[spmem:s4] =	stream.indirect.scatter.add.f32 @!p0 [tilespmem:s3], [sflag:$0x7], $0x10, s2, s1, $0xb8;
	[tilespmem:$0x194C0] =	vst v63  }
0x13f: {  	s5 =	simm.s32 $0x190;
	s15 =	simm.s32 $0x36B0;
	s4 =	rddreg [dreg:$0x3]  }
0x140: {  	[spmem:s4] =	stream.indirect.scatter.add.f32 [tilespmem:s15], [sflag:$0x5], $0x40, s5, s0, $0xb8;
	[tilespmem:$0x194C0] =	vst v63  }
0x141: {  	_ =	swait.ge [sflag:s23], $0xC80  }
0x142: {  	[sflag:s23] =	ssyncset.done $0x0  }
0x143: {  	[sflag:s23] =	ssyncadd.s32 $0xFFFFF380  }
0x144: {  	_ =	swait.ge [sflag:s23], $0xC80  }
0x145: {  	[sflag:s23] =	ssyncset.done $0x0  }
0x146: {  	[sflag:s23] =	ssyncadd.s32 $0xFFFFF380  }
0x147: {  	_ =	swait.ge [sflag:s24], $0x3200  }
0x148: {  	p1 =	seq.s32 s17, $0x31;
	[sflag:s24] =	ssyncset.done $0x0  }
0x149: {  	s1 =	simm.s32 @!p1 $0x5;
	[sflag:s24] =	ssyncadd.s32 $0xFFFFCE00  }
0x14a: {  	p2 =	sne.s32 @!p1 s7, $0x0;
	_ =	swait.ge @!p1 [sflag:s1], $0x3200  }
0x14b: {  	p2 =	por p2, p1;
	[sflag:s1] =	ssyncset.done @!p1 $0x0  }
0x14c: {  	[sflag:s1] =	ssyncadd.s32 @!p1 $0xFFFFCE00;
	s1 =	simm.s32 @!p2 $0x7  }
0x14d: {  	_ =	swait.ge @!p2 [sflag:s1], $0xC80  }
0x14e: {  	s2 =	rddreg [dreg:$0xf]  }
0x14f: {  	s2 =	sadd.s32 @!p1 s16, s2  }
0x150: {  	[sflag:s1] =	ssyncset.done @!p2 $0x0;
	s3 =	sshrl.u32 @!p1 s2, $0x3  }
0x151: {  	s4 =	simm.s32 @!p1 $0x0;
	[sflag:s1] =	ssyncadd.s32 @!p2 $0xFFFFF380;
	s1 =	sadd.s32 @!p1 s8, s3  }
0x152: {  	[tilespmem:s4], [sflag:$0x9] =	stream.linear.gather @!p1 [hbm4b:s1+s4], $0xC8, $0x38;
	[tilespmem:$0x194C0] =	vst v63  }
0x153: {  	s1 =	simm.s32 @!p1 $0x9  }
0x154: {  	_ =	swait.ge @!p1 [sflag:s1], $0xC8  }
0x155: {  	[sflag:s1] =	ssyncset.done @!p1 $0x0  }
0x156: {  	s5 =	simm.s32 @!p1 $0x190;
	s3 =	sadd.s32 @!p1 s9, s3;
	[sflag:s1] =	ssyncadd.s32 @!p1 $0xFFFFFF38  }
0x157: {  	[tilespmem:s5], [sflag:$0x9] =	stream.linear.gather @!p1 [hbm4b:s3+s4], $0xC8, $0x38;
	[tilespmem:$0x194C0] =	vst v63  }
0x158: {  	s2 =	sadd.s32 @!p1 s13, s2;
	_ =	swait.ge @!p1 [sflag:s1], $0xC8  }
0x159: {  	s2 =	sshrl.u32 @!p1 s2, $0x3;
	[sflag:s1] =	ssyncset.done @!p1 $0x0  }
0x15a: {  	s2 =	sadd.s32 @!p1 s14, s2;
	s3 =	simm.s32 @!p1 $0x320;
	[sflag:s1] =	ssyncadd.s32 @!p1 $0xFFFFFF38  }
0x15b: {  	[tilespmem:s3], [sflag:$0x9] =	stream.linear.gather @!p1 [hbm4b:s2+s4], $0xC8, $0x38;
	[tilespmem:$0x194C0] =	vst v63  }
0x15c: {  	_ =	swait.ge @!p1 [sflag:s1], $0xC8  }
0x15d: {  	[sflag:s1] =	ssyncset.done @!p1 $0x0  }
0x15e: {  	s2 =	simm.s32 @!p1 $0x4B0;
	[sflag:s1] =	ssyncadd.s32 @!p1 $0xFFFFFF38;
	s1 =	simm.s32 @!p1 $0xC8  }
0x15f: {  	[tilespmem:s2], [sflag:$0x1] =	stream.indirect.gather @!p1 [hbm4b:s10+s1], $0x10, s4, s1, $0xb8;
	[tilespmem:$0x194C0] =	vst v63  }
0x160: {  	s2 =	simm.s32 @!p1 $0x1DB0  }
0x161: {  	[tilespmem:s2], [sflag:$0x1] =	stream.indirect.gather @!p1 [hbm4b:s11+s1], $0x10, s5, s1, $0xb8;
	[tilespmem:$0x194C0] =	vst v63  }
0x162: {  	s18 =	simm.s32 $0x11A0;
	s4 =	rddreg [dreg:$0x2];
	s2 =	simm.s32 @!p1 $0x36B0  }
0x163: {  	[tilespmem:s2], [sflag:$0x3] =	stream.indirect.gather @!p1 [hbm4b:s4+s1], $0x40, s3, s1, $0xb8;
	[tilespmem:$0x194C0] =	vst v63  }
0x164: {  	s21 =	simm.s32 $0x2AA0;
	v5 =	vld [tilespmem:s18+$0xFFFFFF90]  }
0x165: {  	v6 =	vld [tilespmem:s21+$0xFFFFFFA0]  }
0x166: {  	v7 =	vld [tilespmem:s21+$0xFFFFFFC0]  }
0x167: {  	v8 =	vld [tilespmem:s18+$0xFFFFFFA0]  }
0x168: {  	v9 =	vld [tilespmem:s21+$0xFFFFFFF0]  }
0x169: {  	v11 =	vld [tilespmem:s21+$0xFFFFFF90]  }
0x16a: {  	v12 =	vld [tilespmem:s18+$0xFFFFFFC0]  }
0x16b: {  	v13 =	vld [tilespmem:s21+$0x0]  }
0x16c: {  	v14 =	vld [tilespmem:s18+$0x0]  }
0x16d: {  	v15 =	vld [tilespmem:s18+$0xFFFFFFF0]  }
0x16e: {  	v16 =	vld [tilespmem:s21+$0xFFFFFFD0]  }
0x16f: {  	v18 =	vld [tilespmem:s18+$0xFFFFFFD0];
	_ =	sdelay $0x2  }
0x170: {  	v10 =	vld [tilespmem:s21+$0xFFFFFFE0];
	v6 =	vadd.f32 v6, v8;
	v5 =	vadd.f32 v11, v5  }
0x171: {  	v8 =	vld [tilespmem:s18+$0xFFFFFFE0];
	v7 =	vadd.f32 v7, v12;
	v11 =	vadd.f32 v13, v14  }
0x172: {  	v9 =	vadd.f32 v9, v15;
	v16 =	vadd.f32 v16, v18  }
0x173: {  	s26 =	simm.s32 $0x2B20;
	v17 =	vmul.f32 $2.000000030e-01, v6;
	vm0 =	vge.f32 v6, $0.0e+00;
	v14 =	vmul.f32 $2.000000030e-01, v11  }
0x174: {  	v20 =	vld [tilespmem:s26+$0xFFFFFFC0];
	v13 =	vmul.f32 $2.000000030e-01, v5;
	v15 =	vmul.f32 $2.000000030e-01, v7;
	vm1 =	vge.f32 v11, $0.0e+00  }
0x175: {  	v12 =	vld [tilespmem:s18+$0xFFFFFFB0];
	v18 =	vmul.f32 $2.000000030e-01, v16;
	v6 =	vsel vm0, v6, v17;
	v11 =	vsel vm1, v11, v14  }
0x176: {  	s22 =	simm.s32 $0x1220;
	vm1 =	vge.f32 v5, $0.0e+00;
	v6 =	vsub.f32 v6, v4;
	v8 =	vadd.f32 v10, v8;
	v10 =	vld [tilespmem:s21+$0xFFFFFFB0]  }
0x177: {  	v60 =	vld [tilespmem:s22+$0xFFFFFFA0];
	vm2 =	vge.f32 v16, $0.0e+00;
	v11 =	vsub.f32 v11, v4;
	v5 =	vsel vm1, v5, v13  }
0x178: {  	v61 =	vld [tilespmem:s22+$0xFFFFFFE0];
	v13 =	vsel vm2, v16, v18;
	v6 =	vmul.f32 $1.442695020e+00, v6;
	v19 =	vmul.f32 $2.000000030e-01, v8  }
0x179: {  	v14 =	vld [tilespmem:s26+$0xFFFFFFA0];
	vm1 =	vge.f32 v7, $0.0e+00;
	v5 =	vsub.f32 v5, v4;
	vm3 =	vge.f32 v8, $0.0e+00  }
0x17a: {  	v17 =	vld [tilespmem:s22+$0xFFFFFF90];
	v13 =	vsub.f32 v13, v4;
	v8 =	vsel vm3, v8, v19;
	(erf) = vpow2.f32 v6  }
0x17b: {  	v18 =	vld [tilespmem:s26+$0xFFFFFFF0];
	v6 =	vsub.f32 v8, v4;
	v8 =	vmul.f32 $1.442695020e+00, v11;
	v10 =	vadd.f32 v10, v12  }
0x17c: {  	v16 =	vld [tilespmem:s26+$0x0];
	v7 =	vsel vm1, v7, v15;
	v5 =	vmul.f32 $1.442695020e+00, v5;
	v12 =	vmul.f32 $1.442695020e+00, v13  }
0x17d: {  	v7 =	vsub.f32 v7, v4;
	v11 =	vld [tilespmem:s26+$0xFFFFFF90];
	(erf) = vpow2.f32 v8;
	v8 =	vmul.f32 $2.000000030e-01, v10  }
0x17e: {  	v14 =	vadd.f32 v14, v60;
	v13 =	vld [tilespmem:s22+$0xFFFFFFC0];
	vm2 =	vge.f32 v10, $0.0e+00;
	(erf) = vpow2.f32 v5  }
0x17f: {  	v5 =	vld [tilespmem:s22+$0x0];
	(erf) = vpow2.f32 v12;
	v8 =	vsel vm2, v10, v8;
	v10 =	vmul.f32 $2.000000030e-01, v9  }
0x180: {  	vm0 =	vge.f32 v9, $0.0e+00;
	v6 =	vmul.f32 $1.442695020e+00, v6;
	v12 =	vld [tilespmem:s22+$0xFFFFFFF0]  }
0x181: {  	v19 =	vld [tilespmem:s26+$0xFFFFFFE0];
	v7 =	vmul.f32 $1.442695020e+00, v7;
	v15 =	vmul.f32 $2.000000030e-01, v14;
	v9 =	vsel vm0, v9, v10  }
0x182: {  	v63 =	vld [tilespmem:s26+$0xFFFFFFD0];
	vm1 =	vge.f32 v14, $0.0e+00;
	v62 =	vsub.f32 v8, v4;
	(erf) = vpow2.f32 v6  }
0x183: {  	v8 =	vadd.f32 v11, v17;
	v10 =	vsel vm1, v14, v15;
	v15 =	vld [tilespmem:s22+$0xFFFFFFD0];
	v17 =	vsub.f32 v9, v4  }
0x184: {  	s15 =	simm.s32 $0xA7A0;
	v6 =	vadd.f32 v20, v13;
	v22 =	vmul.f32 $1.442695020e+00, v62;
	v14 =	vadd.f32 v16, v5;
	v9 =	vpop (erf)  }
0x185: {  	s3 =	simm.s32 $0xC0A0;
	v11 =	vmul.f32 $2.000000030e-01, v8;
	v16 =	vsub.f32 v10, v4;
	v5 =	vadd.f32 v18, v12;
	[tilespmem:s15+$0xFFFFFFA0] =	vst v9  }
0x186: {  	s30 =	smov.u32 s14;
	v12 =	vadd.f32 v19, v61;
	(erf) = vpow2.f32 v7;
	v7 =	vmul.f32 $2.000000030e-01, v6;
	[tilespmem:s3+$0xFFFFFFA0] =	vst v9;
	v13 =	vpop (erf)  }
0x187: {  	s16 =	simm.s32 $0x0;
	s5 =	simm.s32 $0x2BA0;
	s1 =	simm.s32 $0x8;
	v10 =	vld [tilespmem:s26+$0xFFFFFFB0];
	v19 =	vmul.f32 $1.442695020e+00, v17;
	v18 =	vmul.f32 $2.000000030e-01, v14;
	vm1 =	vge.f32 v14, $0.0e+00;
	[tilespmem:s15+$0x0] =	vst v13;
	v17 =	vpop (erf)  }
0x188: {  	s4 =	simm.s32 $0x12A0;
	s18 =	simm.s32 $0xC0A0;
	s26 =	simm.s32 $0xA7A0;
	v9 =	vld [tilespmem:s22+$0xFFFFFFB0];
	v15 =	vadd.f32 v63, v15;
	vm0 =	vge.f32 v5, $0.0e+00;
	(erf) = vpow2.f32 v22;
	[tilespmem:s3+$0x0] =	vst v13;
	v13 =	vpop (erf)  }
.LBB2_7:
0x189: {  	v20 =	vld [tilespmem:s4+$0xFFFFFF90];
	s1 =	sadd.s32 $0x8, s1;
	v16 =	vmul.f32 $1.442695020e+00, v16;
	v14 =	vsel vm1, v14, v18;
	[tilespmem:s15+$0xFFFFFF90] =	vst v17;
	s26 =	sadd.s32 $0x80, s26;
	s3 =	sadd.s32 $0x80, s3;
	(erf) = vpow2.f32 v19  }
0x18a: {  	vm1 =	vge.f32 v8, $0.0e+00;
	v21 =	vmul.f32 $2.000000030e-01, v12;
	v18 =	vld [tilespmem:s5+$0xFFFFFFA0];
	p1 =	slt.u32 s1, $0xC0;
	v19 =	vmul.f32 $2.000000030e-01, v15;
	[tilespmem:s18+$0xFFFFFF90] =	vst v17  }
0x18b: {  	vm3 =	vge.f32 v12, $0.0e+00;
	vm2 =	vge.f32 v15, $0.0e+00;
	v14 =	vsub.f32 v14, v4;
	v17 =	vld [tilespmem:s5+$0xFFFFFFC0];
	v22 =	vpop (erf)  }
0x18c: {  	v8 =	vsel vm1, v8, v11;
	v12 =	vsel vm3, v12, v21;
	v23 =	vld [tilespmem:s4+$0xFFFFFFA0];
	v11 =	vsel vm2, v15, v19;
	[tilespmem:s15+$0xFFFFFFE0] =	vst v22  }
0x18d: {  	v8 =	vsub.f32 v8, v4;
	v15 =	vld [tilespmem:s5+$0xFFFFFFF0];
	v11 =	vsub.f32 v11, v4;
	(erf) = vpow2.f32 v16;
	[tilespmem:s15+$0xFFFFFFD0] =	vst v13  }
0x18e: {  	v9 =	vadd.f32 v10, v9;
	v10 =	vsub.f32 v12, v4;
	v12 =	vmul.f32 $1.442695020e+00, v14;
	v19 =	vld [tilespmem:s5+$0xFFFFFFE0];
	[tilespmem:s18+$0xFFFFFFE0] =	vst v22  }
0x18f: {  	v22 =	vmul.f32 $1.442695020e+00, v8;
	v14 =	vld [tilespmem:s5+$0xFFFFFF90];
	v11 =	vmul.f32 $1.442695020e+00, v11;
	[tilespmem:s18+$0xFFFFFFD0] =	vst v13;
	v13 =	vpop (erf)  }
0x190: {  	vm1 =	vge.f32 v6, $0.0e+00;
	v10 =	vmul.f32 $1.442695020e+00, v10;
	v16 =	vld [tilespmem:s4+$0xFFFFFFC0];
	(erf) = vpow2.f32 v12;
	[tilespmem:s15+$0xFFFFFFC0] =	vst v13  }
0x191: {  	v21 =	vmul.f32 $2.000000030e-01, v9;
	v12 =	vadd.f32 v18, v23;
	v18 =	vld [tilespmem:s5+$0x0];
	(erf) = vpow2.f32 v22;
	[tilespmem:s18+$0xFFFFFFC0] =	vst v13;
	v8 =	vpop (erf)  }
0x192: {  	v6 =	vsel vm1, v6, v7;
	vm2 =	vge.f32 v9, $0.0e+00;
	v13 =	vld [tilespmem:s4+$0x0];
	(erf) = vpow2.f32 v11;
	[tilespmem:s15+$0xFFFFFFB0] =	vst v8;
	v7 =	vpop (erf)  }
0x193: {  	v9 =	vsel vm2, v9, v21;
	v11 =	vsub.f32 v6, v4;
	v6 =	vmul.f32 $2.000000030e-01, v5;
	v22 =	vld [tilespmem:s4+$0xFFFFFFF0];
	[tilespmem:s18+$0xFFFFFFB0] =	vst v8  }
0x194: {  	v9 =	vsub.f32 v9, v4;
	vm1 =	vge.f32 v12, $0.0e+00;
	v21 =	vmul.f32 $2.000000030e-01, v12;
	v23 =	vld [tilespmem:s4+$0xFFFFFFE0];
	[tilespmem:s15+$0xFFFFFFF0] =	vst v7;
	s15 =	smov.u32 s26  }
0x195: {  	v8 =	vadd.f32 v14, v20;
	v5 =	vsel vm0, v5, v6;
	v20 =	vld [tilespmem:s5+$0xFFFFFFD0];
	(erf) = vpow2.f32 v10;
	[tilespmem:s18+$0xFFFFFFF0] =	vst v7;
	s18 =	smov.u32 s3  }
0x196: {  	v24 =	vmul.f32 $1.442695020e+00, v9;
	v7 =	vsel vm1, v12, v21;
	v25 =	vsub.f32 v5, v4;
	v21 =	vld [tilespmem:s4+$0xFFFFFFD0];
	v12 =	vpop (erf)  }
.Ltmp2:
0x197: {  	v26 =	vmul.f32 $1.442695020e+00, v11;
	v6 =	vadd.f32 v17, v16;
	v9 =	vld [tilespmem:s4+$0xFFFFFFB0];
	v14 =	vadd.f32 v18, v13;
	[tilespmem:s26+$0xFFFFFFA0] =	vst v12;
	(pc) =	sbr.rel @p1 .LBB2_7-.Ltmp2, $4  }
0x198: {  	v11 =	vmul.f32 $2.000000030e-01, v8;
	v16 =	vsub.f32 v7, v4;
	v10 =	vld [tilespmem:s5+$0xFFFFFFB0];
	v5 =	vadd.f32 v15, v22;
	[tilespmem:s3+$0xFFFFFFA0] =	vst v12  }
0x199: {  	v12 =	vadd.f32 v19, v23;
	v18 =	vmul.f32 $2.000000030e-01, v14;
	(erf) = vpow2.f32 v26;
	v13 =	vpop (erf)  }
0x19a: {  	v7 =	vmul.f32 $2.000000030e-01, v6;
	vm1 =	vge.f32 v14, $0.0e+00;
	v19 =	vmul.f32 $1.442695020e+00, v25;
	[tilespmem:s26+$0x0] =	vst v13;
	v17 =	vpop (erf)  }
0x19b: {  	s4 =	sadd.s32 $0x80, s4;
	s5 =	sadd.s32 $0x80, s5;
	vm0 =	vge.f32 v5, $0.0e+00;
	v15 =	vadd.f32 v20, v21;
	[tilespmem:s3+$0x0] =	vst v13;
	(erf) = vpow2.f32 v24;
	v13 =	vpop (erf)  }
0x19c: {  	v16 =	vmul.f32 $1.442695020e+00, v16  }
0x19d: {  	v14 =	vsel vm1, v14, v18;
	(erf) = vpow2.f32 v19;
	vm13 =	vge.f32 v8, $0.0e+00  }
0x19e: {  	[tilespmem:s15+$0xFFFFFF90] =	vst v17;
	v19 =	vmul.f32 $2.000000030e-01, v12;
	vm3 =	vge.f32 v12, $0.0e+00;
	v14 =	vsub.f32 v14, v4  }
0x19f: {  	[tilespmem:s15+$0xFFFFFFD0] =	vst v13;
	v18 =	vmul.f32 $2.000000030e-01, v15;
	vm2 =	vge.f32 v15, $0.0e+00;
	v8 =	vsel vm13, v8, v11  }
0x1a0: {  	[tilespmem:s18+$0xFFFFFF90] =	vst v17;
	v17 =	vpop (erf);
	v8 =	vsub.f32 v8, v4;
	(erf) = vpow2.f32 v16;
	v14 =	vmul.f32 $1.442695020e+00, v14  }
0x1a1: {  	[tilespmem:s18+$0xFFFFFFD0] =	vst v13;
	v12 =	vsel vm3, v12, v19;
	v61 =	vsel vm2, v15, v18  }
0x1a2: {  	[tilespmem:s15+$0xFFFFFFE0] =	vst v17;
	v11 =	vsub.f32 v61, v4;
	v8 =	vmul.f32 $1.442695020e+00, v8;
	(erf) = vpow2.f32 v14  }
0x1a3: {  	vm14 =	vge.f32 v6, $0.0e+00;
	v9 =	vadd.f32 v10, v9;
	v12 =	vsub.f32 v12, v4;
	[tilespmem:s18+$0xFFFFFFE0] =	vst v17;
	v63 =	vpop (erf)  }
0x1a4: {  	v6 =	vsel vm14, v6, v7;
	v62 =	vmul.f32 $1.442695020e+00, v11;
	(erf) = vpow2.f32 v8;
	[tilespmem:s15+$0xFFFFFFC0] =	vst v63  }
0x1a5: {  	v6 =	vsub.f32 v6, v4;
	v13 =	vmul.f32 $2.000000030e-01, v9;
	v12 =	vmul.f32 $1.442695020e+00, v12;
	[tilespmem:s18+$0xFFFFFFC0] =	vst v63;
	v14 =	vpop (erf)  }
0x1a6: {  	vm15 =	vge.f32 v9, $0.0e+00;
	v15 =	vmul.f32 $2.000000030e-01, v5;
	(erf) = vpow2.f32 v62;
	[tilespmem:s15+$0xFFFFFFB0] =	vst v14  }
0x1a7: {  	v6 =	vmul.f32 $1.442695020e+00, v6;
	v8 =	vsel vm15, v9, v13;
	(erf) = vpow2.f32 v12;
	v7 =	vpop (erf);
	[tilespmem:s18+$0xFFFFFFB0] =	vst v14  }
0x1a8: {  	v8 =	vsub.f32 v8, v4;
	[tilespmem:s15+$0xFFFFFFF0] =	vst v7  }
0x1a9: {  	s4 =	sadd.s32 $0x80, s26;
	v5 =	vsel vm0, v5, v15;
	[tilespmem:s18+$0xFFFFFFF0] =	vst v7;
	v7 =	vpop (erf)  }
0x1aa: {  	s3 =	sadd.s32 $0x80, s3;
	v5 =	vsub.f32 v5, v4;
	v8 =	vmul.f32 $1.442695020e+00, v8;
	(erf) = vpow2.f32 v6;
	[tilespmem:s4+$0xFFFFFFA0] =	vst v7  }
0x1ab: {  	[tilespmem:s3+$0xFFFFFFA0] =	vst v7;
	v6 =	vpop (erf)  }
0x1ac: {  	v5 =	vmul.f32 $1.442695020e+00, v5;
	(erf) = vpow2.f32 v8;
	[tilespmem:s4+$0x0] =	vst v6  }
0x1ad: {  	v7 =	vpop (erf);
	[tilespmem:s3+$0x0] =	vst v6  }
0x1ae: {  	(erf) = vpow2.f32 v5;
	[tilespmem:s4+$0xFFFFFF90] =	vst v7  }
0x1af: {  	v6 =	vpop (erf);
	[tilespmem:s3+$0xFFFFFF90] =	vst v7  }
0x1b0: {  	v5 =	vpop (erf);
	[tilespmem:s4+$0xFFFFFFD0] =	vst v6  }
0x1b1: {  	[tilespmem:s4+$0xFFFFFFE0] =	vst v5  }
0x1b2: {  	[tilespmem:s3+$0xFFFFFFD0] =	vst v6  }
0x1b3: {  	[tilespmem:s3+$0xFFFFFFE0] =	vst v5;
	v5 =	vpop (erf)  }
0x1b4: {  	s1 =	simm.s32 $0x0;
	[tilespmem:s4+$0xFFFFFFC0] =	vst v5  }
0x1b5: {  	s21 =	simm.s32 $0x70;
	v6 =	vor.u32 s1, v0;
	[tilespmem:s3+$0xFFFFFFC0] =	vst v5;
	v5 =	vpop (erf)  }
0x1b6: {  	v7 =	vor.u32 s21, v0;
	[tilespmem:s4+$0xFFFFFFB0] =	vst v5  }
0x1b7: {  	s26 =	simm.s32 $0x20;
	v28 =	vpop (erf);
	[tilespmem:s3+$0xFFFFFFB0] =	vst v5  }
0x1b8: {  	s14 =	simm.s32 $0x40;
	v29 =	vor.u32 s26, v0;
	[tilespmem:s4+$0xFFFFFFF0] =	vst v28  }
0x1b9: {  	s5 =	simm.s32 $0x50;
	v31 =	vor.u32 s14, v0;
	[tilespmem:s3+$0xFFFFFFF0] =	vst v28  }
0x1ba: {  	s22 =	simm.s32 $0x60;
	v32 =	vor.u32 s5, v0;
	v6 =	vld.idx.msk [tilespmem:v6+s25+$0x0], $0xffff  }
0x1bb: {  	v34 =	vor.u32 s22, v0;
	s15 =	simm.s32 $0x6AA0;
	v7 =	vld.idx.msk [tilespmem:v7+s25+$0x0], $0xffff  }
0x1bc: {  	v33 =	vld [tilespmem:s15+$0xFFFFFFD0]  }
0x1bd: {  	v8 =	vld.idx.msk [tilespmem:v29+s25+$0x0], $0xffff  }
0x1be: {  	v10 =	vld.idx.msk [tilespmem:v31+s25+$0x0], $0xffff  }
0x1bf: {  	v11 =	vld.idx.msk [tilespmem:v32+s25+$0x0], $0xffff  }
0x1c0: {  	v36 =	vld.idx.msk [tilespmem:v34+s25+$0x0], $0xffff  }
0x1c1: {  	v37 =	vld [tilespmem:s15+$0xFFFFFE10]  }
0x1c2: {  	v38 =	vld [tilespmem:s15+$0xFFFFFFE0]  }
0x1c3: {  	v39 =	vld [tilespmem:s15+$0xFFFFFE50]  }
0x1c4: {  	v17 =	vld [tilespmem:s15+$0xFFFFFE90]  }
0x1c5: {  	v18 =	vld [tilespmem:s15+$0xFFFFFED0]  }
0x1c6: {  	v40 =	vld [tilespmem:s15+$0xFFFFFF10]  }
0x1c7: {  	s2 =	simm.s32 $0x10;
	v21 =	vld [tilespmem:s15+$0xFFFFFF50]  }
0x1c8: {  	v5 =	vor.u32 s2, v0;
	v43 =	vld [tilespmem:s15+$0xFFFFFFF0]  }
0x1c9: {  	s4 =	simm.s32 $0x30;
	v50 =	vld [tilespmem:s15+$0xFFFFFE20]  }
0x1ca: {  	v30 =	vor.u32 s4, v0;
	v51 =	vld [tilespmem:s15+$0x0]  }
0x1cb: {  	v52 =	vld [tilespmem:s15+$0xFFFFFE60]  }
0x1cc: {  	v53 =	vld [tilespmem:s15+$0xFFFFFF20]  }
0x1cd: {  	v5 =	vld.idx.msk [tilespmem:v5+s25+$0x0], $0xffff  }
0x1ce: {  	v35 =	vor.u32 s21, v1;
	v54 =	vld [tilespmem:s15+$0xFFFFFFA0]  }
0x1cf: {  	v9 =	vld.idx.msk [tilespmem:v30+s25+$0x0], $0xffff;
	v7 =	vmul.f32 v33, v7  }
0x1d0: {  	v16 =	vor.u32 s1, v1;
	v23 =	vld [tilespmem:s15+$0xFFFFFE30];
	v6 =	vmul.f32 v37, v6  }
0x1d1: {  	v41 =	vor.u32 s26, v1;
	v58 =	vld [tilespmem:s15+$0xFFFFFE70];
	[tilespmem:s15+$0xFFFFFFD0] =	vst v7  }
0x1d2: {  	v20 =	vor.u32 s2, v1;
	[tilespmem:s15+$0xFFFFFE10] =	vst v6;
	v6 =	vld [tilespmem:s15+$0xFFFFFF90];
	v5 =	vmul.f32 v39, v5  }
0x1d3: {  	v22 =	vor.u32 s4, v1;
	v8 =	vmul.f32 v17, v8;
	v7 =	vld.idx.msk [tilespmem:v35+s25+$0x0], $0xffff  }
0x1d4: {  	v60 =	vld [tilespmem:s15+$0xFFFFFEB0];
	v17 =	vor.u32 s5, v1;
	[tilespmem:s15+$0xFFFFFE50] =	vst v5;
	v5 =	vmul.f32 v18, v9  }
0x1d5: {  	[tilespmem:s15+$0xFFFFFE90] =	vst v8;
	v42 =	vld.idx.msk [tilespmem:v16+s25+$0x0], $0xffff  }
0x1d6: {  	v19 =	vor.u32 s21, v2;
	v46 =	vld.idx.msk [tilespmem:v41+s25+$0x0], $0xffff;
	[tilespmem:s15+$0xFFFFFED0] =	vst v5;
	v5 =	vmul.f32 v21, v11  }
0x1d7: {  	v18 =	vor.u32 s22, v1;
	v45 =	vld.idx.msk [tilespmem:v20+s25+$0x0], $0xffff;
	v6 =	vmul.f32 v6, v36  }
0x1d8: {  	v47 =	vld.idx.msk [tilespmem:v22+s25+$0x0], $0xffff;
	v7 =	vmul.f32 v38, v7;
	[tilespmem:s15+$0xFFFFFF50] =	vst v5  }
0x1d9: {  	[tilespmem:s15+$0xFFFFFF90] =	vst v6;
	v6 =	vld.idx.msk [tilespmem:v17+s25+$0x0], $0xffff  }
0x1da: {  	v17 =	vld [tilespmem:s15+$0xFFFFFEA0];
	[tilespmem:s15+$0xFFFFFFE0] =	vst v7  }
0x1db: {  	v7 =	vor.u32 s14, v1;
	v16 =	vld.idx.msk [tilespmem:v19+s25+$0x0], $0xffff  }
0x1dc: {  	v49 =	vld.idx.msk [tilespmem:v18+s25+$0x0], $0xffff  }
0x1dd: {  	v44 =	vmul.f32 v40, v10;
	v18 =	vld [tilespmem:s15+$0xFFFFFEE0];
	v19 =	vor.u32 s2, v2  }
0x1de: {  	v61 =	vld [tilespmem:s15+$0xFFFFFEF0];
	v20 =	vor.u32 s26, v2  }
0x1df: {  	[tilespmem:s15+$0xFFFFFF10] =	vst v44;
	v21 =	vld [tilespmem:s15+$0xFFFFFF60];
	v10 =	vmul.f32 v52, v45  }
0x1e0: {  	v11 =	vmul.f32 v17, v46;
	v5 =	vld.idx.msk [tilespmem:v7+s25+$0x0], $0xffff;
	v7 =	vmul.f32 v43, v16;
	v16 =	vor.u32 s1, v2  }
0x1e1: {  	v24 =	vld [tilespmem:s15+$0xFFFFFE40];
	v22 =	vor.u32 s4, v2;
	[tilespmem:s15+$0xFFFFFE60] =	vst v10  }
0x1e2: {  	v13 =	vmul.f32 v50, v42;
	v8 =	vmul.f32 v18, v47;
	v18 =	vld.idx.msk [tilespmem:v19+s25+$0x0], $0xffff;
	[tilespmem:s15+$0xFFFFFEA0] =	vst v11  }
0x1e3: {  	v48 =	vor.u32 s21, v3;
	v11 =	vld.idx.msk [tilespmem:v20+s25+$0x0], $0xffff  }
0x1e4: {  	[tilespmem:s15+$0xFFFFFE20] =	vst v13;
	v17 =	vor.u32 s5, v2;
	v6 =	vmul.f32 v21, v6;
	v20 =	vld [tilespmem:s15+$0xFFFFFF30]  }
0x1e5: {  	v55 =	vor.u32 s14, v2;
	[tilespmem:s15+$0xFFFFFEE0] =	vst v8;
	v16 =	vld.idx.msk [tilespmem:v16+s25+$0x0], $0xffff  }
0x1e6: {  	v56 =	vor.u32 s22, v2;
	[tilespmem:s15+$0xFFFFFF60] =	vst v6;
	v8 =	vld.idx.msk [tilespmem:v22+s25+$0x0], $0xffff;
	v5 =	vmul.f32 v53, v5  }
0x1e7: {  	[tilespmem:s15+$0xFFFFFFF0] =	vst v7;
	v22 =	vld [tilespmem:s15+$0xFFFFFF70]  }
0x1e8: {  	v59 =	vor.u32 s1, v3;
	v7 =	vld.idx.msk [tilespmem:v48+s25+$0x0], $0xffff;
	[tilespmem:s15+$0xFFFFFF20] =	vst v5;
	v5 =	vmul.f32 v54, v49  }
0x1e9: {  	v6 =	vld.idx.msk [tilespmem:v17+s25+$0x0], $0xffff  }
0x1ea: {  	v17 =	vor.u32 s2, v3;
	v57 =	vld.idx.msk [tilespmem:v55+s25+$0x0], $0xffff;
	[tilespmem:s15+$0xFFFFFFA0] =	vst v5;
	v16 =	vmul.f32 v23, v16  }
0x1eb: {  	v21 =	vor.u32 s26, v3;
	v10 =	vmul.f32 v58, v18;
	v5 =	vld.idx.msk [tilespmem:v56+s25+$0x0], $0xffff  }
0x1ec: {  	v11 =	vmul.f32 v60, v11;
	v23 =	vor.u32 s4, v3;
	[tilespmem:s15+$0xFFFFFE30] =	vst v16;
	v16 =	vld [tilespmem:s15+$0xFFFFFFB0]  }
0x1ed: {  	v18 =	vor.u32 s14, v3;
	[tilespmem:s15+$0xFFFFFE70] =	vst v10;
	v8 =	vmul.f32 v61, v8;
	v13 =	vld.idx.msk [tilespmem:v59+s25+$0x0], $0xffff  }
0x1ee: {  	v62 =	vor.u32 s5, v3;
	v25 =	vld [tilespmem:s15+$0xFFFFFE80];
	[tilespmem:s15+$0xFFFFFEB0] =	vst v11;
	v6 =	vmul.f32 v22, v6  }
0x1ef: {  	v63 =	vor.u32 s22, v3;
	v19 =	vld.idx.msk [tilespmem:v17+s25+$0x0], $0xffff;
	[tilespmem:s15+$0xFFFFFEF0] =	vst v8;
	v9 =	vmul.f32 v20, v57  }
0x1f0: {  	v7 =	vmul.f32 v51, v7;
	[tilespmem:s15+$0xFFFFFF70] =	vst v6;
	v20 =	vld.idx.msk [tilespmem:v21+s25+$0x0], $0xffff  }
0x1f1: {  	[tilespmem:s15+$0xFFFFFF30] =	vst v9;
	v21 =	vld.idx.msk [tilespmem:v23+s25+$0x0], $0xffff;
	v5 =	vmul.f32 v16, v5  }
0x1f2: {  	[tilespmem:s15+$0x0] =	vst v7;
	v22 =	vld.idx.msk [tilespmem:v18+s25+$0x0], $0xffff;
	v6 =	vmul.f32 v24, v13  }
0x1f3: {  	v24 =	vld.idx.msk [tilespmem:v62+s25+$0x0], $0xffff;
	[tilespmem:s15+$0xFFFFFFB0] =	vst v5  }
0x1f4: {  	s18 =	simm.s32 $0x6AA0;
	s3 =	simm.s32 $0x80;
	v23 =	vld.idx.msk [tilespmem:v63+s25+$0x0], $0xffff;
	[tilespmem:s15+$0xFFFFFE40] =	vst v6  }
.LBB2_9:
0x1f5: {  	v5 =	vor.u32 s3, v0;
	v26 =	vor.u32 s3, v1;
	v11 =	vor.u32 s3, v2;
	s2 =	sadd.s32 $0x10, s3;
	s1 =	sadd.s32 $0x70, s3;
	s16 =	sadd.s32 $0x8, s16;
	v27 =	vld [tilespmem:s15+$0xFFFFFEC0]  }
0x1f6: {  	s4 =	sadd.s32 $0x20, s3;
	s5 =	sadd.s32 $0x30, s3;
	v6 =	vor.u32 s2, v0;
	v28 =	vor.u32 s2, v1;
	v7 =	vor.u32 s1, v0;
	p1 =	slt.u32 s16, $0xC0;
	v29 =	vld [tilespmem:s15+$0xFFFFFF00]  }
0x1f7: {  	s21 =	sadd.s32 $0x40, s3;
	s22 =	sadd.s32 $0x50, s3;
	s26 =	sadd.s32 $0x60, s3;
	v30 =	vor.u32 s4, v0;
	v31 =	vor.u32 s4, v1;
	v32 =	vor.u32 s5, v0;
	v33 =	vld [tilespmem:s15+$0xFFFFFF40]  }
0x1f8: {  	v34 =	vor.u32 s21, v0;
	v35 =	vor.u32 s22, v0;
	v36 =	vor.u32 s26, v0;
	v37 =	vld [tilespmem:s15+$0xFFFFFF80]  }
0x1f9: {  	v38 =	vor.u32 s5, v1;
	v39 =	vor.u32 s21, v1;
	v40 =	vor.u32 s22, v1;
	v41 =	vld [tilespmem:s15+$0xFFFFFFC0]  }
0x1fa: {  	v18 =	vor.u32 s2, v2;
	v17 =	vor.u32 s4, v2;
	v43 =	vor.u32 s26, v1;
	v42 =	vld.idx.msk [tilespmem:v5+s25+$0x0], $0xffff  }
0x1fb: {  	v16 =	vor.u32 s5, v2;
	v14 =	vor.u32 s21, v2;
	v13 =	vor.u32 s22, v2;
	s15 =	sadd.s32 $0x200, s15;
	v44 =	vld.idx.msk [tilespmem:v7+s25+$0x0], $0xffff  }
0x1fc: {  	v10 =	vor.u32 s2, v3;
	v8 =	vor.u32 s4, v3;
	v15 =	vor.u32 s26, v2;
	v45 =	vld [tilespmem:s15+$0xFFFFFFD0]  }
0x1fd: {  	v9 =	vor.u32 s5, v3;
	v5 =	vor.u32 s22, v3;
	v7 =	vor.u32 s21, v3;
	v46 =	vld.idx.msk [tilespmem:v6+s25+$0x0], $0xffff  }
0x1fe: {  	v12 =	vor.u32 s3, v3;
	v19 =	vmul.f32 v25, v19;
	v6 =	vor.u32 s26, v3;
	v30 =	vld.idx.msk [tilespmem:v30+s25+$0x0], $0xffff  }
0x1ff: {  	v20 =	vmul.f32 v27, v20;
	v21 =	vmul.f32 v29, v21;
	v25 =	vld.idx.msk [tilespmem:v32+s25+$0x0], $0xffff;
	v32 =	vor.u32 s1, v1  }
0x200: {  	v27 =	vld.idx.msk [tilespmem:v34+s25+$0x0], $0xffff;
	[tilespmem:s18+$0xFFFFFE80] =	vst v19;
	v19 =	vmul.f32 v33, v22;
	v22 =	vmul.f32 v37, v24  }
0x201: {  	v24 =	vld.idx.msk [tilespmem:v35+s25+$0x0], $0xffff;
	v29 =	vmul.f32 v45, v44;
	[tilespmem:s18+$0xFFFFFEC0] =	vst v20;
	v20 =	vmul.f32 v41, v23  }
0x202: {  	v23 =	vld.idx.msk [tilespmem:v36+s25+$0x0], $0xffff;
	[tilespmem:s18+$0xFFFFFF00] =	vst v21  }
0x203: {  	v21 =	vld [tilespmem:s15+$0xFFFFFE10];
	[tilespmem:s15+$0xFFFFFFD0] =	vst v29  }
0x204: {  	v29 =	vld.idx.msk [tilespmem:v32+s25+$0x0], $0xffff;
	[tilespmem:s18+$0xFFFFFF40] =	vst v19  }
0x205: {  	v19 =	vld [tilespmem:s15+$0xFFFFFFE0];
	[tilespmem:s18+$0xFFFFFF80] =	vst v22  }
0x206: {  	v22 =	vld [tilespmem:s15+$0xFFFFFE50];
	[tilespmem:s18+$0xFFFFFFC0] =	vst v20;
	s18 =	smov.u32 s15  }
0x207: {  	v20 =	vld [tilespmem:s15+$0xFFFFFE90]  }
0x208: {  	v33 =	vor.u32 s1, v2;
	v21 =	vmul.f32 v21, v42;
	v32 =	vld [tilespmem:s15+$0xFFFFFED0]  }
0x209: {  	v34 =	vld [tilespmem:s15+$0xFFFFFF10]  }
0x20a: {  	[tilespmem:s15+$0xFFFFFE10] =	vst v21;
	v21 =	vld [tilespmem:s15+$0xFFFFFF50];
	v19 =	vmul.f32 v19, v29  }
0x20b: {  	v22 =	vmul.f32 v22, v46;
	v29 =	vld [tilespmem:s15+$0xFFFFFF90]  }
0x20c: {  	v26 =	vld.idx.msk [tilespmem:v26+s25+$0x0], $0xffff;
	v20 =	vmul.f32 v20, v30;
	[tilespmem:s15+$0xFFFFFFE0] =	vst v19  }
0x20d: {  	[tilespmem:s15+$0xFFFFFE50] =	vst v22;
	v19 =	vmul.f32 v32, v25;
	v22 =	vld.idx.msk [tilespmem:v33+s25+$0x0], $0xffff  }
0x20e: {  	[tilespmem:s15+$0xFFFFFE90] =	vst v20;
	v20 =	vmul.f32 v34, v27;
	v25 =	vld [tilespmem:s15+$0xFFFFFFF0]  }
0x20f: {  	v27 =	vld.idx.msk [tilespmem:v28+s25+$0x0], $0xffff;
	[tilespmem:s15+$0xFFFFFED0] =	vst v19;
	v19 =	vmul.f32 v21, v24  }
0x210: {  	v21 =	vld.idx.msk [tilespmem:v31+s25+$0x0], $0xffff;
	[tilespmem:s15+$0xFFFFFF10] =	vst v20;
	v20 =	vmul.f32 v29, v23  }
0x211: {  	v23 =	vld.idx.msk [tilespmem:v38+s25+$0x0], $0xffff;
	[tilespmem:s15+$0xFFFFFF50] =	vst v19;
	v19 =	vor.u32 s1, v3  }
0x212: {  	v24 =	vld.idx.msk [tilespmem:v39+s25+$0x0], $0xffff;
	[tilespmem:s15+$0xFFFFFF90] =	vst v20  }
0x213: {  	v20 =	vld.idx.msk [tilespmem:v40+s25+$0x0], $0xffff;
	v22 =	vmul.f32 v25, v22  }
0x214: {  	v25 =	vld.idx.msk [tilespmem:v43+s25+$0x0], $0xffff  }
0x215: {  	v28 =	vld [tilespmem:s15+$0xFFFFFE20];
	[tilespmem:s15+$0xFFFFFFF0] =	vst v22  }
0x216: {  	v19 =	vld.idx.msk [tilespmem:v19+s25+$0x0], $0xffff  }
0x217: {  	v22 =	vld [tilespmem:s15+$0x0]  }
0x218: {  	v29 =	vld [tilespmem:s15+$0xFFFFFE60]  }
0x219: {  	v30 =	vld [tilespmem:s15+$0xFFFFFEA0]  }
0x21a: {  	v26 =	vmul.f32 v28, v26;
	v28 =	vld [tilespmem:s15+$0xFFFFFEE0]  }
0x21b: {  	v31 =	vld [tilespmem:s15+$0xFFFFFF20]  }
0x21c: {  	[tilespmem:s15+$0xFFFFFE20] =	vst v26;
	v26 =	vld [tilespmem:s15+$0xFFFFFF60];
	v19 =	vmul.f32 v22, v19  }
0x21d: {  	v22 =	vmul.f32 v29, v27;
	v27 =	vld [tilespmem:s15+$0xFFFFFFA0]  }
0x21e: {  	v11 =	vld.idx.msk [tilespmem:v11+s25+$0x0], $0xffff;
	v21 =	vmul.f32 v30, v21;
	[tilespmem:s15+$0x0] =	vst v19  }
0x21f: {  	v19 =	vld [tilespmem:s15+$0xFFFFFE30];
	[tilespmem:s15+$0xFFFFFE60] =	vst v22;
	v22 =	vmul.f32 v28, v23  }
0x220: {  	v18 =	vld.idx.msk [tilespmem:v18+s25+$0x0], $0xffff;
	[tilespmem:s15+$0xFFFFFEA0] =	vst v21;
	v21 =	vmul.f32 v31, v24  }
0x221: {  	v17 =	vld.idx.msk [tilespmem:v17+s25+$0x0], $0xffff;
	[tilespmem:s15+$0xFFFFFEE0] =	vst v22;
	v20 =	vmul.f32 v26, v20  }
0x222: {  	v16 =	vld.idx.msk [tilespmem:v16+s25+$0x0], $0xffff;
	[tilespmem:s15+$0xFFFFFF20] =	vst v21;
	v21 =	vmul.f32 v27, v25  }
0x223: {  	v14 =	vld.idx.msk [tilespmem:v14+s25+$0x0], $0xffff;
	[tilespmem:s15+$0xFFFFFF60] =	vst v20  }
0x224: {  	v11 =	vmul.f32 v19, v11;
	v13 =	vld.idx.msk [tilespmem:v13+s25+$0x0], $0xffff;
	[tilespmem:s15+$0xFFFFFFA0] =	vst v21  }
0x225: {  	v15 =	vld.idx.msk [tilespmem:v15+s25+$0x0], $0xffff  }
0x226: {  	[tilespmem:s15+$0xFFFFFE30] =	vst v11;
	v11 =	vld [tilespmem:s15+$0xFFFFFE70]  }
0x227: {  	v19 =	vld [tilespmem:s15+$0xFFFFFEB0]  }
0x228: {  	v20 =	vld [tilespmem:s15+$0xFFFFFEF0]  }
0x229: {  	v21 =	vld [tilespmem:s15+$0xFFFFFF30]  }
0x22a: {  	v22 =	vld [tilespmem:s15+$0xFFFFFF70]  }
0x22b: {  	v11 =	vmul.f32 v11, v18;
	v18 =	vld [tilespmem:s15+$0xFFFFFFB0]  }
0x22c: {  	v12 =	vld.idx.msk [tilespmem:v12+s25+$0x0], $0xffff;
	v17 =	vmul.f32 v19, v17  }
0x22d: {  	v23 =	vld [tilespmem:s15+$0xFFFFFE40];
	[tilespmem:s15+$0xFFFFFE70] =	vst v11;
	v11 =	vmul.f32 v20, v16  }
0x22e: {  	v19 =	vld.idx.msk [tilespmem:v10+s25+$0x0], $0xffff;
	[tilespmem:s15+$0xFFFFFEB0] =	vst v17;
	v10 =	vmul.f32 v21, v14  }
0x22f: {  	v20 =	vld.idx.msk [tilespmem:v8+s25+$0x0], $0xffff;
	[tilespmem:s15+$0xFFFFFEF0] =	vst v11;
	v8 =	vmul.f32 v22, v13  }
.Ltmp3:
0x230: {  	v21 =	vld.idx.msk [tilespmem:v9+s25+$0x0], $0xffff;
	[tilespmem:s15+$0xFFFFFF30] =	vst v10;
	v9 =	vmul.f32 v18, v15;
	(pc) =	sbr.rel @p1 .LBB2_9-.Ltmp3, $4  }
0x231: {  	v22 =	vld.idx.msk [tilespmem:v7+s25+$0x0], $0xffff;
	[tilespmem:s15+$0xFFFFFF70] =	vst v8  }
0x232: {  	v7 =	vmul.f32 v23, v12;
	v24 =	vld.idx.msk [tilespmem:v5+s25+$0x0], $0xffff;
	[tilespmem:s15+$0xFFFFFFB0] =	vst v9  }
0x233: {  	v23 =	vld.idx.msk [tilespmem:v6+s25+$0x0], $0xffff  }
0x234: {  	s3 =	sadd.s32 $0x80, s3;
	[tilespmem:s15+$0xFFFFFE40] =	vst v7;
	v25 =	vld [tilespmem:s15+$0xFFFFFE80]  }
0x235: {  	v5 =	vld [tilespmem:s15+$0xFFFFFEC0]  }
0x236: {  	v6 =	vld [tilespmem:s15+$0xFFFFFF00]  }
0x237: {  	v7 =	vld [tilespmem:s15+$0xFFFFFF40]  }
0x238: {  	v8 =	vld [tilespmem:s15+$0xFFFFFF80]  }
0x239: {  	v9 =	vld [tilespmem:s15+$0xFFFFFFC0];
	v10 =	vmul.f32 v25, v19  }
0x23a: {  	v5 =	vmul.f32 v5, v20  }
0x23b: {  	v6 =	vmul.f32 v6, v21;
	[tilespmem:s18+$0xFFFFFE80] =	vst v10  }
0x23c: {  	v7 =	vmul.f32 v7, v22;
	[tilespmem:s18+$0xFFFFFEC0] =	vst v5  }
0x23d: {  	s17 =	sadd.s32 $0x1, s17;
	v5 =	vmul.f32 v8, v24;
	[tilespmem:s18+$0xFFFFFF00] =	vst v6  }
0x23e: {  	p1 =	sne.s32 s17, $0x32;
	v6 =	vmul.f32 v9, v23;
	[tilespmem:s18+$0xFFFFFF40] =	vst v7  }
.Ltmp4:
0x23f: {  	s1 =	simm.s32 @!p0 $0xC8;
	[tilespmem:s18+$0xFFFFFF80] =	vst v5;
	(pc) =	sbr.rel @p1 .LBB2_2-.Ltmp4, $4  }
0x240: {  	s2 =	simm.s32 @!p0 $0x258;
	s3 =	simm.s32 @!p0 $0xA730;
	s4 =	rddreg [dreg:$0x4];
	[tilespmem:s18+$0xFFFFFFC0] =	vst v6  }
0x241: {  	[spmem:s4] =	stream.indirect.scatter.add.f32 @!p0 [tilespmem:s3], [sflag:$0x8], $0x10, s2, s1, $0xb8;
	[tilespmem:$0x194C0] =	vst v63  }
0x242: {  	s26 =	rddreg [dreg:$0x3]  }
0x243: {  	[spmem:s26] =	stream.indirect.scatter.add.f32 [tilespmem:s19], [sflag:$0x6], $0x40, s31, s0, $0xb8;
	[tilespmem:$0x194C0] =	vst v63  }
0x244: {  	s1 =	simm.s32 $0x5  }
0x245: {  	_ =	swait.ge [sflag:s1], $0x3200  }
0x246: {  	[sflag:s1] =	ssyncset.done $0x0  }
0x247: {  	[sflag:s1] =	ssyncadd.s32 $0xFFFFCE00;
	s1 =	simm.s32 @p0 $0x6  }
0x248: {  	_ =	swait.ge @p0 [sflag:s1], $0x3200  }
0x249: {  	[sflag:s1] =	ssyncset.done @p0 $0x0  }
0x24a: {  	[sflag:s1] =	ssyncadd.s32 @p0 $0xFFFFCE00;
	s1 =	simm.s32 @!p0 $0x7  }
0x24b: {  	_ =	swait.ge @!p0 [sflag:s1], $0xC80  }
0x24c: {  	[sflag:s1] =	ssyncset.done @!p0 $0x0  }
0x24d: {  	[sflag:s1] =	ssyncadd.s32 @!p0 $0xFFFFF380;
	s1 =	simm.s32 @!p0 $0x6  }
0x24e: {  	_ =	swait.ge @!p0 [sflag:s1], $0x3200  }
0x24f: {  	[sflag:s1] =	ssyncset.done @!p0 $0x0  }
0x250: {  	[sflag:s1] =	ssyncadd.s32 @!p0 $0xFFFFCE00;
	s1 =	simm.s32 @!p0 $0x8  }
0x251: {  	_ =	swait.ge @!p0 [sflag:s1], $0xC80  }
0x252: {  	[sflag:s1] =	ssyncset.done @!p0 $0x0  }
0x253: {  	[sflag:s1] =	ssyncadd.s32 @!p0 $0xFFFFF380  }
0x254: {  	[bflag:$0x0] =	sbarrier.arrive $0xFFFF  }
0x255: {  	s15 =	rddreg [dreg:$0x9]  }
0x256: {  	s22 =	rddreg [dreg:$0x10]  }
0x257: {  	s2 =	rddreg [dreg:$0x15]  }
0x258: {  	[hbm:s22], [sflag:s15] =	dma.local [spmem:s2], $0x1400  }
0x259: {  	_ =	swait.ge [sflag:s28], $0x1400  }
0x25a: {  	[sflag:s28] =	ssyncset.done $0x0;
	s4 =	rddreg [dreg:$0xa]  }
0x25b: {  	s2 =	rddreg [dreg:$0x12];
	[sflag:s28] =	ssyncadd.s32 $0xFFFFEC00;
	s1 =	sshrl.u32 @!p0 s4, $0x3  }
0x25c: {  	[hbm:s2], [sflag:s15] =	dma.local @!p0 [spmem:s1], $0x500  }
0x25d: {  	s1 =	simm.s32 @!p0 $0x9  }
0x25e: {  	_ =	swait.ge @!p0 [sflag:s1], $0x500  }
0x25f: {  	s3 =	rddreg [dreg:$0x14]  }
0x260: {  	s26 =	rddreg [dreg:$0x13];
	s3 =	sadd.s32 $0x1, s3  }
0x261: {  	p1 =	sne.s32 s3, s26  }
.Ltmp5:
0x262: {  	_ = 	snop;
	(pc) =	sbr.rel @p1 .LBB2_1-.Ltmp5, $3  }
0x263: {  	_ =	sdelay $0x1  }
0x264: {  	[sflag:s1] =	ssyncset.done @!p0 $0x0  }
0x265: {  	[sflag:s1] =	ssyncadd.s32 @!p0 $0xFFFFFB00  }
0x266: {  	_ =	sfence.sel $0x180000  }
0x267: {  	[bflag:$0x0] =	sbarrier.arrive $0xFFFF  }
0x268: {  	_ =	strace $0x90000047  }
0x269: {  	s0 =	stileid.u32;
	[bflag:$0x2] =	sbarrier.arrive $0xFFFF  }
0x26a: {  	p0 =	sne.s32 s0, $0x0;
	s0 =	rddreg [dreg:$0x5]  }
0x26b: {  	s0 =	sadd.s32 @!p0 $0x100000, s0  }
0x26c: {  	[sflag:s0] =	ssyncadd.tile.s32 @!p0 $0x1;
	_ =	shalt  }
.Lfunc_end2:
_tile_overlayer_lowered:
.L_overlay_start_2:
0x26d: {  	(tag) =	ssettag $0x2  }
0x26e: {  	s0 =	rddreg [dreg:$0x0];
	s2 =	stileid.u32  }
0x26f: {  	s1 =	rddreg [dreg:$0x1];
	p0 =	sne.s32 s2, $0x0  }
0x270: {  	s3 =	rddreg [dreg:$0x2];
	[bflag:$0x3] =	sbarrier.arrive $0xFFFF;
	s2 =	simm.s32 @!p0 $0x1C09  }
0x271: {  	[timem:s3], [sflag:s2] =	dma.local @!p0 [hbm:s0], s1  }
0x272: {  	s0 =	simm.s32 @!p0 $0x9  }
0x273: {  	_ =	swait.ge @!p0 [sflag:s0], s1  }
0x274: {  	s1 =	ssub.s32 @!p0 $0x0, s1;
	[sflag:s0] =	ssyncset.done @!p0 $0x0  }
0x275: {  	[sflag:s0] =	ssyncadd.s32 @!p0 s1  }
0x276: {  	[bflag:$0x3] =	sbarrier.arrive $0xFFFF  }
0x277: {  	_ =	shalt  }

</sc_bundles>
